<compile_context>
chip_gen: v7x
topology: tpu7x:2x2x1
jax: 0.10.2.dev20260603
libtpu: 0.0.44.dev20260713+nightly
codegen_flags: <defaults>
</compile_context>

<pallas_src>
import jax
import jax.numpy as jnp
import numpy as np
from jax import lax
from jax.experimental import pallas as pl
from jax.experimental.pallas import tpu as pltpu
from jax.experimental.pallas import tpu_sc as plsc

_FIELD_DIM = 4000
NF = 26
D = 16
V = NF * _FIELD_DIM
B = 4096
NC, NS = 2, 16
NW = NC * NS
BPW = B // NW
NB = 4
NCHUNK = BPW // NB
NIDX = NB * NF
NROW = NF * NIDX


def _body(idx_hbm, w_hbm, fc_hbm, bias_hbm, out_hbm,
          idxv, ibx0, ibx1, rows0, rows1, fcv0, fcv1, biasv, zbuf,
          sem0, sem1):
    cid = lax.axis_index("c")
    sid = lax.axis_index("s")
    wid = sid * NC + cid
    base_b = wid * BPW

    pltpu.sync_copy(idx_hbm.at[pl.ds(base_b, BPW), :], idxv)
    pltpu.sync_copy(bias_hbm, biasv)

    lane = lax.iota(jnp.int32, 16)
    fc_mask = lane >= 6
    bias_mask = lane == 0

    def build(c, ibx):
        for bb in range(NB):
            b = c * NB + bb
            ibx[pl.ds(bb * NF, 16)] = idxv[b, pl.ds(0, 16)]
            ibx[pl.ds(bb * NF + 10, 16)] = idxv[b, pl.ds(10, 16)]

    def fire(ibx, rows, fcv, sem):
        for t in range(NF):
            pltpu.async_copy(w_hbm.at[pl.ds(t * V, V), :].at[ibx],
                             rows.at[pl.ds(t * NIDX, NIDX), :], sem)
        pltpu.async_copy(fc_hbm.at[ibx], fcv, sem)

    def drain(rows, fcv, sem):
        pltpu.make_async_copy(w_hbm.at[pl.ds(0, NROW), :], rows, sem).wait()
        pltpu.make_async_copy(fc_hbm.at[pl.ds(0, NIDX)], fcv, sem).wait()

    def compute(c, rows, fcv):
        for bb in range(NB):
            boff = bb * NF
            acc = jnp.zeros((16,), jnp.float32)
            for d in range(1, NF):
                @pl.loop(0, NF - d, init_carry=acc, unroll=4)
                def _diag(i, a, _d=d, _boff=boff):
                    return a + (rows[i * (NIDX + 1) + _d * NIDX + _boff]
                                * rows[i * (NIDX + 1) + _d + _boff])
                acc = _diag
            v0 = fcv[pl.ds(boff, 16)]
            v1 = jnp.where(fc_mask, fcv[pl.ds(boff + 10, 16)], 0.0)
            bv = jnp.where(bias_mask, biasv[...], 0.0)
            z = jnp.sum(acc + v0 + v1 + bv)
            zoff = (c // 4) * 16
            pos = (c % 4) * NB + bb
            zvec = zbuf[pl.ds(zoff, 16)]
            zbuf[pl.ds(zoff, 16)] = jnp.where(lane == pos, z, zvec)

    build(0, ibx0)
    fire(ibx0, rows0, fcv0, sem0)

    @pl.loop(0, NCHUNK // 2)
    def _pair(cp):
        c0 = cp * 2
        c1 = c0 + 1
        build(c1, ibx1)
        fire(ibx1, rows1, fcv1, sem1)
        drain(rows0, fcv0, sem0)
        compute(c0, rows0, fcv0)

        @pl.when(c1 + 1 < NCHUNK)
        def _prefetch():
            build(c1 + 1, ibx0)
            fire(ibx0, rows0, fcv0, sem0)

        drain(rows1, fcv1, sem1)
        compute(c1, rows1, fcv1)

    for k in range(BPW // 16):
        zv = zbuf[pl.ds(k * 16, 16)]
        zbuf[pl.ds(k * 16, 16)] = 1.0 / (1.0 + jnp.exp(-zv))
    pltpu.sync_copy(zbuf, out_hbm.at[pl.ds(base_b, BPW)])


NCHK = 102
CW = 1024
CWT = V - (NCHK - 1) * CW
NTASK = NF * NCHK


def _tr_body(wt_hbm, edge_hbm, out_hbm, fbuf0, fbuf1, tbuf, cbuf, ebuf, sem0, sem1):
    cid = lax.axis_index("c")
    sid = lax.axis_index("s")
    wid = sid * NC + cid

    lane = lax.iota(jnp.int32, 16)

    NFULL = NCHK - 1
    NT1 = NF * NFULL
    nround = (NT1 + NW - 1) // NW

    def fire_full(gidx, fbuf, sem):
        t = gidx // NFULL
        c0 = (gidx % NFULL) * CW
        pltpu.async_copy(wt_hbm.at[t, :, pl.ds(c0, CW)], fbuf, sem)

    def drain_full(fbuf, sem):
        pltpu.make_async_copy(wt_hbm.at[0, :, pl.ds(0, CW)], fbuf, sem).wait()

    def emit(gidx, fbuf):
        t = gidx // NFULL
        c0 = (gidx % NFULL) * CW

        @pl.loop(0, CW // 8, unroll=4)
        def _row(r):
            base = r * 8
            for s in range(8):
                vec = plsc.load_gather(fbuf, [lane, jnp.broadcast_to(base + s, (16,))])
                cbuf[r, pl.ds(16 * s, 16)] = vec
        pltpu.sync_copy(cbuf.at[pl.ds(0, CW // 8), :],
                        out_hbm.at[t, pl.ds(pl.multiple_of(c0 // 8, 8), CW // 8), :])

    @pl.when(wid < NT1)
    def _prologue():
        fire_full(wid, fbuf0, sem0)

    @pl.loop(0, nround)
    def _round(g):
        gidx = g * NW + wid
        gidx2 = gidx + NW

        @pl.when((gidx2 < NT1) & (g % 2 == 0))
        def _pf0():
            fire_full(gidx2, fbuf1, sem1)

        @pl.when((gidx2 < NT1) & (g % 2 == 1))
        def _pf1():
            fire_full(gidx2, fbuf0, sem0)

        @pl.when((gidx < NT1) & (g % 2 == 0))
        def _do0():
            drain_full(fbuf0, sem0)
            emit(gidx, fbuf0)

        @pl.when((gidx < NT1) & (g % 2 == 1))
        def _do1():
            drain_full(fbuf1, sem1)
            emit(gidx, fbuf1)

    @pl.when(wid < NF)
    def _tail():
        t = wid
        c0 = NFULL * CW
        pltpu.sync_copy(wt_hbm.at[t, :, pl.ds(c0, 512)], tbuf)

        @pl.loop(0, 512 // 8, unroll=4)
        def _row(r):
            base = r * 8
            for s in range(8):
                vec = plsc.load_gather(tbuf, [lane, jnp.broadcast_to(base + s, (16,))])
                cbuf[r, pl.ds(16 * s, 16)] = vec
        pltpu.sync_copy(cbuf.at[pl.ds(0, 512 // 8), :],
                        out_hbm.at[t, pl.ds(c0 // 8, 512 // 8), :])
        pltpu.sync_copy(edge_hbm.at[t], ebuf)
        pltpu.sync_copy(ebuf, out_hbm.at[t, pl.ds((V - 64) // 8, 8), :])


@jax.jit
def _transpose(w_t, edge_p):
    mesh = plsc.VectorSubcoreMesh(core_axis_name="c", subcore_axis_name="s",
                                  num_cores=NC, num_subcores=NS)
    return pl.kernel(
        _tr_body,
        out_type=jax.ShapeDtypeStruct((NF, V // 8, 128), jnp.float32),
        mesh=mesh,
        compiler_params=pltpu.CompilerParams(needs_layout_passes=False,
                                             use_tc_tiling_on_sc=True),
        scratch_types=[
            pltpu.VMEM((D, CW), jnp.float32),
            pltpu.VMEM((D, CW), jnp.float32),
            pltpu.VMEM((D, 512), jnp.float32),
            pltpu.VMEM((CW // 8, 128), jnp.float32),
            pltpu.VMEM((8, 128), jnp.float32),
            pltpu.SemaphoreType.DMA,
            pltpu.SemaphoreType.DMA,
        ],
    )(w_t, edge_p)


@jax.jit
def _ffm(idx, w, fc_flat, bias16):
    mesh = plsc.VectorSubcoreMesh(core_axis_name="c", subcore_axis_name="s",
                                  num_cores=NC, num_subcores=NS)
    return pl.kernel(
        _body,
        out_type=jax.ShapeDtypeStruct((B,), jnp.float32),
        mesh=mesh,
        compiler_params=pltpu.CompilerParams(needs_layout_passes=False,
                                             use_tc_tiling_on_sc=False),
        scratch_types=[
            pltpu.VMEM((BPW, NF), jnp.int32),
            pltpu.VMEM((NIDX,), jnp.int32),
            pltpu.VMEM((NIDX,), jnp.int32),
            pltpu.VMEM((NROW, D), jnp.float32),
            pltpu.VMEM((NROW, D), jnp.float32),
            pltpu.VMEM((NIDX,), jnp.float32),
            pltpu.VMEM((NIDX,), jnp.float32),
            pltpu.VMEM((16,), jnp.float32),
            pltpu.VMEM((BPW,), jnp.float32),
            pltpu.SemaphoreType.DMA,
            pltpu.SemaphoreType.DMA,
        ],
    )(idx, w, fc_flat, bias16)


def kernel(x, fc, bias, W):
    offsets = jnp.asarray(np.arange(NF, dtype=np.int32) * _FIELD_DIM)
    idx = x.astype(jnp.int32) + offsets[None, :]
    fc_flat = fc.reshape(V)
    bias16 = jnp.broadcast_to(bias.astype(jnp.float32), (16,))
    edge = W[:, V - 64:, :]
    edge_p = edge.reshape(NF, 8, 8, 16).reshape(NF, 8, 128)
    w128 = _transpose(jnp.transpose(W, (0, 2, 1)), edge_p)
    w_flat = w128.reshape(NF * V, D)
    return _ffm(idx, w_flat, fc_flat, bias16)

# --- scband reference (transcript-rebuilt; emitter-appended) ---
"""Pipeline reference for scband-field-aware-factorization-machine-model-33208687133326 (READ-ONLY COPY).

The authoritative reference and input builder live on the scoring server;
editing this copy changes nothing except your own understanding.
"""

import jax, jax.numpy as jnp
import numpy as np

FIELD_DIMS = [4000] * 26
EMBED_DIM = 16
NUM_FIELDS = len(FIELD_DIMS)
TOTAL = sum(FIELD_DIMS)
BATCH = 4096


def setup_inputs(seed: int = 0) -> dict:
    key = jax.random.key(seed)
    k1, k2, k3 = jax.random.split(key, 3)
    x = jax.random.randint(k1, (BATCH, NUM_FIELDS), 0, FIELD_DIMS[0])
    fc = jax.random.normal(k2, (TOTAL, 1), dtype=jnp.float32) * 0.01
    bias = jnp.zeros((1,), dtype=jnp.float32)
    bound = (6.0 / (TOTAL + EMBED_DIM)) ** 0.5
    W = jax.random.uniform(k3, (NUM_FIELDS, TOTAL, EMBED_DIM), dtype=jnp.float32, minval=-bound, maxval=bound)
    return {"x": x, "fc": fc, "bias": bias, "W": W}


def reference(x, fc, bias, W):
    offsets = jnp.asarray(np.array((0, *np.cumsum(FIELD_DIMS)[:-1]), dtype=np.int32))
    idx = x.astype(jnp.int32) + offsets[None, :]  # [B, F]
    # Linear first-order term: sum over fields of fc embedding + bias
    linear = jnp.sum(jnp.take(fc, idx, axis=0), axis=1) + bias  # [B, 1]
    # Field-aware embeddings: xs[i, b, j] = table i looked up with field j's index
    xs = jnp.take(W, idx, axis=1)  # [F_table, B, F_field, D]
    A = jnp.transpose(xs, (1, 0, 2, 3))  # [B, F_table, F_field, D]
    # Pair term for i<j: xs[j][:, i] * xs[i][:, j] = A[:, j, i] * A[:, i, j]
    P = A * jnp.swapaxes(A, 1, 2)  # [B, F, F, D]; symmetric in (i, j)
    tri = jnp.triu(jnp.ones((NUM_FIELDS, NUM_FIELDS), dtype=P.dtype), k=1)
    ffm_term = jnp.sum(P * tri[None, :, :, None], axis=(1, 2, 3))[:, None]  # [B, 1]
    out = jax.nn.sigmoid(jnp.squeeze(linear + ffm_term, axis=1))
    return out

if __name__ == "__main__":
    import jax
    _d = setup_inputs()
    print(jax.jit(kernel)(*tuple(_d.values())))

</pallas_src>

<mosaic_0001>
#map = affine_map<(d0, d1) -> (0, 0, 0)>
module attributes {stable_mosaic.version = 14 : i64} {
  func.func @_tr_body(%arg0: i32, %arg1: i32, %arg2: memref<26x16x104000xf32, #tpu.memory_space<hbm>>, %arg3: memref<26x8x128xf32, #tpu.memory_space<hbm>>, %arg4: memref<26x13000x128xf32, #tpu.memory_space<hbm>>, %arg5: memref<16x1024xf32, #tpu.memory_space<vmem>>, %arg6: memref<16x1024xf32, #tpu.memory_space<vmem>>, %arg7: memref<16x512xf32, #tpu.memory_space<vmem>>, %arg8: memref<128x128xf32, #tpu.memory_space<vmem>>, %arg9: memref<8x128xf32, #tpu.memory_space<vmem>>, %arg10: memref<!tpu.dma_semaphore, #tpu.memory_space<semaphore_mem>>, %arg11: memref<!tpu.dma_semaphore, #tpu.memory_space<semaphore_mem>>) attributes {dimension_semantics = [#tpu.dimension_semantics<core_parallel>, #tpu.dimension_semantics<subcore_parallel>], iteration_bounds = array<i64: 2, 16>, scalar_prefetch = 0 : i64, scratch_operands = 7 : i64, tpu.core_type = #tpu.core_type<sc_vector_subcore>, window_params = [{transform_indices = #map}, {transform_indices = #map}, {transform_indices = #map}]} {
    %mul3A = arith.constant 2 : i32
    %mul3A_0 = arith.muli %arg1, %mul3A : i32
    %add3A = arith.addi %mul3A_0, %arg0 : i32
    %iota3A = tpu.iota {dimensions = array<i32: 0>} : vector<16xi32>
    %lt3A = arith.constant 2626 : i32
    %lt3A_1 = arith.cmpi slt, %add3A, %lt3A : i32
    %convert_element_type3A = arith.extui %lt3A_1 : i1 to i32
    %cond3A = arith.constant 0 : i32
    %cond3A_2 = arith.cmpi ne, %convert_element_type3A, %cond3A : i32
    scf.if %cond3A_2 {
      %jit3A = arith.constant 101 : i32
      %div3A = arith.divsi %add3A, %jit3A : i32
      %sign3A = arith.constant 0 : i32
      %sign3A_12 = arith.cmpi sgt, %add3A, %sign3A : i32
      %sign3A_13 = arith.extui %sign3A_12 : i1 to i32
      %sign3A_14 = arith.constant 0 : i32
      %sign3A_15 = arith.cmpi slt, %add3A, %sign3A_14 : i32
      %sign3A_16 = arith.extui %sign3A_15 : i1 to i32
      %sign3A_17 = arith.subi %sign3A_13, %sign3A_16 : i32
      %sign3A_18 = arith.constant 0 : i32
      %sign3A_19 = arith.cmpi sgt, %jit3A, %sign3A_18 : i32
      %sign3A_20 = arith.extui %sign3A_19 : i1 to i32
      %sign3A_21 = arith.constant 0 : i32
      %sign3A_22 = arith.cmpi slt, %jit3A, %sign3A_21 : i32
      %sign3A_23 = arith.extui %sign3A_22 : i1 to i32
      %sign3A_24 = arith.subi %sign3A_20, %sign3A_23 : i32
      %ne3A = arith.cmpi ne, %sign3A_17, %sign3A_24 : i32
      %rem3A = arith.remsi %add3A, %jit3A : i32
      %ne3A_25 = arith.constant 0 : i32
      %ne3A_26 = arith.cmpi ne, %rem3A, %ne3A_25 : i32
      %and3A = arith.andi %ne3A, %ne3A_26 : i1
      %sub3A = arith.constant 1 : i32
      %sub3A_27 = arith.subi %div3A, %sub3A : i32
      %select_n3A = arith.select %and3A, %sub3A_27, %div3A : i32
      %jit3A_28 = arith.constant 101 : i32
      %eq3A = arith.constant 0 : i32
      %eq3A_29 = arith.cmpi eq, %jit3A_28, %eq3A : i32
      %jit3A_30 = arith.constant 1 : i32
      %select_n3A_31 = arith.select %eq3A_29, %jit3A_30, %jit3A_28 : i32
      %rem3A_32 = arith.remsi %add3A, %select_n3A_31 : i32
      %ne3A_33 = arith.constant 0 : i32
      %ne3A_34 = arith.cmpi ne, %rem3A_32, %ne3A_33 : i32
      %lt3A_35 = arith.constant 0 : i32
      %lt3A_36 = arith.cmpi slt, %rem3A_32, %lt3A_35 : i32
      %lt3A_37 = arith.constant 0 : i32
      %lt3A_38 = arith.cmpi slt, %select_n3A_31, %lt3A_37 : i32
      %ne3A_39 = arith.xori %lt3A_36, %lt3A_38 : i1
      %and3A_40 = arith.andi %ne3A_39, %ne3A_34 : i1
      %add3A_41 = arith.addi %rem3A_32, %select_n3A_31 : i32
      %select_n3A_42 = arith.select %and3A_40, %add3A_41, %rem3A_32 : i32
      %mul3A_43 = arith.constant 1024 : i32
      %mul3A_44 = arith.muli %select_n3A_42, %mul3A_43 : i32
      %dma_start3A = arith.constant 0 : i32
      %dma_start3A_45 = tpu.memref_slice %arg2[%select_n3A, %dma_start3A, %mul3A_44] : memref<26x16x104000xf32, #tpu.memory_space<hbm>> -> memref<1x16x1024xf32, #tpu.memory_space<hbm>>
      %dma_start3A_46 = tpu.memref_squeeze %dma_start3A_45 : memref<1x16x1024xf32, #tpu.memory_space<hbm>> -> memref<16x1024xf32, #tpu.memory_space<hbm>>
      %dma_start3A_47 = arith.constant 0 : i32
      %dma_start3A_48 = tpu.memref_slice %arg2[%select_n3A, %dma_start3A_47, %mul3A_44] : memref<26x16x104000xf32, #tpu.memory_space<hbm>> -> memref<1x16x1024xf32, #tpu.memory_space<hbm>>
      %dma_start3A_49 = tpu.memref_squeeze %dma_start3A_48 : memref<1x16x1024xf32, #tpu.memory_space<hbm>> -> memref<16x1024xf32, #tpu.memory_space<hbm>>
      tpu.enqueue_dma source(%dma_start3A_49 : memref<16x1024xf32, #tpu.memory_space<hbm>>) target(%arg5 : memref<16x1024xf32, #tpu.memory_space<vmem>>) target_semaphore(%arg10 : memref<!tpu.dma_semaphore, #tpu.memory_space<semaphore_mem>>)
    } else {
    }
    %scan3A = arith.constant 0 : i32
    %scan3A_3 = arith.constant 83 : i32
    %scan3A_4 = arith.addi %scan3A, %scan3A_3 : i32
    %scan3A_5 = arith.constant 1 : i32
    scf.for %scan3A_12 = %scan3A to %scan3A_4 step %scan3A_5  : i32 {
      %mul3A_13 = arith.constant 1 : i32
      %mul3A_14 = arith.muli %scan3A_12, %mul3A_13 : i32
      %add3A_15 = arith.constant 0 : i32
      %add3A_16 = arith.addi %add3A_15, %mul3A_14 : i32
      %mul3A_17 = arith.constant 32 : i32
      %mul3A_18 = arith.muli %add3A_16, %mul3A_17 : i32
      %add3A_19 = arith.addi %mul3A_18, %add3A : i32
      %add3A_20 = arith.constant 32 : i32
      %add3A_21 = arith.addi %add3A_19, %add3A_20 : i32
      %lt3A_22 = arith.constant 2626 : i32
      %lt3A_23 = arith.cmpi slt, %add3A_21, %lt3A_22 : i32
      %jit3A = arith.constant 2 : i32
      %eq3A = arith.constant 0 : i32
      %eq3A_24 = arith.cmpi eq, %jit3A, %eq3A : i32
      %jit3A_25 = arith.constant 1 : i32
      %select_n3A = arith.select %eq3A_24, %jit3A_25, %jit3A : i32
      %rem3A = arith.remsi %add3A_16, %select_n3A : i32
      %ne3A = arith.constant 0 : i32
      %ne3A_26 = arith.cmpi ne, %rem3A, %ne3A : i32
      %lt3A_27 = arith.constant 0 : i32
      %lt3A_28 = arith.cmpi slt, %rem3A, %lt3A_27 : i32
      %lt3A_29 = arith.constant 0 : i32
      %lt3A_30 = arith.cmpi slt, %select_n3A, %lt3A_29 : i32
      %ne3A_31 = arith.xori %lt3A_28, %lt3A_30 : i1
      %and3A = arith.andi %ne3A_31, %ne3A_26 : i1
      %add3A_32 = arith.addi %rem3A, %select_n3A : i32
      %select_n3A_33 = arith.select %and3A, %add3A_32, %rem3A : i32
      %eq3A_34 = arith.constant 0 : i32
      %eq3A_35 = arith.cmpi eq, %select_n3A_33, %eq3A_34 : i32
      %and3A_36 = arith.andi %lt3A_23, %eq3A_35 : i1
      %convert_element_type3A_37 = arith.extui %and3A_36 : i1 to i32
      %cond3A_38 = arith.constant 0 : i32
      %cond3A_39 = arith.cmpi ne, %convert_element_type3A_37, %cond3A_38 : i32
      scf.if %cond3A_39 {
        %jit3A_112 = arith.constant 101 : i32
        %div3A = arith.divsi %add3A_21, %jit3A_112 : i32
        %sign3A = arith.constant 0 : i32
        %sign3A_113 = arith.cmpi sgt, %add3A_21, %sign3A : i32
        %sign3A_114 = arith.extui %sign3A_113 : i1 to i32
        %sign3A_115 = arith.constant 0 : i32
        %sign3A_116 = arith.cmpi slt, %add3A_21, %sign3A_115 : i32
        %sign3A_117 = arith.extui %sign3A_116 : i1 to i32
        %sign3A_118 = arith.subi %sign3A_114, %sign3A_117 : i32
        %sign3A_119 = arith.constant 0 : i32
        %sign3A_120 = arith.cmpi sgt, %jit3A_112, %sign3A_119 : i32
        %sign3A_121 = arith.extui %sign3A_120 : i1 to i32
        %sign3A_122 = arith.constant 0 : i32
        %sign3A_123 = arith.cmpi slt, %jit3A_112, %sign3A_122 : i32
        %sign3A_124 = arith.extui %sign3A_123 : i1 to i32
        %sign3A_125 = arith.subi %sign3A_121, %sign3A_124 : i32
        %ne3A_126 = arith.cmpi ne, %sign3A_118, %sign3A_125 : i32
        %rem3A_127 = arith.remsi %add3A_21, %jit3A_112 : i32
        %ne3A_128 = arith.constant 0 : i32
        %ne3A_129 = arith.cmpi ne, %rem3A_127, %ne3A_128 : i32
        %and3A_130 = arith.andi %ne3A_126, %ne3A_129 : i1
        %sub3A = arith.constant 1 : i32
        %sub3A_131 = arith.subi %div3A, %sub3A : i32
        %select_n3A_132 = arith.select %and3A_130, %sub3A_131, %div3A : i32
        %jit3A_133 = arith.constant 101 : i32
        %eq3A_134 = arith.constant 0 : i32
        %eq3A_135 = arith.cmpi eq, %jit3A_133, %eq3A_134 : i32
        %jit3A_136 = arith.constant 1 : i32
        %select_n3A_137 = arith.select %eq3A_135, %jit3A_136, %jit3A_133 : i32
        %rem3A_138 = arith.remsi %add3A_21, %select_n3A_137 : i32
        %ne3A_139 = arith.constant 0 : i32
        %ne3A_140 = arith.cmpi ne, %rem3A_138, %ne3A_139 : i32
        %lt3A_141 = arith.constant 0 : i32
        %lt3A_142 = arith.cmpi slt, %rem3A_138, %lt3A_141 : i32
        %lt3A_143 = arith.constant 0 : i32
        %lt3A_144 = arith.cmpi slt, %select_n3A_137, %lt3A_143 : i32
        %ne3A_145 = arith.xori %lt3A_142, %lt3A_144 : i1
        %and3A_146 = arith.andi %ne3A_145, %ne3A_140 : i1
        %add3A_147 = arith.addi %rem3A_138, %select_n3A_137 : i32
        %select_n3A_148 = arith.select %and3A_146, %add3A_147, %rem3A_138 : i32
        %mul3A_149 = arith.constant 1024 : i32
        %mul3A_150 = arith.muli %select_n3A_148, %mul3A_149 : i32
        %dma_start3A = arith.constant 0 : i32
        %dma_start3A_151 = tpu.memref_slice %arg2[%select_n3A_132, %dma_start3A, %mul3A_150] : memref<26x16x104000xf32, #tpu.memory_space<hbm>> -> memref<1x16x1024xf32, #tpu.memory_space<hbm>>
        %dma_start3A_152 = tpu.memref_squeeze %dma_start3A_151 : memref<1x16x1024xf32, #tpu.memory_space<hbm>> -> memref<16x1024xf32, #tpu.memory_space<hbm>>
        %dma_start3A_153 = arith.constant 0 : i32
        %dma_start3A_154 = tpu.memref_slice %arg2[%select_n3A_132, %dma_start3A_153, %mul3A_150] : memref<26x16x104000xf32, #tpu.memory_space<hbm>> -> memref<1x16x1024xf32, #tpu.memory_space<hbm>>
        %dma_start3A_155 = tpu.memref_squeeze %dma_start3A_154 : memref<1x16x1024xf32, #tpu.memory_space<hbm>> -> memref<16x1024xf32, #tpu.memory_space<hbm>>
        tpu.enqueue_dma source(%dma_start3A_155 : memref<16x1024xf32, #tpu.memory_space<hbm>>) target(%arg6 : memref<16x1024xf32, #tpu.memory_space<vmem>>) target_semaphore(%arg11 : memref<!tpu.dma_semaphore, #tpu.memory_space<semaphore_mem>>)
      } else {
      }
      %lt3A_40 = arith.constant 2626 : i32
      %lt3A_41 = arith.cmpi slt, %add3A_21, %lt3A_40 : i32
      %jit3A_42 = arith.constant 2 : i32
      %eq3A_43 = arith.constant 0 : i32
      %eq3A_44 = arith.cmpi eq, %jit3A_42, %eq3A_43 : i32
      %jit3A_45 = arith.constant 1 : i32
      %select_n3A_46 = arith.select %eq3A_44, %jit3A_45, %jit3A_42 : i32
      %rem3A_47 = arith.remsi %add3A_16, %select_n3A_46 : i32
      %ne3A_48 = arith.constant 0 : i32
      %ne3A_49 = arith.cmpi ne, %rem3A_47, %ne3A_48 : i32
      %lt3A_50 = arith.constant 0 : i32
      %lt3A_51 = arith.cmpi slt, %rem3A_47, %lt3A_50 : i32
      %lt3A_52 = arith.constant 0 : i32
      %lt3A_53 = arith.cmpi slt, %select_n3A_46, %lt3A_52 : i32
      %ne3A_54 = arith.xori %lt3A_51, %lt3A_53 : i1
      %and3A_55 = arith.andi %ne3A_54, %ne3A_49 : i1
      %add3A_56 = arith.addi %rem3A_47, %select_n3A_46 : i32
      %select_n3A_57 = arith.select %and3A_55, %add3A_56, %rem3A_47 : i32
      %eq3A_58 = arith.constant 1 : i32
      %eq3A_59 = arith.cmpi eq, %select_n3A_57, %eq3A_58 : i32
      %and3A_60 = arith.andi %lt3A_41, %eq3A_59 : i1
      %convert_element_type3A_61 = arith.extui %and3A_60 : i1 to i32
      %cond3A_62 = arith.constant 0 : i32
      %cond3A_63 = arith.cmpi ne, %convert_element_type3A_61, %cond3A_62 : i32
      scf.if %cond3A_63 {
        %jit3A_112 = arith.constant 101 : i32
        %div3A = arith.divsi %add3A_21, %jit3A_112 : i32
        %sign3A = arith.constant 0 : i32
        %sign3A_113 = arith.cmpi sgt, %add3A_21, %sign3A : i32
        %sign3A_114 = arith.extui %sign3A_113 : i1 to i32
        %sign3A_115 = arith.constant 0 : i32
        %sign3A_116 = arith.cmpi slt, %add3A_21, %sign3A_115 : i32
        %sign3A_117 = arith.extui %sign3A_116 : i1 to i32
        %sign3A_118 = arith.subi %sign3A_114, %sign3A_117 : i32
        %sign3A_119 = arith.constant 0 : i32
        %sign3A_120 = arith.cmpi sgt, %jit3A_112, %sign3A_119 : i32
        %sign3A_121 = arith.extui %sign3A_120 : i1 to i32
        %sign3A_122 = arith.constant 0 : i32
        %sign3A_123 = arith.cmpi slt, %jit3A_112, %sign3A_122 : i32
        %sign3A_124 = arith.extui %sign3A_123 : i1 to i32
        %sign3A_125 = arith.subi %sign3A_121, %sign3A_124 : i32
        %ne3A_126 = arith.cmpi ne, %sign3A_118, %sign3A_125 : i32
        %rem3A_127 = arith.remsi %add3A_21, %jit3A_112 : i32
        %ne3A_128 = arith.constant 0 : i32
        %ne3A_129 = arith.cmpi ne, %rem3A_127, %ne3A_128 : i32
        %and3A_130 = arith.andi %ne3A_126, %ne3A_129 : i1
        %sub3A = arith.constant 1 : i32
        %sub3A_131 = arith.subi %div3A, %sub3A : i32
        %select_n3A_132 = arith.select %and3A_130, %sub3A_131, %div3A : i32
        %jit3A_133 = arith.constant 101 : i32
        %eq3A_134 = arith.constant 0 : i32
        %eq3A_135 = arith.cmpi eq, %jit3A_133, %eq3A_134 : i32
        %jit3A_136 = arith.constant 1 : i32
        %select_n3A_137 = arith.select %eq3A_135, %jit3A_136, %jit3A_133 : i32
        %rem3A_138 = arith.remsi %add3A_21, %select_n3A_137 : i32
        %ne3A_139 = arith.constant 0 : i32
        %ne3A_140 = arith.cmpi ne, %rem3A_138, %ne3A_139 : i32
        %lt3A_141 = arith.constant 0 : i32
        %lt3A_142 = arith.cmpi slt, %rem3A_138, %lt3A_141 : i32
        %lt3A_143 = arith.constant 0 : i32
        %lt3A_144 = arith.cmpi slt, %select_n3A_137, %lt3A_143 : i32
        %ne3A_145 = arith.xori %lt3A_142, %lt3A_144 : i1
        %and3A_146 = arith.andi %ne3A_145, %ne3A_140 : i1
        %add3A_147 = arith.addi %rem3A_138, %select_n3A_137 : i32
        %select_n3A_148 = arith.select %and3A_146, %add3A_147, %rem3A_138 : i32
        %mul3A_149 = arith.constant 1024 : i32
        %mul3A_150 = arith.muli %select_n3A_148, %mul3A_149 : i32
        %dma_start3A = arith.constant 0 : i32
        %dma_start3A_151 = tpu.memref_slice %arg2[%select_n3A_132, %dma_start3A, %mul3A_150] : memref<26x16x104000xf32, #tpu.memory_space<hbm>> -> memref<1x16x1024xf32, #tpu.memory_space<hbm>>
        %dma_start3A_152 = tpu.memref_squeeze %dma_start3A_151 : memref<1x16x1024xf32, #tpu.memory_space<hbm>> -> memref<16x1024xf32, #tpu.memory_space<hbm>>
        %dma_start3A_153 = arith.constant 0 : i32
        %dma_start3A_154 = tpu.memref_slice %arg2[%select_n3A_132, %dma_start3A_153, %mul3A_150] : memref<26x16x104000xf32, #tpu.memory_space<hbm>> -> memref<1x16x1024xf32, #tpu.memory_space<hbm>>
        %dma_start3A_155 = tpu.memref_squeeze %dma_start3A_154 : memref<1x16x1024xf32, #tpu.memory_space<hbm>> -> memref<16x1024xf32, #tpu.memory_space<hbm>>
        tpu.enqueue_dma source(%dma_start3A_155 : memref<16x1024xf32, #tpu.memory_space<hbm>>) target(%arg5 : memref<16x1024xf32, #tpu.memory_space<vmem>>) target_semaphore(%arg10 : memref<!tpu.dma_semaphore, #tpu.memory_space<semaphore_mem>>)
      } else {
      }
      %lt3A_64 = arith.constant 2626 : i32
      %lt3A_65 = arith.cmpi slt, %add3A_19, %lt3A_64 : i32
      %jit3A_66 = arith.constant 2 : i32
      %eq3A_67 = arith.constant 0 : i32
      %eq3A_68 = arith.cmpi eq, %jit3A_66, %eq3A_67 : i32
      %jit3A_69 = arith.constant 1 : i32
      %select_n3A_70 = arith.select %eq3A_68, %jit3A_69, %jit3A_66 : i32
      %rem3A_71 = arith.remsi %add3A_16, %select_n3A_70 : i32
      %ne3A_72 = arith.constant 0 : i32
      %ne3A_73 = arith.cmpi ne, %rem3A_71, %ne3A_72 : i32
      %lt3A_74 = arith.constant 0 : i32
      %lt3A_75 = arith.cmpi slt, %rem3A_71, %lt3A_74 : i32
      %lt3A_76 = arith.constant 0 : i32
      %lt3A_77 = arith.cmpi slt, %select_n3A_70, %lt3A_76 : i32
      %ne3A_78 = arith.xori %lt3A_75, %lt3A_77 : i1
      %and3A_79 = arith.andi %ne3A_78, %ne3A_73 : i1
      %add3A_80 = arith.addi %rem3A_71, %select_n3A_70 : i32
      %select_n3A_81 = arith.select %and3A_79, %add3A_80, %rem3A_71 : i32
      %eq3A_82 = arith.constant 0 : i32
      %eq3A_83 = arith.cmpi eq, %select_n3A_81, %eq3A_82 : i32
      %and3A_84 = arith.andi %lt3A_65, %eq3A_83 : i1
      %convert_element_type3A_85 = arith.extui %and3A_84 : i1 to i32
      %cond3A_86 = arith.constant 0 : i32
      %cond3A_87 = arith.cmpi ne, %convert_element_type3A_85, %cond3A_86 : i32
      scf.if %cond3A_87 {
        %dma_wait3A = arith.constant 0 : i32
        %dma_wait3A_112 = arith.constant 0 : i32
        %dma_wait3A_113 = arith.constant 0 : i32
        %dma_wait3A_114 = tpu.memref_slice %arg2[%dma_wait3A, %dma_wait3A_112, %dma_wait3A_113] : memref<26x16x104000xf32, #tpu.memory_space<hbm>> -> memref<1x16x1024xf32, #tpu.memory_space<hbm>>
        %dma_wait3A_115 = tpu.memref_squeeze %dma_wait3A_114 : memref<1x16x1024xf32, #tpu.memory_space<hbm>> -> memref<16x1024xf32, #tpu.memory_space<hbm>>
        %dma_wait3A_116 = arith.constant 0 : i32
        %dma_wait3A_117 = arith.constant 0 : i32
        %dma_wait3A_118 = tpu.memref_slice %arg2[%dma_wait3A, %dma_wait3A_116, %dma_wait3A_117] : memref<26x16x104000xf32, #tpu.memory_space<hbm>> -> memref<1x16x1024xf32, #tpu.memory_space<hbm>>
        %dma_wait3A_119 = tpu.memref_squeeze %dma_wait3A_118 : memref<1x16x1024xf32, #tpu.memory_space<hbm>> -> memref<16x1024xf32, #tpu.memory_space<hbm>>
        tpu.wait_dma2 semaphore(%arg10 : memref<!tpu.dma_semaphore, #tpu.memory_space<semaphore_mem>>) src(%dma_wait3A_119 : memref<16x1024xf32, #tpu.memory_space<hbm>>) dst(%arg5 : memref<16x1024xf32, #tpu.memory_space<vmem>>)
        %jit3A_120 = arith.constant 101 : i32
        %div3A = arith.divsi %add3A_19, %jit3A_120 : i32
        %sign3A = arith.constant 0 : i32
        %sign3A_121 = arith.cmpi sgt, %add3A_19, %sign3A : i32
        %sign3A_122 = arith.extui %sign3A_121 : i1 to i32
        %sign3A_123 = arith.constant 0 : i32
        %sign3A_124 = arith.cmpi slt, %add3A_19, %sign3A_123 : i32
        %sign3A_125 = arith.extui %sign3A_124 : i1 to i32
        %sign3A_126 = arith.subi %sign3A_122, %sign3A_125 : i32
        %sign3A_127 = arith.constant 0 : i32
        %sign3A_128 = arith.cmpi sgt, %jit3A_120, %sign3A_127 : i32
        %sign3A_129 = arith.extui %sign3A_128 : i1 to i32
        %sign3A_130 = arith.constant 0 : i32
        %sign3A_131 = arith.cmpi slt, %jit3A_120, %sign3A_130 : i32
        %sign3A_132 = arith.extui %sign3A_131 : i1 to i32
        %sign3A_133 = arith.subi %sign3A_129, %sign3A_132 : i32
        %ne3A_134 = arith.cmpi ne, %sign3A_126, %sign3A_133 : i32
        %rem3A_135 = arith.remsi %add3A_19, %jit3A_120 : i32
        %ne3A_136 = arith.constant 0 : i32
        %ne3A_137 = arith.cmpi ne, %rem3A_135, %ne3A_136 : i32
        %and3A_138 = arith.andi %ne3A_134, %ne3A_137 : i1
        %sub3A = arith.constant 1 : i32
        %sub3A_139 = arith.subi %div3A, %sub3A : i32
        %select_n3A_140 = arith.select %and3A_138, %sub3A_139, %div3A : i32
        %jit3A_141 = arith.constant 101 : i32
        %eq3A_142 = arith.constant 0 : i32
        %eq3A_143 = arith.cmpi eq, %jit3A_141, %eq3A_142 : i32
        %jit3A_144 = arith.constant 1 : i32
        %select_n3A_145 = arith.select %eq3A_143, %jit3A_144, %jit3A_141 : i32
        %rem3A_146 = arith.remsi %add3A_19, %select_n3A_145 : i32
        %ne3A_147 = arith.constant 0 : i32
        %ne3A_148 = arith.cmpi ne, %rem3A_146, %ne3A_147 : i32
        %lt3A_149 = arith.constant 0 : i32
        %lt3A_150 = arith.cmpi slt, %rem3A_146, %lt3A_149 : i32
        %lt3A_151 = arith.constant 0 : i32
        %lt3A_152 = arith.cmpi slt, %select_n3A_145, %lt3A_151 : i32
        %ne3A_153 = arith.xori %lt3A_150, %lt3A_152 : i1
        %and3A_154 = arith.andi %ne3A_153, %ne3A_148 : i1
        %add3A_155 = arith.addi %rem3A_146, %select_n3A_145 : i32
        %select_n3A_156 = arith.select %and3A_154, %add3A_155, %rem3A_146 : i32
        %mul3A_157 = arith.constant 1024 : i32
        %mul3A_158 = arith.muli %select_n3A_156, %mul3A_157 : i32
        %scan3A_159 = arith.constant 0 : i32
        %scan3A_160 = arith.constant 128 : i32
        %scan3A_161 = arith.addi %scan3A_159, %scan3A_160 : i32
        %scan3A_162 = arith.constant 4 : i32
        scf.for %scan3A_188 = %scan3A_159 to %scan3A_161 step %scan3A_162  : i32 {
          %mul3A_189 = arith.constant 1 : i32
          %mul3A_190 = arith.muli %scan3A_188, %mul3A_189 : i32
          %add3A_191 = arith.constant 0 : i32
          %add3A_192 = arith.addi %add3A_191, %mul3A_190 : i32
          %mul3A_193 = arith.constant 8 : i32
          %mul3A_194 = arith.muli %add3A_192, %mul3A_193 : i32
          %add3A_195 = arith.constant 0 : i32
          %add3A_196 = arith.addi %mul3A_194, %add3A_195 : i32
          %broadcast_in_dim3A = vector.broadcast %add3A_196 : i32 to vector<16xi32>
          %gather3A = tpu.vector_load_idx %arg5[%iota3A, %broadcast_in_dim3A] : memref<16x1024xf32, #tpu.memory_space<vmem>>[vector<16xi32>, vector<16xi32>], vector<16xf32>,
          %swap3A = arith.index_cast %add3A_192 : i32 to index
          %swap3A_197 = arith.constant 0 : index
          %swap3A_198 = tpu.vector_load %arg8[%swap3A, %swap3A_197] {strides = array<i32>} : memref<128x128xf32, #tpu.memory_space<vmem>>, vector<16xf32>,
          tpu.vector_store %arg8[%swap3A, %swap3A_197], %gather3A {strides = array<i32>} : memref<128x128xf32, #tpu.memory_space<vmem>>, vector<16xf32>,
          %add3A_199 = arith.constant 1 : i32
          %add3A_200 = arith.addi %mul3A_194, %add3A_199 : i32
          %broadcast_in_dim3A_201 = vector.broadcast %add3A_200 : i32 to vector<16xi32>
          %gather3A_202 = tpu.vector_load_idx %arg5[%iota3A, %broadcast_in_dim3A_201] : memref<16x1024xf32, #tpu.memory_space<vmem>>[vector<16xi32>, vector<16xi32>], vector<16xf32>,
          %swap3A_203 = arith.index_cast %add3A_192 : i32 to index
          %swap3A_204 = arith.constant 16 : index
          %swap3A_205 = tpu.vector_load %arg8[%swap3A_203, %swap3A_204] {strides = array<i32>} : memref<128x128xf32, #tpu.memory_space<vmem>>, vector<16xf32>,
          tpu.vector_store %arg8[%swap3A_203, %swap3A_204], %gather3A_202 {strides = array<i32>} : memref<128x128xf32, #tpu.memory_space<vmem>>, vector<16xf32>,
          %add3A_206 = arith.constant 2 : i32
          %add3A_207 = arith.addi %mul3A_194, %add3A_206 : i32
          %broadcast_in_dim3A_208 = vector.broadcast %add3A_207 : i32 to vector<16xi32>
          %gather3A_209 = tpu.vector_load_idx %arg5[%iota3A, %broadcast_in_dim3A_208] : memref<16x1024xf32, #tpu.memory_space<vmem>>[vector<16xi32>, vector<16xi32>], vector<16xf32>,
          %swap3A_210 = arith.index_cast %add3A_192 : i32 to index
          %swap3A_211 = arith.constant 32 : index
          %swap3A_212 = tpu.vector_load %arg8[%swap3A_210, %swap3A_211] {strides = array<i32>} : memref<128x128xf32, #tpu.memory_space<vmem>>, vector<16xf32>,
          tpu.vector_store %arg8[%swap3A_210, %swap3A_211], %gather3A_209 {strides = array<i32>} : memref<128x128xf32, #tpu.memory_space<vmem>>, vector<16xf32>,
          %add3A_213 = arith.constant 3 : i32
          %add3A_214 = arith.addi %mul3A_194, %add3A_213 : i32
          %broadcast_in_dim3A_215 = vector.broadcast %add3A_214 : i32 to vector<16xi32>
          %gather3A_216 = tpu.vector_load_idx %arg5[%iota3A, %broadcast_in_dim3A_215] : memref<16x1024xf32, #tpu.memory_space<vmem>>[vector<16xi32>, vector<16xi32>], vector<16xf32>,
          %swap3A_217 = arith.index_cast %add3A_192 : i32 to index
          %swap3A_218 = arith.constant 48 : index
          %swap3A_219 = tpu.vector_load %arg8[%swap3A_217, %swap3A_218] {strides = array<i32>} : memref<128x128xf32, #tpu.memory_space<vmem>>, vector<16xf32>,
          tpu.vector_store %arg8[%swap3A_217, %swap3A_218], %gather3A_216 {strides = array<i32>} : memref<128x128xf32, #tpu.memory_space<vmem>>, vector<16xf32>,
          %add3A_220 = arith.constant 4 : i32
          %add3A_221 = arith.addi %mul3A_194, %add3A_220 : i32
          %broadcast_in_dim3A_222 = vector.broadcast %add3A_221 : i32 to vector<16xi32>
          %gather3A_223 = tpu.vector_load_idx %arg5[%iota3A, %broadcast_in_dim3A_222] : memref<16x1024xf32, #tpu.memory_space<vmem>>[vector<16xi32>, vector<16xi32>], vector<16xf32>,
          %swap3A_224 = arith.index_cast %add3A_192 : i32 to index
          %swap3A_225 = arith.constant 64 : index
          %swap3A_226 = tpu.vector_load %arg8[%swap3A_224, %swap3A_225] {strides = array<i32>} : memref<128x128xf32, #tpu.memory_space<vmem>>, vector<16xf32>,
          tpu.vector_store %arg8[%swap3A_224, %swap3A_225], %gather3A_223 {strides = array<i32>} : memref<128x128xf32, #tpu.memory_space<vmem>>, vector<16xf32>,
          %add3A_227 = arith.constant 5 : i32
          %add3A_228 = arith.addi %mul3A_194, %add3A_227 : i32
          %broadcast_in_dim3A_229 = vector.broadcast %add3A_228 : i32 to vector<16xi32>
          %gather3A_230 = tpu.vector_load_idx %arg5[%iota3A, %broadcast_in_dim3A_229] : memref<16x1024xf32, #tpu.memory_space<vmem>>[vector<16xi32>, vector<16xi32>], vector<16xf32>,
          %swap3A_231 = arith.index_cast %add3A_192 : i32 to index
          %swap3A_232 = arith.constant 80 : index
          %swap3A_233 = tpu.vector_load %arg8[%swap3A_231, %swap3A_232] {strides = array<i32>} : memref<128x128xf32, #tpu.memory_space<vmem>>, vector<16xf32>,
          tpu.vector_store %arg8[%swap3A_231, %swap3A_232], %gather3A_230 {strides = array<i32>} : memref<128x128xf32, #tpu.memory_space<vmem>>, vector<16xf32>,
          %add3A_234 = arith.constant 6 : i32
          %add3A_235 = arith.addi %mul3A_194, %add3A_234 : i32
          %broadcast_in_dim3A_236 = vector.broadcast %add3A_235 : i32 to vector<16xi32>
          %gather3A_237 = tpu.vector_load_idx %arg5[%iota3A, %broadcast_in_dim3A_236] : memref<16x1024xf32, #tpu.memory_space<vmem>>[vector<16xi32>, vector<16xi32>], vector<16xf32>,
          %swap3A_238 = arith.index_cast %add3A_192 : i32 to index
          %swap3A_239 = arith.constant 96 : index
          %swap3A_240 = tpu.vector_load %arg8[%swap3A_238, %swap3A_239] {strides = array<i32>} : memref<128x128xf32, #tpu.memory_space<vmem>>, vector<16xf32>,
          tpu.vector_store %arg8[%swap3A_238, %swap3A_239], %gather3A_237 {strides = array<i32>} : memref<128x128xf32, #tpu.memory_space<vmem>>, vector<16xf32>,
          %add3A_241 = arith.constant 7 : i32
          %add3A_242 = arith.addi %mul3A_194, %add3A_241 : i32
          %broadcast_in_dim3A_243 = vector.broadcast %add3A_242 : i32 to vector<16xi32>
          %gather3A_244 = tpu.vector_load_idx %arg5[%iota3A, %broadcast_in_dim3A_243] : memref<16x1024xf32, #tpu.memory_space<vmem>>[vector<16xi32>, vector<16xi32>], vector<16xf32>,
          %swap3A_245 = arith.index_cast %add3A_192 : i32 to index
          %swap3A_246 = arith.constant 112 : index
          %swap3A_247 = tpu.vector_load %arg8[%swap3A_245, %swap3A_246] {strides = array<i32>} : memref<128x128xf32, #tpu.memory_space<vmem>>, vector<16xf32>,
          tpu.vector_store %arg8[%swap3A_245, %swap3A_246], %gather3A_244 {strides = array<i32>} : memref<128x128xf32, #tpu.memory_space<vmem>>, vector<16xf32>,
          %scan3A_248 = arith.constant 1 : i32
          %scan3A_249 = arith.addi %scan3A_188, %scan3A_248 : i32
          %mul3A_250 = arith.constant 1 : i32
          %mul3A_251 = arith.muli %scan3A_249, %mul3A_250 : i32
          %add3A_252 = arith.constant 0 : i32
          %add3A_253 = arith.addi %add3A_252, %mul3A_251 : i32
          %mul3A_254 = arith.constant 8 : i32
          %mul3A_255 = arith.muli %add3A_253, %mul3A_254 : i32
          %add3A_256 = arith.constant 0 : i32
          %add3A_257 = arith.addi %mul3A_255, %add3A_256 : i32
          %broadcast_in_dim3A_258 = vector.broadcast %add3A_257 : i32 to vector<16xi32>
          %gather3A_259 = tpu.vector_load_idx %arg5[%iota3A, %broadcast_in_dim3A_258] : memref<16x1024xf32, #tpu.memory_space<vmem>>[vector<16xi32>, vector<16xi32>], vector<16xf32>,
          %swap3A_260 = arith.index_cast %add3A_253 : i32 to index
          %swap3A_261 = arith.constant 0 : index
          %swap3A_262 = tpu.vector_load %arg8[%swap3A_260, %swap3A_261] {strides = array<i32>} : memref<128x128xf32, #tpu.memory_space<vmem>>, vector<16xf32>,
          tpu.vector_store %arg8[%swap3A_260, %swap3A_261], %gather3A_259 {strides = array<i32>} : memref<128x128xf32, #tpu.memory_space<vmem>>, vector<16xf32>,
          %add3A_263 = arith.constant 1 : i32
          %add3A_264 = arith.addi %mul3A_255, %add3A_263 : i32
          %broadcast_in_dim3A_265 = vector.broadcast %add3A_264 : i32 to vector<16xi32>
          %gather3A_266 = tpu.vector_load_idx %arg5[%iota3A, %broadcast_in_dim3A_265] : memref<16x1024xf32, #tpu.memory_space<vmem>>[vector<16xi32>, vector<16xi32>], vector<16xf32>,
          %swap3A_267 = arith.index_cast %add3A_253 : i32 to index
          %swap3A_268 = arith.constant 16 : index
          %swap3A_269 = tpu.vector_load %arg8[%swap3A_267, %swap3A_268] {strides = array<i32>} : memref<128x128xf32, #tpu.memory_space<vmem>>, vector<16xf32>,
          tpu.vector_store %arg8[%swap3A_267, %swap3A_268], %gather3A_266 {strides = array<i32>} : memref<128x128xf32, #tpu.memory_space<vmem>>, vector<16xf32>,
          %add3A_270 = arith.constant 2 : i32
          %add3A_271 = arith.addi %mul3A_255, %add3A_270 : i32
          %broadcast_in_dim3A_272 = vector.broadcast %add3A_271 : i32 to vector<16xi32>
          %gather3A_273 = tpu.vector_load_idx %arg5[%iota3A, %broadcast_in_dim3A_272] : memref<16x1024xf32, #tpu.memory_space<vmem>>[vector<16xi32>, vector<16xi32>], vector<16xf32>,
          %swap3A_274 = arith.index_cast %add3A_253 : i32 to index
          %swap3A_275 = arith.constant 32 : index
          %swap3A_276 = tpu.vector_load %arg8[%swap3A_274, %swap3A_275] {strides = array<i32>} : memref<128x128xf32, #tpu.memory_space<vmem>>, vector<16xf32>,
          tpu.vector_store %arg8[%swap3A_274, %swap3A_275], %gather3A_273 {strides = array<i32>} : memref<128x128xf32, #tpu.memory_space<vmem>>, vector<16xf32>,
          %add3A_277 = arith.constant 3 : i32
          %add3A_278 = arith.addi %mul3A_255, %add3A_277 : i32
          %broadcast_in_dim3A_279 = vector.broadcast %add3A_278 : i32 to vector<16xi32>
          %gather3A_280 = tpu.vector_load_idx %arg5[%iota3A, %broadcast_in_dim3A_279] : memref<16x1024xf32, #tpu.memory_space<vmem>>[vector<16xi32>, vector<16xi32>], vector<16xf32>,
          %swap3A_281 = arith.index_cast %add3A_253 : i32 to index
          %swap3A_282 = arith.constant 48 : index
          %swap3A_283 = tpu.vector_load %arg8[%swap3A_281, %swap3A_282] {strides = array<i32>} : memref<128x128xf32, #tpu.memory_space<vmem>>, vector<16xf32>,
          tpu.vector_store %arg8[%swap3A_281, %swap3A_282], %gather3A_280 {strides = array<i32>} : memref<128x128xf32, #tpu.memory_space<vmem>>, vector<16xf32>,
          %add3A_284 = arith.constant 4 : i32
          %add3A_285 = arith.addi %mul3A_255, %add3A_284 : i32
          %broadcast_in_dim3A_286 = vector.broadcast %add3A_285 : i32 to vector<16xi32>
          %gather3A_287 = tpu.vector_load_idx %arg5[%iota3A, %broadcast_in_dim3A_286] : memref<16x1024xf32, #tpu.memory_space<vmem>>[vector<16xi32>, vector<16xi32>], vector<16xf32>,
          %swap3A_288 = arith.index_cast %add3A_253 : i32 to index
          %swap3A_289 = arith.constant 64 : index
          %swap3A_290 = tpu.vector_load %arg8[%swap3A_288, %swap3A_289] {strides = array<i32>} : memref<128x128xf32, #tpu.memory_space<vmem>>, vector<16xf32>,
          tpu.vector_store %arg8[%swap3A_288, %swap3A_289], %gather3A_287 {strides = array<i32>} : memref<128x128xf32, #tpu.memory_space<vmem>>, vector<16xf32>,
          %add3A_291 = arith.constant 5 : i32
          %add3A_292 = arith.addi %mul3A_255, %add3A_291 : i32
          %broadcast_in_dim3A_293 = vector.broadcast %add3A_292 : i32 to vector<16xi32>
          %gather3A_294 = tpu.vector_load_idx %arg5[%iota3A, %broadcast_in_dim3A_293] : memref<16x1024xf32, #tpu.memory_space<vmem>>[vector<16xi32>, vector<16xi32>], vector<16xf32>,
          %swap3A_295 = arith.index_cast %add3A_253 : i32 to index
          %swap3A_296 = arith.constant 80 : index
          %swap3A_297 = tpu.vector_load %arg8[%swap3A_295, %swap3A_296] {strides = array<i32>} : memref<128x128xf32, #tpu.memory_space<vmem>>, vector<16xf32>,
          tpu.vector_store %arg8[%swap3A_295, %swap3A_296], %gather3A_294 {strides = array<i32>} : memref<128x128xf32, #tpu.memory_space<vmem>>, vector<16xf32>,
          %add3A_298 = arith.constant 6 : i32
          %add3A_299 = arith.addi %mul3A_255, %add3A_298 : i32
          %broadcast_in_dim3A_300 = vector.broadcast %add3A_299 : i32 to vector<16xi32>
          %gather3A_301 = tpu.vector_load_idx %arg5[%iota3A, %broadcast_in_dim3A_300] : memref<16x1024xf32, #tpu.memory_space<vmem>>[vector<16xi32>, vector<16xi32>], vector<16xf32>,
          %swap3A_302 = arith.index_cast %add3A_253 : i32 to index
          %swap3A_303 = arith.constant 96 : index
          %swap3A_304 = tpu.vector_load %arg8[%swap3A_302, %swap3A_303] {strides = array<i32>} : memref<128x128xf32, #tpu.memory_space<vmem>>, vector<16xf32>,
          tpu.vector_store %arg8[%swap3A_302, %swap3A_303], %gather3A_301 {strides = array<i32>} : memref<128x128xf32, #tpu.memory_space<vmem>>, vector<16xf32>,
          %add3A_305 = arith.constant 7 : i32
          %add3A_306 = arith.addi %mul3A_255, %add3A_305 : i32
          %broadcast_in_dim3A_307 = vector.broadcast %add3A_306 : i32 to vector<16xi32>
          %gather3A_308 = tpu.vector_load_idx %arg5[%iota3A, %broadcast_in_dim3A_307] : memref<16x1024xf32, #tpu.memory_space<vmem>>[vector<16xi32>, vector<16xi32>], vector<16xf32>,
          %swap3A_309 = arith.index_cast %add3A_253 : i32 to index
          %swap3A_310 = arith.constant 112 : index
          %swap3A_311 = tpu.vector_load %arg8[%swap3A_309, %swap3A_310] {strides = array<i32>} : memref<128x128xf32, #tpu.memory_space<vmem>>, vector<16xf32>,
          tpu.vector_store %arg8[%swap3A_309, %swap3A_310], %gather3A_308 {strides = array<i32>} : memref<128x128xf32, #tpu.memory_space<vmem>>, vector<16xf32>,
          %scan3A_312 = arith.constant 2 : i32
          %scan3A_313 = arith.addi %scan3A_188, %scan3A_312 : i32
          %mul3A_314 = arith.constant 1 : i32
          %mul3A_315 = arith.muli %scan3A_313, %mul3A_314 : i32
          %add3A_316 = arith.constant 0 : i32
          %add3A_317 = arith.addi %add3A_316, %mul3A_315 : i32
          %mul3A_318 = arith.constant 8 : i32
          %mul3A_319 = arith.muli %add3A_317, %mul3A_318 : i32
          %add3A_320 = arith.constant 0 : i32
          %add3A_321 = arith.addi %mul3A_319, %add3A_320 : i32
          %broadcast_in_dim3A_322 = vector.broadcast %add3A_321 : i32 to vector<16xi32>
          %gather3A_323 = tpu.vector_load_idx %arg5[%iota3A, %broadcast_in_dim3A_322] : memref<16x1024xf32, #tpu.memory_space<vmem>>[vector<16xi32>, vector<16xi32>], vector<16xf32>,
          %swap3A_324 = arith.index_cast %add3A_317 : i32 to index
          %swap3A_325 = arith.constant 0 : index
          %swap3A_326 = tpu.vector_load %arg8[%swap3A_324, %swap3A_325] {strides = array<i32>} : memref<128x128xf32, #tpu.memory_space<vmem>>, vector<16xf32>,
          tpu.vector_store %arg8[%swap3A_324, %swap3A_325], %gather3A_323 {strides = array<i32>} : memref<128x128xf32, #tpu.memory_space<vmem>>, vector<16xf32>,
          %add3A_327 = arith.constant 1 : i32
          %add3A_328 = arith.addi %mul3A_319, %add3A_327 : i32
          %broadcast_in_dim3A_329 = vector.broadcast %add3A_328 : i32 to vector<16xi32>
          %gather3A_330 = tpu.vector_load_idx %arg5[%iota3A, %broadcast_in_dim3A_329] : memref<16x1024xf32, #tpu.memory_space<vmem>>[vector<16xi32>, vector<16xi32>], vector<16xf32>,
          %swap3A_331 = arith.index_cast %add3A_317 : i32 to index
          %swap3A_332 = arith.constant 16 : index
          %swap3A_333 = tpu.vector_load %arg8[%swap3A_331, %swap3A_332] {strides = array<i32>} : memref<128x128xf32, #tpu.memory_space<vmem>>, vector<16xf32>,
          tpu.vector_store %arg8[%swap3A_331, %swap3A_332], %gather3A_330 {strides = array<i32>} : memref<128x128xf32, #tpu.memory_space<vmem>>, vector<16xf32>,
          %add3A_334 = arith.constant 2 : i32
          %add3A_335 = arith.addi %mul3A_319, %add3A_334 : i32
          %broadcast_in_dim3A_336 = vector.broadcast %add3A_335 : i32 to vector<16xi32>
          %gather3A_337 = tpu.vector_load_idx %arg5[%iota3A, %broadcast_in_dim3A_336] : memref<16x1024xf32, #tpu.memory_space<vmem>>[vector<16xi32>, vector<16xi32>], vector<16xf32>,
          %swap3A_338 = arith.index_cast %add3A_317 : i32 to index
          %swap3A_339 = arith.constant 32 : index
          %swap3A_340 = tpu.vector_load %arg8[%swap3A_338, %swap3A_339] {strides = array<i32>} : memref<128x128xf32, #tpu.memory_space<vmem>>, vector<16xf32>,
          tpu.vector_store %arg8[%swap3A_338, %swap3A_339], %gather3A_337 {strides = array<i32>} : memref<128x128xf32, #tpu.memory_space<vmem>>, vector<16xf32>,
          %add3A_341 = arith.constant 3 : i32
          %add3A_342 = arith.addi %mul3A_319, %add3A_341 : i32
          %broadcast_in_dim3A_343 = vector.broadcast %add3A_342 : i32 to vector<16xi32>
          %gather3A_344 = tpu.vector_load_idx %arg5[%iota3A, %broadcast_in_dim3A_343] : memref<16x1024xf32, #tpu.memory_space<vmem>>[vector<16xi32>, vector<16xi32>], vector<16xf32>,
          %swap3A_345 = arith.index_cast %add3A_317 : i32 to index
          %swap3A_346 = arith.constant 48 : index
          %swap3A_347 = tpu.vector_load %arg8[%swap3A_345, %swap3A_346] {strides = array<i32>} : memref<128x128xf32, #tpu.memory_space<vmem>>, vector<16xf32>,
          tpu.vector_store %arg8[%swap3A_345, %swap3A_346], %gather3A_344 {strides = array<i32>} : memref<128x128xf32, #tpu.memory_space<vmem>>, vector<16xf32>,
          %add3A_348 = arith.constant 4 : i32
          %add3A_349 = arith.addi %mul3A_319, %add3A_348 : i32
          %broadcast_in_dim3A_350 = vector.broadcast %add3A_349 : i32 to vector<16xi32>
          %gather3A_351 = tpu.vector_load_idx %arg5[%iota3A, %broadcast_in_dim3A_350] : memref<16x1024xf32, #tpu.memory_space<vmem>>[vector<16xi32>, vector<16xi32>], vector<16xf32>,
          %swap3A_352 = arith.index_cast %add3A_317 : i32 to index
          %swap3A_353 = arith.constant 64 : index
          %swap3A_354 = tpu.vector_load %arg8[%swap3A_352, %swap3A_353] {strides = array<i32>} : memref<128x128xf32, #tpu.memory_space<vmem>>, vector<16xf32>,
          tpu.vector_store %arg8[%swap3A_352, %swap3A_353], %gather3A_351 {strides = array<i32>} : memref<128x128xf32, #tpu.memory_space<vmem>>, vector<16xf32>,
          %add3A_355 = arith.constant 5 : i32
          %add3A_356 = arith.addi %mul3A_319, %add3A_355 : i32
          %broadcast_in_dim3A_357 = vector.broadcast %add3A_356 : i32 to vector<16xi32>
          %gather3A_358 = tpu.vector_load_idx %arg5[%iota3A, %broadcast_in_dim3A_357] : memref<16x1024xf32, #tpu.memory_space<vmem>>[vector<16xi32>, vector<16xi32>], vector<16xf32>,
          %swap3A_359 = arith.index_cast %add3A_317 : i32 to index
          %swap3A_360 = arith.constant 80 : index
          %swap3A_361 = tpu.vector_load %arg8[%swap3A_359, %swap3A_360] {strides = array<i32>} : memref<128x128xf32, #tpu.memory_space<vmem>>, vector<16xf32>,
          tpu.vector_store %arg8[%swap3A_359, %swap3A_360], %gather3A_358 {strides = array<i32>} : memref<128x128xf32, #tpu.memory_space<vmem>>, vector<16xf32>,
          %add3A_362 = arith.constant 6 : i32
          %add3A_363 = arith.addi %mul3A_319, %add3A_362 : i32
          %broadcast_in_dim3A_364 = vector.broadcast %add3A_363 : i32 to vector<16xi32>
          %gather3A_365 = tpu.vector_load_idx %arg5[%iota3A, %broadcast_in_dim3A_364] : memref<16x1024xf32, #tpu.memory_space<vmem>>[vector<16xi32>, vector<16xi32>], vector<16xf32>,
          %swap3A_366 = arith.index_cast %add3A_317 : i32 to index
          %swap3A_367 = arith.constant 96 : index
          %swap3A_368 = tpu.vector_load %arg8[%swap3A_366, %swap3A_367] {strides = array<i32>} : memref<128x128xf32, #tpu.memory_space<vmem>>, vector<16xf32>,
          tpu.vector_store %arg8[%swap3A_366, %swap3A_367], %gather3A_365 {strides = array<i32>} : memref<128x128xf32, #tpu.memory_space<vmem>>, vector<16xf32>,
          %add3A_369 = arith.constant 7 : i32
          %add3A_370 = arith.addi %mul3A_319, %add3A_369 : i32
          %broadcast_in_dim3A_371 = vector.broadcast %add3A_370 : i32 to vector<16xi32>
          %gather3A_372 = tpu.vector_load_idx %arg5[%iota3A, %broadcast_in_dim3A_371] : memref<16x1024xf32, #tpu.memory_space<vmem>>[vector<16xi32>, vector<16xi32>], vector<16xf32>,
          %swap3A_373 = arith.index_cast %add3A_317 : i32 to index
          %swap3A_374 = arith.constant 112 : index
          %swap3A_375 = tpu.vector_load %arg8[%swap3A_373, %swap3A_374] {strides = array<i32>} : memref<128x128xf32, #tpu.memory_space<vmem>>, vector<16xf32>,
          tpu.vector_store %arg8[%swap3A_373, %swap3A_374], %gather3A_372 {strides = array<i32>} : memref<128x128xf32, #tpu.memory_space<vmem>>, vector<16xf32>,
          %scan3A_376 = arith.constant 3 : i32
          %scan3A_377 = arith.addi %scan3A_188, %scan3A_376 : i32
          %mul3A_378 = arith.constant 1 : i32
          %mul3A_379 = arith.muli %scan3A_377, %mul3A_378 : i32
          %add3A_380 = arith.constant 0 : i32
          %add3A_381 = arith.addi %add3A_380, %mul3A_379 : i32
          %mul3A_382 = arith.constant 8 : i32
          %mul3A_383 = arith.muli %add3A_381, %mul3A_382 : i32
          %add3A_384 = arith.constant 0 : i32
          %add3A_385 = arith.addi %mul3A_383, %add3A_384 : i32
          %broadcast_in_dim3A_386 = vector.broadcast %add3A_385 : i32 to vector<16xi32>
          %gather3A_387 = tpu.vector_load_idx %arg5[%iota3A, %broadcast_in_dim3A_386] : memref<16x1024xf32, #tpu.memory_space<vmem>>[vector<16xi32>, vector<16xi32>], vector<16xf32>,
          %swap3A_388 = arith.index_cast %add3A_381 : i32 to index
          %swap3A_389 = arith.constant 0 : index
          %swap3A_390 = tpu.vector_load %arg8[%swap3A_388, %swap3A_389] {strides = array<i32>} : memref<128x128xf32, #tpu.memory_space<vmem>>, vector<16xf32>,
          tpu.vector_store %arg8[%swap3A_388, %swap3A_389], %gather3A_387 {strides = array<i32>} : memref<128x128xf32, #tpu.memory_space<vmem>>, vector<16xf32>,
          %add3A_391 = arith.constant 1 : i32
          %add3A_392 = arith.addi %mul3A_383, %add3A_391 : i32
          %broadcast_in_dim3A_393 = vector.broadcast %add3A_392 : i32 to vector<16xi32>
          %gather3A_394 = tpu.vector_load_idx %arg5[%iota3A, %broadcast_in_dim3A_393] : memref<16x1024xf32, #tpu.memory_space<vmem>>[vector<16xi32>, vector<16xi32>], vector<16xf32>,
          %swap3A_395 = arith.index_cast %add3A_381 : i32 to index
          %swap3A_396 = arith.constant 16 : index
          %swap3A_397 = tpu.vector_load %arg8[%swap3A_395, %swap3A_396] {strides = array<i32>} : memref<128x128xf32, #tpu.memory_space<vmem>>, vector<16xf32>,
          tpu.vector_store %arg8[%swap3A_395, %swap3A_396], %gather3A_394 {strides = array<i32>} : memref<128x128xf32, #tpu.memory_space<vmem>>, vector<16xf32>,
          %add3A_398 = arith.constant 2 : i32
          %add3A_399 = arith.addi %mul3A_383, %add3A_398 : i32
          %broadcast_in_dim3A_400 = vector.broadcast %add3A_399 : i32 to vector<16xi32>
          %gather3A_401 = tpu.vector_load_idx %arg5[%iota3A, %broadcast_in_dim3A_400] : memref<16x1024xf32, #tpu.memory_space<vmem>>[vector<16xi32>, vector<16xi32>], vector<16xf32>,
          %swap3A_402 = arith.index_cast %add3A_381 : i32 to index
          %swap3A_403 = arith.constant 32 : index
          %swap3A_404 = tpu.vector_load %arg8[%swap3A_402, %swap3A_403] {strides = array<i32>} : memref<128x128xf32, #tpu.memory_space<vmem>>, vector<16xf32>,
          tpu.vector_store %arg8[%swap3A_402, %swap3A_403], %gather3A_401 {strides = array<i32>} : memref<128x128xf32, #tpu.memory_space<vmem>>, vector<16xf32>,
          %add3A_405 = arith.constant 3 : i32
          %add3A_406 = arith.addi %mul3A_383, %add3A_405 : i32
          %broadcast_in_dim3A_407 = vector.broadcast %add3A_406 : i32 to vector<16xi32>
          %gather3A_408 = tpu.vector_load_idx %arg5[%iota3A, %broadcast_in_dim3A_407] : memref<16x1024xf32, #tpu.memory_space<vmem>>[vector<16xi32>, vector<16xi32>], vector<16xf32>,
          %swap3A_409 = arith.index_cast %add3A_381 : i32 to index
          %swap3A_410 = arith.constant 48 : index
          %swap3A_411 = tpu.vector_load %arg8[%swap3A_409, %swap3A_410] {strides = array<i32>} : memref<128x128xf32, #tpu.memory_space<vmem>>, vector<16xf32>,
          tpu.vector_store %arg8[%swap3A_409, %swap3A_410], %gather3A_408 {strides = array<i32>} : memref<128x128xf32, #tpu.memory_space<vmem>>, vector<16xf32>,
          %add3A_412 = arith.constant 4 : i32
          %add3A_413 = arith.addi %mul3A_383, %add3A_412 : i32
          %broadcast_in_dim3A_414 = vector.broadcast %add3A_413 : i32 to vector<16xi32>
          %gather3A_415 = tpu.vector_load_idx %arg5[%iota3A, %broadcast_in_dim3A_414] : memref<16x1024xf32, #tpu.memory_space<vmem>>[vector<16xi32>, vector<16xi32>], vector<16xf32>,
          %swap3A_416 = arith.index_cast %add3A_381 : i32 to index
          %swap3A_417 = arith.constant 64 : index
          %swap3A_418 = tpu.vector_load %arg8[%swap3A_416, %swap3A_417] {strides = array<i32>} : memref<128x128xf32, #tpu.memory_space<vmem>>, vector<16xf32>,
          tpu.vector_store %arg8[%swap3A_416, %swap3A_417], %gather3A_415 {strides = array<i32>} : memref<128x128xf32, #tpu.memory_space<vmem>>, vector<16xf32>,
          %add3A_419 = arith.constant 5 : i32
          %add3A_420 = arith.addi %mul3A_383, %add3A_419 : i32
          %broadcast_in_dim3A_421 = vector.broadcast %add3A_420 : i32 to vector<16xi32>
          %gather3A_422 = tpu.vector_load_idx %arg5[%iota3A, %broadcast_in_dim3A_421] : memref<16x1024xf32, #tpu.memory_space<vmem>>[vector<16xi32>, vector<16xi32>], vector<16xf32>,
          %swap3A_423 = arith.index_cast %add3A_381 : i32 to index
          %swap3A_424 = arith.constant 80 : index
          %swap3A_425 = tpu.vector_load %arg8[%swap3A_423, %swap3A_424] {strides = array<i32>} : memref<128x128xf32, #tpu.memory_space<vmem>>, vector<16xf32>,
          tpu.vector_store %arg8[%swap3A_423, %swap3A_424], %gather3A_422 {strides = array<i32>} : memref<128x128xf32, #tpu.memory_space<vmem>>, vector<16xf32>,
          %add3A_426 = arith.constant 6 : i32
          %add3A_427 = arith.addi %mul3A_383, %add3A_426 : i32
          %broadcast_in_dim3A_428 = vector.broadcast %add3A_427 : i32 to vector<16xi32>
          %gather3A_429 = tpu.vector_load_idx %arg5[%iota3A, %broadcast_in_dim3A_428] : memref<16x1024xf32, #tpu.memory_space<vmem>>[vector<16xi32>, vector<16xi32>], vector<16xf32>,
          %swap3A_430 = arith.index_cast %add3A_381 : i32 to index
          %swap3A_431 = arith.constant 96 : index
          %swap3A_432 = tpu.vector_load %arg8[%swap3A_430, %swap3A_431] {strides = array<i32>} : memref<128x128xf32, #tpu.memory_space<vmem>>, vector<16xf32>,
          tpu.vector_store %arg8[%swap3A_430, %swap3A_431], %gather3A_429 {strides = array<i32>} : memref<128x128xf32, #tpu.memory_space<vmem>>, vector<16xf32>,
          %add3A_433 = arith.constant 7 : i32
          %add3A_434 = arith.addi %mul3A_383, %add3A_433 : i32
          %broadcast_in_dim3A_435 = vector.broadcast %add3A_434 : i32 to vector<16xi32>
          %gather3A_436 = tpu.vector_load_idx %arg5[%iota3A, %broadcast_in_dim3A_435] : memref<16x1024xf32, #tpu.memory_space<vmem>>[vector<16xi32>, vector<16xi32>], vector<16xf32>,
          %swap3A_437 = arith.index_cast %add3A_381 : i32 to index
          %swap3A_438 = arith.constant 112 : index
          %swap3A_439 = tpu.vector_load %arg8[%swap3A_437, %swap3A_438] {strides = array<i32>} : memref<128x128xf32, #tpu.memory_space<vmem>>, vector<16xf32>,
          tpu.vector_store %arg8[%swap3A_437, %swap3A_438], %gather3A_436 {strides = array<i32>} : memref<128x128xf32, #tpu.memory_space<vmem>>, vector<16xf32>,
        }
        %scan3A_163 = arith.constant 128 : i32
        %jit3A_164 = arith.constant 8 : i32
        %div3A_165 = arith.divsi %mul3A_158, %jit3A_164 : i32
        %sign3A_166 = arith.constant 0 : i32
        %sign3A_167 = arith.cmpi sgt, %mul3A_158, %sign3A_166 : i32
        %sign3A_168 = arith.extui %sign3A_167 : i1 to i32
        %sign3A_169 = arith.constant 0 : i32
        %sign3A_170 = arith.cmpi slt, %mul3A_158, %sign3A_169 : i32
        %sign3A_171 = arith.extui %sign3A_170 : i1 to i32
        %sign3A_172 = arith.subi %sign3A_168, %sign3A_171 : i32
        %sign3A_173 = arith.constant 0 : i32
        %sign3A_174 = arith.cmpi sgt, %jit3A_164, %sign3A_173 : i32
        %sign3A_175 = arith.extui %sign3A_174 : i1 to i32
        %sign3A_176 = arith.constant 0 : i32
        %sign3A_177 = arith.cmpi slt, %jit3A_164, %sign3A_176 : i32
        %sign3A_178 = arith.extui %sign3A_177 : i1 to i32
        %sign3A_179 = arith.subi %sign3A_175, %sign3A_178 : i32
        %ne3A_180 = arith.cmpi ne, %sign3A_172, %sign3A_179 : i32
        %rem3A_181 = arith.remsi %mul3A_158, %jit3A_164 : i32
        %ne3A_182 = arith.constant 0 : i32
        %ne3A_183 = arith.cmpi ne, %rem3A_181, %ne3A_182 : i32
        %and3A_184 = arith.andi %ne3A_180, %ne3A_183 : i1
        %sub3A_185 = arith.constant 1 : i32
        %sub3A_186 = arith.subi %div3A_165, %sub3A_185 : i32
        %select_n3A_187 = arith.select %and3A_184, %sub3A_186, %div3A_165 : i32
        %multiple_of3A = tpu.assume_multiple %select_n3A_187, 8 : i32
        "tpu.region"() ({
          %run_scoped3A = tpu.sem_alloc : memref<!tpu.dma_semaphore, #tpu.memory_space<semaphore_mem>>
          %dma_start3A = arith.constant 0 : i32
          %dma_start3A_188 = arith.constant 0 : i32
          %dma_start3A_189 = tpu.memref_slice %arg8[%dma_start3A, %dma_start3A_188] : memref<128x128xf32, #tpu.memory_space<vmem>> -> memref<128x128xf32, #tpu.memory_space<vmem>>
          %dma_start3A_190 = arith.constant 0 : i32
          %dma_start3A_191 = tpu.memref_slice %arg4[%select_n3A_140, %multiple_of3A, %dma_start3A_190] : memref<26x13000x128xf32, #tpu.memory_space<hbm>> -> memref<1x128x128xf32, #tpu.memory_space<hbm>>
          %dma_start3A_192 = tpu.memref_squeeze %dma_start3A_191 : memref<1x128x128xf32, #tpu.memory_space<hbm>> -> memref<128x128xf32, #tpu.memory_space<hbm>>
          %dma_start3A_193 = arith.constant 0 : i32
          %dma_start3A_194 = tpu.memref_slice %arg4[%select_n3A_140, %multiple_of3A, %dma_start3A_193] : memref<26x13000x128xf32, #tpu.memory_space<hbm>> -> memref<1x128x128xf32, #tpu.memory_space<hbm>>
          %dma_start3A_195 = tpu.memref_squeeze %dma_start3A_194 : memref<1x128x128xf32, #tpu.memory_space<hbm>> -> memref<128x128xf32, #tpu.memory_space<hbm>>
          %dma_start3A_196 = arith.constant 0 : i32
          %dma_start3A_197 = arith.constant 0 : i32
          %dma_start3A_198 = tpu.memref_slice %arg8[%dma_start3A_196, %dma_start3A_197] : memref<128x128xf32, #tpu.memory_space<vmem>> -> memref<128x128xf32, #tpu.memory_space<vmem>>
          tpu.enqueue_dma source(%dma_start3A_198 : memref<128x128xf32, #tpu.memory_space<vmem>>) target(%dma_start3A_195 : memref<128x128xf32, #tpu.memory_space<hbm>>) target_semaphore(%run_scoped3A : memref<!tpu.dma_semaphore, #tpu.memory_space<semaphore_mem>>)
          %dma_wait3A_199 = arith.constant 0 : i32
          %dma_wait3A_200 = arith.constant 0 : i32
          %dma_wait3A_201 = tpu.memref_slice %arg8[%dma_wait3A_199, %dma_wait3A_200] : memref<128x128xf32, #tpu.memory_space<vmem>> -> memref<128x128xf32, #tpu.memory_space<vmem>>
          %dma_wait3A_202 = arith.constant 0 : i32
          %dma_wait3A_203 = tpu.memref_slice %arg4[%select_n3A_140, %multiple_of3A, %dma_wait3A_202] : memref<26x13000x128xf32, #tpu.memory_space<hbm>> -> memref<1x128x128xf32, #tpu.memory_space<hbm>>
          %dma_wait3A_204 = tpu.memref_squeeze %dma_wait3A_203 : memref<1x128x128xf32, #tpu.memory_space<hbm>> -> memref<128x128xf32, #tpu.memory_space<hbm>>
          %dma_wait3A_205 = arith.constant 0 : i32
          %dma_wait3A_206 = tpu.memref_slice %arg4[%select_n3A_140, %multiple_of3A, %dma_wait3A_205] : memref<26x13000x128xf32, #tpu.memory_space<hbm>> -> memref<1x128x128xf32, #tpu.memory_space<hbm>>
          %dma_wait3A_207 = tpu.memref_squeeze %dma_wait3A_206 : memref<1x128x128xf32, #tpu.memory_space<hbm>> -> memref<128x128xf32, #tpu.memory_space<hbm>>
          %dma_wait3A_208 = arith.constant 0 : i32
          %dma_wait3A_209 = arith.constant 0 : i32
          %dma_wait3A_210 = tpu.memref_slice %arg8[%dma_wait3A_208, %dma_wait3A_209] : memref<128x128xf32, #tpu.memory_space<vmem>> -> memref<128x128xf32, #tpu.memory_space<vmem>>
          tpu.wait_dma2 semaphore(%run_scoped3A : memref<!tpu.dma_semaphore, #tpu.memory_space<semaphore_mem>>) src(%dma_wait3A_210 : memref<128x128xf32, #tpu.memory_space<vmem>>) dst(%dma_wait3A_207 : memref<128x128xf32, #tpu.memory_space<hbm>>)
          tpu.yield
        }) : () -> ()
      } else {
      }
      %lt3A_88 = arith.constant 2626 : i32
      %lt3A_89 = arith.cmpi slt, %add3A_19, %lt3A_88 : i32
      %jit3A_90 = arith.constant 2 : i32
      %eq3A_91 = arith.constant 0 : i32
      %eq3A_92 = arith.cmpi eq, %jit3A_90, %eq3A_91 : i32
      %jit3A_93 = arith.constant 1 : i32
      %select_n3A_94 = arith.select %eq3A_92, %jit3A_93, %jit3A_90 : i32
      %rem3A_95 = arith.remsi %add3A_16, %select_n3A_94 : i32
      %ne3A_96 = arith.constant 0 : i32
      %ne3A_97 = arith.cmpi ne, %rem3A_95, %ne3A_96 : i32
      %lt3A_98 = arith.constant 0 : i32
      %lt3A_99 = arith.cmpi slt, %rem3A_95, %lt3A_98 : i32
      %lt3A_100 = arith.constant 0 : i32
      %lt3A_101 = arith.cmpi slt, %select_n3A_94, %lt3A_100 : i32
      %ne3A_102 = arith.xori %lt3A_99, %lt3A_101 : i1
      %and3A_103 = arith.andi %ne3A_102, %ne3A_97 : i1
      %add3A_104 = arith.addi %rem3A_95, %select_n3A_94 : i32
      %select_n3A_105 = arith.select %and3A_103, %add3A_104, %rem3A_95 : i32
      %eq3A_106 = arith.constant 1 : i32
      %eq3A_107 = arith.cmpi eq, %select_n3A_105, %eq3A_106 : i32
      %and3A_108 = arith.andi %lt3A_89, %eq3A_107 : i1
      %convert_element_type3A_109 = arith.extui %and3A_108 : i1 to i32
      %cond3A_110 = arith.constant 0 : i32
      %cond3A_111 = arith.cmpi ne, %convert_element_type3A_109, %cond3A_110 : i32
      scf.if %cond3A_111 {
        %dma_wait3A = arith.constant 0 : i32
        %dma_wait3A_112 = arith.constant 0 : i32
        %dma_wait3A_113 = arith.constant 0 : i32
        %dma_wait3A_114 = tpu.memref_slice %arg2[%dma_wait3A, %dma_wait3A_112, %dma_wait3A_113] : memref<26x16x104000xf32, #tpu.memory_space<hbm>> -> memref<1x16x1024xf32, #tpu.memory_space<hbm>>
        %dma_wait3A_115 = tpu.memref_squeeze %dma_wait3A_114 : memref<1x16x1024xf32, #tpu.memory_space<hbm>> -> memref<16x1024xf32, #tpu.memory_space<hbm>>
        %dma_wait3A_116 = arith.constant 0 : i32
        %dma_wait3A_117 = arith.constant 0 : i32
        %dma_wait3A_118 = tpu.memref_slice %arg2[%dma_wait3A, %dma_wait3A_116, %dma_wait3A_117] : memref<26x16x104000xf32, #tpu.memory_space<hbm>> -> memref<1x16x1024xf32, #tpu.memory_space<hbm>>
        %dma_wait3A_119 = tpu.memref_squeeze %dma_wait3A_118 : memref<1x16x1024xf32, #tpu.memory_space<hbm>> -> memref<16x1024xf32, #tpu.memory_space<hbm>>
        tpu.wait_dma2 semaphore(%arg11 : memref<!tpu.dma_semaphore, #tpu.memory_space<semaphore_mem>>) src(%dma_wait3A_119 : memref<16x1024xf32, #tpu.memory_space<hbm>>) dst(%arg6 : memref<16x1024xf32, #tpu.memory_space<vmem>>)
        %jit3A_120 = arith.constant 101 : i32
        %div3A = arith.divsi %add3A_19, %jit3A_120 : i32
        %sign3A = arith.constant 0 : i32
        %sign3A_121 = arith.cmpi sgt, %add3A_19, %sign3A : i32
        %sign3A_122 = arith.extui %sign3A_121 : i1 to i32
        %sign3A_123 = arith.constant 0 : i32
        %sign3A_124 = arith.cmpi slt, %add3A_19, %sign3A_123 : i32
        %sign3A_125 = arith.extui %sign3A_124 : i1 to i32
        %sign3A_126 = arith.subi %sign3A_122, %sign3A_125 : i32
        %sign3A_127 = arith.constant 0 : i32
        %sign3A_128 = arith.cmpi sgt, %jit3A_120, %sign3A_127 : i32
        %sign3A_129 = arith.extui %sign3A_128 : i1 to i32
        %sign3A_130 = arith.constant 0 : i32
        %sign3A_131 = arith.cmpi slt, %jit3A_120, %sign3A_130 : i32
        %sign3A_132 = arith.extui %sign3A_131 : i1 to i32
        %sign3A_133 = arith.subi %sign3A_129, %sign3A_132 : i32
        %ne3A_134 = arith.cmpi ne, %sign3A_126, %sign3A_133 : i32
        %rem3A_135 = arith.remsi %add3A_19, %jit3A_120 : i32
        %ne3A_136 = arith.constant 0 : i32
        %ne3A_137 = arith.cmpi ne, %rem3A_135, %ne3A_136 : i32
        %and3A_138 = arith.andi %ne3A_134, %ne3A_137 : i1
        %sub3A = arith.constant 1 : i32
        %sub3A_139 = arith.subi %div3A, %sub3A : i32
        %select_n3A_140 = arith.select %and3A_138, %sub3A_139, %div3A : i32
        %jit3A_141 = arith.constant 101 : i32
        %eq3A_142 = arith.constant 0 : i32
        %eq3A_143 = arith.cmpi eq, %jit3A_141, %eq3A_142 : i32
        %jit3A_144 = arith.constant 1 : i32
        %select_n3A_145 = arith.select %eq3A_143, %jit3A_144, %jit3A_141 : i32
        %rem3A_146 = arith.remsi %add3A_19, %select_n3A_145 : i32
        %ne3A_147 = arith.constant 0 : i32
        %ne3A_148 = arith.cmpi ne, %rem3A_146, %ne3A_147 : i32
        %lt3A_149 = arith.constant 0 : i32
        %lt3A_150 = arith.cmpi slt, %rem3A_146, %lt3A_149 : i32
        %lt3A_151 = arith.constant 0 : i32
        %lt3A_152 = arith.cmpi slt, %select_n3A_145, %lt3A_151 : i32
        %ne3A_153 = arith.xori %lt3A_150, %lt3A_152 : i1
        %and3A_154 = arith.andi %ne3A_153, %ne3A_148 : i1
        %add3A_155 = arith.addi %rem3A_146, %select_n3A_145 : i32
        %select_n3A_156 = arith.select %and3A_154, %add3A_155, %rem3A_146 : i32
        %mul3A_157 = arith.constant 1024 : i32
        %mul3A_158 = arith.muli %select_n3A_156, %mul3A_157 : i32
        %scan3A_159 = arith.constant 0 : i32
        %scan3A_160 = arith.constant 128 : i32
        %scan3A_161 = arith.addi %scan3A_159, %scan3A_160 : i32
        %scan3A_162 = arith.constant 4 : i32
        scf.for %scan3A_188 = %scan3A_159 to %scan3A_161 step %scan3A_162  : i32 {
          %mul3A_189 = arith.constant 1 : i32
          %mul3A_190 = arith.muli %scan3A_188, %mul3A_189 : i32
          %add3A_191 = arith.constant 0 : i32
          %add3A_192 = arith.addi %add3A_191, %mul3A_190 : i32
          %mul3A_193 = arith.constant 8 : i32
          %mul3A_194 = arith.muli %add3A_192, %mul3A_193 : i32
          %add3A_195 = arith.constant 0 : i32
          %add3A_196 = arith.addi %mul3A_194, %add3A_195 : i32
          %broadcast_in_dim3A = vector.broadcast %add3A_196 : i32 to vector<16xi32>
          %gather3A = tpu.vector_load_idx %arg6[%iota3A, %broadcast_in_dim3A] : memref<16x1024xf32, #tpu.memory_space<vmem>>[vector<16xi32>, vector<16xi32>], vector<16xf32>,
          %swap3A = arith.index_cast %add3A_192 : i32 to index
          %swap3A_197 = arith.constant 0 : index
          %swap3A_198 = tpu.vector_load %arg8[%swap3A, %swap3A_197] {strides = array<i32>} : memref<128x128xf32, #tpu.memory_space<vmem>>, vector<16xf32>,
          tpu.vector_store %arg8[%swap3A, %swap3A_197], %gather3A {strides = array<i32>} : memref<128x128xf32, #tpu.memory_space<vmem>>, vector<16xf32>,
          %add3A_199 = arith.constant 1 : i32
          %add3A_200 = arith.addi %mul3A_194, %add3A_199 : i32
          %broadcast_in_dim3A_201 = vector.broadcast %add3A_200 : i32 to vector<16xi32>
          %gather3A_202 = tpu.vector_load_idx %arg6[%iota3A, %broadcast_in_dim3A_201] : memref<16x1024xf32, #tpu.memory_space<vmem>>[vector<16xi32>, vector<16xi32>], vector<16xf32>,
          %swap3A_203 = arith.index_cast %add3A_192 : i32 to index
          %swap3A_204 = arith.constant 16 : index
          %swap3A_205 = tpu.vector_load %arg8[%swap3A_203, %swap3A_204] {strides = array<i32>} : memref<128x128xf32, #tpu.memory_space<vmem>>, vector<16xf32>,
          tpu.vector_store %arg8[%swap3A_203, %swap3A_204], %gather3A_202 {strides = array<i32>} : memref<128x128xf32, #tpu.memory_space<vmem>>, vector<16xf32>,
          %add3A_206 = arith.constant 2 : i32
          %add3A_207 = arith.addi %mul3A_194, %add3A_206 : i32
          %broadcast_in_dim3A_208 = vector.broadcast %add3A_207 : i32 to vector<16xi32>
          %gather3A_209 = tpu.vector_load_idx %arg6[%iota3A, %broadcast_in_dim3A_208] : memref<16x1024xf32, #tpu.memory_space<vmem>>[vector<16xi32>, vector<16xi32>], vector<16xf32>,
          %swap3A_210 = arith.index_cast %add3A_192 : i32 to index
          %swap3A_211 = arith.constant 32 : index
          %swap3A_212 = tpu.vector_load %arg8[%swap3A_210, %swap3A_211] {strides = array<i32>} : memref<128x128xf32, #tpu.memory_space<vmem>>, vector<16xf32>,
          tpu.vector_store %arg8[%swap3A_210, %swap3A_211], %gather3A_209 {strides = array<i32>} : memref<128x128xf32, #tpu.memory_space<vmem>>, vector<16xf32>,
          %add3A_213 = arith.constant 3 : i32
          %add3A_214 = arith.addi %mul3A_194, %add3A_213 : i32
          %broadcast_in_dim3A_215 = vector.broadcast %add3A_214 : i32 to vector<16xi32>
          %gather3A_216 = tpu.vector_load_idx %arg6[%iota3A, %broadcast_in_dim3A_215] : memref<16x1024xf32, #tpu.memory_space<vmem>>[vector<16xi32>, vector<16xi32>], vector<16xf32>,
          %swap3A_217 = arith.index_cast %add3A_192 : i32 to index
          %swap3A_218 = arith.constant 48 : index
          %swap3A_219 = tpu.vector_load %arg8[%swap3A_217, %swap3A_218] {strides = array<i32>} : memref<128x128xf32, #tpu.memory_space<vmem>>, vector<16xf32>,
          tpu.vector_store %arg8[%swap3A_217, %swap3A_218], %gather3A_216 {strides = array<i32>} : memref<128x128xf32, #tpu.memory_space<vmem>>, vector<16xf32>,
          %add3A_220 = arith.constant 4 : i32
          %add3A_221 = arith.addi %mul3A_194, %add3A_220 : i32
          %broadcast_in_dim3A_222 = vector.broadcast %add3A_221 : i32 to vector<16xi32>
          %gather3A_223 = tpu.vector_load_idx %arg6[%iota3A, %broadcast_in_dim3A_222] : memref<16x1024xf32, #tpu.memory_space<vmem>>[vector<16xi32>, vector<16xi32>], vector<16xf32>,
          %swap3A_224 = arith.index_cast %add3A_192 : i32 to index
          %swap3A_225 = arith.constant 64 : index
          %swap3A_226 = tpu.vector_load %arg8[%swap3A_224, %swap3A_225] {strides = array<i32>} : memref<128x128xf32, #tpu.memory_space<vmem>>, vector<16xf32>,
          tpu.vector_store %arg8[%swap3A_224, %swap3A_225], %gather3A_223 {strides = array<i32>} : memref<128x128xf32, #tpu.memory_space<vmem>>, vector<16xf32>,
          %add3A_227 = arith.constant 5 : i32
          %add3A_228 = arith.addi %mul3A_194, %add3A_227 : i32
          %broadcast_in_dim3A_229 = vector.broadcast %add3A_228 : i32 to vector<16xi32>
          %gather3A_230 = tpu.vector_load_idx %arg6[%iota3A, %broadcast_in_dim3A_229] : memref<16x1024xf32, #tpu.memory_space<vmem>>[vector<16xi32>, vector<16xi32>], vector<16xf32>,
          %swap3A_231 = arith.index_cast %add3A_192 : i32 to index
          %swap3A_232 = arith.constant 80 : index
          %swap3A_233 = tpu.vector_load %arg8[%swap3A_231, %swap3A_232] {strides = array<i32>} : memref<128x128xf32, #tpu.memory_space<vmem>>, vector<16xf32>,
          tpu.vector_store %arg8[%swap3A_231, %swap3A_232], %gather3A_230 {strides = array<i32>} : memref<128x128xf32, #tpu.memory_space<vmem>>, vector<16xf32>,
          %add3A_234 = arith.constant 6 : i32
          %add3A_235 = arith.addi %mul3A_194, %add3A_234 : i32
          %broadcast_in_dim3A_236 = vector.broadcast %add3A_235 : i32 to vector<16xi32>
          %gather3A_237 = tpu.vector_load_idx %arg6[%iota3A, %broadcast_in_dim3A_236] : memref<16x1024xf32, #tpu.memory_space<vmem>>[vector<16xi32>, vector<16xi32>], vector<16xf32>,
          %swap3A_238 = arith.index_cast %add3A_192 : i32 to index
          %swap3A_239 = arith.constant 96 : index
          %swap3A_240 = tpu.vector_load %arg8[%swap3A_238, %swap3A_239] {strides = array<i32>} : memref<128x128xf32, #tpu.memory_space<vmem>>, vector<16xf32>,
          tpu.vector_store %arg8[%swap3A_238, %swap3A_239], %gather3A_237 {strides = array<i32>} : memref<128x128xf32, #tpu.memory_space<vmem>>, vector<16xf32>,
          %add3A_241 = arith.constant 7 : i32
          %add3A_242 = arith.addi %mul3A_194, %add3A_241 : i32
          %broadcast_in_dim3A_243 = vector.broadcast %add3A_242 : i32 to vector<16xi32>
          %gather3A_244 = tpu.vector_load_idx %arg6[%iota3A, %broadcast_in_dim3A_243] : memref<16x1024xf32, #tpu.memory_space<vmem>>[vector<16xi32>, vector<16xi32>], vector<16xf32>,
          %swap3A_245 = arith.index_cast %add3A_192 : i32 to index
          %swap3A_246 = arith.constant 112 : index
          %swap3A_247 = tpu.vector_load %arg8[%swap3A_245, %swap3A_246] {strides = array<i32>} : memref<128x128xf32, #tpu.memory_space<vmem>>, vector<16xf32>,
          tpu.vector_store %arg8[%swap3A_245, %swap3A_246], %gather3A_244 {strides = array<i32>} : memref<128x128xf32, #tpu.memory_space<vmem>>, vector<16xf32>,
          %scan3A_248 = arith.constant 1 : i32
          %scan3A_249 = arith.addi %scan3A_188, %scan3A_248 : i32
          %mul3A_250 = arith.constant 1 : i32
          %mul3A_251 = arith.muli %scan3A_249, %mul3A_250 : i32
          %add3A_252 = arith.constant 0 : i32
          %add3A_253 = arith.addi %add3A_252, %mul3A_251 : i32
          %mul3A_254 = arith.constant 8 : i32
          %mul3A_255 = arith.muli %add3A_253, %mul3A_254 : i32
          %add3A_256 = arith.constant 0 : i32
          %add3A_257 = arith.addi %mul3A_255, %add3A_256 : i32
          %broadcast_in_dim3A_258 = vector.broadcast %add3A_257 : i32 to vector<16xi32>
          %gather3A_259 = tpu.vector_load_idx %arg6[%iota3A, %broadcast_in_dim3A_258] : memref<16x1024xf32, #tpu.memory_space<vmem>>[vector<16xi32>, vector<16xi32>], vector<16xf32>,
          %swap3A_260 = arith.index_cast %add3A_253 : i32 to index
          %swap3A_261 = arith.constant 0 : index
          %swap3A_262 = tpu.vector_load %arg8[%swap3A_260, %swap3A_261] {strides = array<i32>} : memref<128x128xf32, #tpu.memory_space<vmem>>, vector<16xf32>,
          tpu.vector_store %arg8[%swap3A_260, %swap3A_261], %gather3A_259 {strides = array<i32>} : memref<128x128xf32, #tpu.memory_space<vmem>>, vector<16xf32>,
          %add3A_263 = arith.constant 1 : i32
          %add3A_264 = arith.addi %mul3A_255, %add3A_263 : i32
          %broadcast_in_dim3A_265 = vector.broadcast %add3A_264 : i32 to vector<16xi32>
          %gather3A_266 = tpu.vector_load_idx %arg6[%iota3A, %broadcast_in_dim3A_265] : memref<16x1024xf32, #tpu.memory_space<vmem>>[vector<16xi32>, vector<16xi32>], vector<16xf32>,
          %swap3A_267 = arith.index_cast %add3A_253 : i32 to index
          %swap3A_268 = arith.constant 16 : index
          %swap3A_269 = tpu.vector_load %arg8[%swap3A_267, %swap3A_268] {strides = array<i32>} : memref<128x128xf32, #tpu.memory_space<vmem>>, vector<16xf32>,
          tpu.vector_store %arg8[%swap3A_267, %swap3A_268], %gather3A_266 {strides = array<i32>} : memref<128x128xf32, #tpu.memory_space<vmem>>, vector<16xf32>,
          %add3A_270 = arith.constant 2 : i32
          %add3A_271 = arith.addi %mul3A_255, %add3A_270 : i32
          %broadcast_in_dim3A_272 = vector.broadcast %add3A_271 : i32 to vector<16xi32>
          %gather3A_273 = tpu.vector_load_idx %arg6[%iota3A, %broadcast_in_dim3A_272] : memref<16x1024xf32, #tpu.memory_space<vmem>>[vector<16xi32>, vector<16xi32>], vector<16xf32>,
          %swap3A_274 = arith.index_cast %add3A_253 : i32 to index
          %swap3A_275 = arith.constant 32 : index
          %swap3A_276 = tpu.vector_load %arg8[%swap3A_274, %swap3A_275] {strides = array<i32>} : memref<128x128xf32, #tpu.memory_space<vmem>>, vector<16xf32>,
          tpu.vector_store %arg8[%swap3A_274, %swap3A_275], %gather3A_273 {strides = array<i32>} : memref<128x128xf32, #tpu.memory_space<vmem>>, vector<16xf32>,
          %add3A_277 = arith.constant 3 : i32
          %add3A_278 = arith.addi %mul3A_255, %add3A_277 : i32
          %broadcast_in_dim3A_279 = vector.broadcast %add3A_278 : i32 to vector<16xi32>
          %gather3A_280 = tpu.vector_load_idx %arg6[%iota3A, %broadcast_in_dim3A_279] : memref<16x1024xf32, #tpu.memory_space<vmem>>[vector<16xi32>, vector<16xi32>], vector<16xf32>,
          %swap3A_281 = arith.index_cast %add3A_253 : i32 to index
          %swap3A_282 = arith.constant 48 : index
          %swap3A_283 = tpu.vector_load %arg8[%swap3A_281, %swap3A_282] {strides = array<i32>} : memref<128x128xf32, #tpu.memory_space<vmem>>, vector<16xf32>,
          tpu.vector_store %arg8[%swap3A_281, %swap3A_282], %gather3A_280 {strides = array<i32>} : memref<128x128xf32, #tpu.memory_space<vmem>>, vector<16xf32>,
          %add3A_284 = arith.constant 4 : i32
          %add3A_285 = arith.addi %mul3A_255, %add3A_284 : i32
          %broadcast_in_dim3A_286 = vector.broadcast %add3A_285 : i32 to vector<16xi32>
          %gather3A_287 = tpu.vector_load_idx %arg6[%iota3A, %broadcast_in_dim3A_286] : memref<16x1024xf32, #tpu.memory_space<vmem>>[vector<16xi32>, vector<16xi32>], vector<16xf32>,
          %swap3A_288 = arith.index_cast %add3A_253 : i32 to index
          %swap3A_289 = arith.constant 64 : index
          %swap3A_290 = tpu.vector_load %arg8[%swap3A_288, %swap3A_289] {strides = array<i32>} : memref<128x128xf32, #tpu.memory_space<vmem>>, vector<16xf32>,
          tpu.vector_store %arg8[%swap3A_288, %swap3A_289], %gather3A_287 {strides = array<i32>} : memref<128x128xf32, #tpu.memory_space<vmem>>, vector<16xf32>,
          %add3A_291 = arith.constant 5 : i32
          %add3A_292 = arith.addi %mul3A_255, %add3A_291 : i32
          %broadcast_in_dim3A_293 = vector.broadcast %add3A_292 : i32 to vector<16xi32>
          %gather3A_294 = tpu.vector_load_idx %arg6[%iota3A, %broadcast_in_dim3A_293] : memref<16x1024xf32, #tpu.memory_space<vmem>>[vector<16xi32>, vector<16xi32>], vector<16xf32>,
          %swap3A_295 = arith.index_cast %add3A_253 : i32 to index
          %swap3A_296 = arith.constant 80 : index
          %swap3A_297 = tpu.vector_load %arg8[%swap3A_295, %swap3A_296] {strides = array<i32>} : memref<128x128xf32, #tpu.memory_space<vmem>>, vector<16xf32>,
          tpu.vector_store %arg8[%swap3A_295, %swap3A_296], %gather3A_294 {strides = array<i32>} : memref<128x128xf32, #tpu.memory_space<vmem>>, vector<16xf32>,
          %add3A_298 = arith.constant 6 : i32
          %add3A_299 = arith.addi %mul3A_255, %add3A_298 : i32
          %broadcast_in_dim3A_300 = vector.broadcast %add3A_299 : i32 to vector<16xi32>
          %gather3A_301 = tpu.vector_load_idx %arg6[%iota3A, %broadcast_in_dim3A_300] : memref<16x1024xf32, #tpu.memory_space<vmem>>[vector<16xi32>, vector<16xi32>], vector<16xf32>,
          %swap3A_302 = arith.index_cast %add3A_253 : i32 to index
          %swap3A_303 = arith.constant 96 : index
          %swap3A_304 = tpu.vector_load %arg8[%swap3A_302, %swap3A_303] {strides = array<i32>} : memref<128x128xf32, #tpu.memory_space<vmem>>, vector<16xf32>,
          tpu.vector_store %arg8[%swap3A_302, %swap3A_303], %gather3A_301 {strides = array<i32>} : memref<128x128xf32, #tpu.memory_space<vmem>>, vector<16xf32>,
          %add3A_305 = arith.constant 7 : i32
          %add3A_306 = arith.addi %mul3A_255, %add3A_305 : i32
          %broadcast_in_dim3A_307 = vector.broadcast %add3A_306 : i32 to vector<16xi32>
          %gather3A_308 = tpu.vector_load_idx %arg6[%iota3A, %broadcast_in_dim3A_307] : memref<16x1024xf32, #tpu.memory_space<vmem>>[vector<16xi32>, vector<16xi32>], vector<16xf32>,
          %swap3A_309 = arith.index_cast %add3A_253 : i32 to index
          %swap3A_310 = arith.constant 112 : index
          %swap3A_311 = tpu.vector_load %arg8[%swap3A_309, %swap3A_310] {strides = array<i32>} : memref<128x128xf32, #tpu.memory_space<vmem>>, vector<16xf32>,
          tpu.vector_store %arg8[%swap3A_309, %swap3A_310], %gather3A_308 {strides = array<i32>} : memref<128x128xf32, #tpu.memory_space<vmem>>, vector<16xf32>,
          %scan3A_312 = arith.constant 2 : i32
          %scan3A_313 = arith.addi %scan3A_188, %scan3A_312 : i32
          %mul3A_314 = arith.constant 1 : i32
          %mul3A_315 = arith.muli %scan3A_313, %mul3A_314 : i32
          %add3A_316 = arith.constant 0 : i32
          %add3A_317 = arith.addi %add3A_316, %mul3A_315 : i32
          %mul3A_318 = arith.constant 8 : i32
          %mul3A_319 = arith.muli %add3A_317, %mul3A_318 : i32
          %add3A_320 = arith.constant 0 : i32
          %add3A_321 = arith.addi %mul3A_319, %add3A_320 : i32
          %broadcast_in_dim3A_322 = vector.broadcast %add3A_321 : i32 to vector<16xi32>
          %gather3A_323 = tpu.vector_load_idx %arg6[%iota3A, %broadcast_in_dim3A_322] : memref<16x1024xf32, #tpu.memory_space<vmem>>[vector<16xi32>, vector<16xi32>], vector<16xf32>,
          %swap3A_324 = arith.index_cast %add3A_317 : i32 to index
          %swap3A_325 = arith.constant 0 : index
          %swap3A_326 = tpu.vector_load %arg8[%swap3A_324, %swap3A_325] {strides = array<i32>} : memref<128x128xf32, #tpu.memory_space<vmem>>, vector<16xf32>,
          tpu.vector_store %arg8[%swap3A_324, %swap3A_325], %gather3A_323 {strides = array<i32>} : memref<128x128xf32, #tpu.memory_space<vmem>>, vector<16xf32>,
          %add3A_327 = arith.constant 1 : i32
          %add3A_328 = arith.addi %mul3A_319, %add3A_327 : i32
          %broadcast_in_dim3A_329 = vector.broadcast %add3A_328 : i32 to vector<16xi32>
          %gather3A_330 = tpu.vector_load_idx %arg6[%iota3A, %broadcast_in_dim3A_329] : memref<16x1024xf32, #tpu.memory_space<vmem>>[vector<16xi32>, vector<16xi32>], vector<16xf32>,
          %swap3A_331 = arith.index_cast %add3A_317 : i32 to index
          %swap3A_332 = arith.constant 16 : index
          %swap3A_333 = tpu.vector_load %arg8[%swap3A_331, %swap3A_332] {strides = array<i32>} : memref<128x128xf32, #tpu.memory_space<vmem>>, vector<16xf32>,
          tpu.vector_store %arg8[%swap3A_331, %swap3A_332], %gather3A_330 {strides = array<i32>} : memref<128x128xf32, #tpu.memory_space<vmem>>, vector<16xf32>,
          %add3A_334 = arith.constant 2 : i32
          %add3A_335 = arith.addi %mul3A_319, %add3A_334 : i32
          %broadcast_in_dim3A_336 = vector.broadcast %add3A_335 : i32 to vector<16xi32>
          %gather3A_337 = tpu.vector_load_idx %arg6[%iota3A, %broadcast_in_dim3A_336] : memref<16x1024xf32, #tpu.memory_space<vmem>>[vector<16xi32>, vector<16xi32>], vector<16xf32>,
          %swap3A_338 = arith.index_cast %add3A_317 : i32 to index
          %swap3A_339 = arith.constant 32 : index
          %swap3A_340 = tpu.vector_load %arg8[%swap3A_338, %swap3A_339] {strides = array<i32>} : memref<128x128xf32, #tpu.memory_space<vmem>>, vector<16xf32>,
          tpu.vector_store %arg8[%swap3A_338, %swap3A_339], %gather3A_337 {strides = array<i32>} : memref<128x128xf32, #tpu.memory_space<vmem>>, vector<16xf32>,
          %add3A_341 = arith.constant 3 : i32
          %add3A_342 = arith.addi %mul3A_319, %add3A_341 : i32
          %broadcast_in_dim3A_343 = vector.broadcast %add3A_342 : i32 to vector<16xi32>
          %gather3A_344 = tpu.vector_load_idx %arg6[%iota3A, %broadcast_in_dim3A_343] : memref<16x1024xf32, #tpu.memory_space<vmem>>[vector<16xi32>, vector<16xi32>], vector<16xf32>,
          %swap3A_345 = arith.index_cast %add3A_317 : i32 to index
          %swap3A_346 = arith.constant 48 : index
          %swap3A_347 = tpu.vector_load %arg8[%swap3A_345, %swap3A_346] {strides = array<i32>} : memref<128x128xf32, #tpu.memory_space<vmem>>, vector<16xf32>,
          tpu.vector_store %arg8[%swap3A_345, %swap3A_346], %gather3A_344 {strides = array<i32>} : memref<128x128xf32, #tpu.memory_space<vmem>>, vector<16xf32>,
          %add3A_348 = arith.constant 4 : i32
          %add3A_349 = arith.addi %mul3A_319, %add3A_348 : i32
          %broadcast_in_dim3A_350 = vector.broadcast %add3A_349 : i32 to vector<16xi32>
          %gather3A_351 = tpu.vector_load_idx %arg6[%iota3A, %broadcast_in_dim3A_350] : memref<16x1024xf32, #tpu.memory_space<vmem>>[vector<16xi32>, vector<16xi32>], vector<16xf32>,
          %swap3A_352 = arith.index_cast %add3A_317 : i32 to index
          %swap3A_353 = arith.constant 64 : index
          %swap3A_354 = tpu.vector_load %arg8[%swap3A_352, %swap3A_353] {strides = array<i32>} : memref<128x128xf32, #tpu.memory_space<vmem>>, vector<16xf32>,
          tpu.vector_store %arg8[%swap3A_352, %swap3A_353], %gather3A_351 {strides = array<i32>} : memref<128x128xf32, #tpu.memory_space<vmem>>, vector<16xf32>,
          %add3A_355 = arith.constant 5 : i32
          %add3A_356 = arith.addi %mul3A_319, %add3A_355 : i32
          %broadcast_in_dim3A_357 = vector.broadcast %add3A_356 : i32 to vector<16xi32>
          %gather3A_358 = tpu.vector_load_idx %arg6[%iota3A, %broadcast_in_dim3A_357] : memref<16x1024xf32, #tpu.memory_space<vmem>>[vector<16xi32>, vector<16xi32>], vector<16xf32>,
          %swap3A_359 = arith.index_cast %add3A_317 : i32 to index
          %swap3A_360 = arith.constant 80 : index
          %swap3A_361 = tpu.vector_load %arg8[%swap3A_359, %swap3A_360] {strides = array<i32>} : memref<128x128xf32, #tpu.memory_space<vmem>>, vector<16xf32>,
          tpu.vector_store %arg8[%swap3A_359, %swap3A_360], %gather3A_358 {strides = array<i32>} : memref<128x128xf32, #tpu.memory_space<vmem>>, vector<16xf32>,
          %add3A_362 = arith.constant 6 : i32
          %add3A_363 = arith.addi %mul3A_319, %add3A_362 : i32
          %broadcast_in_dim3A_364 = vector.broadcast %add3A_363 : i32 to vector<16xi32>
          %gather3A_365 = tpu.vector_load_idx %arg6[%iota3A, %broadcast_in_dim3A_364] : memref<16x1024xf32, #tpu.memory_space<vmem>>[vector<16xi32>, vector<16xi32>], vector<16xf32>,
          %swap3A_366 = arith.index_cast %add3A_317 : i32 to index
          %swap3A_367 = arith.constant 96 : index
          %swap3A_368 = tpu.vector_load %arg8[%swap3A_366, %swap3A_367] {strides = array<i32>} : memref<128x128xf32, #tpu.memory_space<vmem>>, vector<16xf32>,
          tpu.vector_store %arg8[%swap3A_366, %swap3A_367], %gather3A_365 {strides = array<i32>} : memref<128x128xf32, #tpu.memory_space<vmem>>, vector<16xf32>,
          %add3A_369 = arith.constant 7 : i32
          %add3A_370 = arith.addi %mul3A_319, %add3A_369 : i32
          %broadcast_in_dim3A_371 = vector.broadcast %add3A_370 : i32 to vector<16xi32>
          %gather3A_372 = tpu.vector_load_idx %arg6[%iota3A, %broadcast_in_dim3A_371] : memref<16x1024xf32, #tpu.memory_space<vmem>>[vector<16xi32>, vector<16xi32>], vector<16xf32>,
          %swap3A_373 = arith.index_cast %add3A_317 : i32 to index
          %swap3A_374 = arith.constant 112 : index
          %swap3A_375 = tpu.vector_load %arg8[%swap3A_373, %swap3A_374] {strides = array<i32>} : memref<128x128xf32, #tpu.memory_space<vmem>>, vector<16xf32>,
          tpu.vector_store %arg8[%swap3A_373, %swap3A_374], %gather3A_372 {strides = array<i32>} : memref<128x128xf32, #tpu.memory_space<vmem>>, vector<16xf32>,
          %scan3A_376 = arith.constant 3 : i32
          %scan3A_377 = arith.addi %scan3A_188, %scan3A_376 : i32
          %mul3A_378 = arith.constant 1 : i32
          %mul3A_379 = arith.muli %scan3A_377, %mul3A_378 : i32
          %add3A_380 = arith.constant 0 : i32
          %add3A_381 = arith.addi %add3A_380, %mul3A_379 : i32
          %mul3A_382 = arith.constant 8 : i32
          %mul3A_383 = arith.muli %add3A_381, %mul3A_382 : i32
          %add3A_384 = arith.constant 0 : i32
          %add3A_385 = arith.addi %mul3A_383, %add3A_384 : i32
          %broadcast_in_dim3A_386 = vector.broadcast %add3A_385 : i32 to vector<16xi32>
          %gather3A_387 = tpu.vector_load_idx %arg6[%iota3A, %broadcast_in_dim3A_386] : memref<16x1024xf32, #tpu.memory_space<vmem>>[vector<16xi32>, vector<16xi32>], vector<16xf32>,
          %swap3A_388 = arith.index_cast %add3A_381 : i32 to index
          %swap3A_389 = arith.constant 0 : index
          %swap3A_390 = tpu.vector_load %arg8[%swap3A_388, %swap3A_389] {strides = array<i32>} : memref<128x128xf32, #tpu.memory_space<vmem>>, vector<16xf32>,
          tpu.vector_store %arg8[%swap3A_388, %swap3A_389], %gather3A_387 {strides = array<i32>} : memref<128x128xf32, #tpu.memory_space<vmem>>, vector<16xf32>,
          %add3A_391 = arith.constant 1 : i32
          %add3A_392 = arith.addi %mul3A_383, %add3A_391 : i32
          %broadcast_in_dim3A_393 = vector.broadcast %add3A_392 : i32 to vector<16xi32>
          %gather3A_394 = tpu.vector_load_idx %arg6[%iota3A, %broadcast_in_dim3A_393] : memref<16x1024xf32, #tpu.memory_space<vmem>>[vector<16xi32>, vector<16xi32>], vector<16xf32>,
          %swap3A_395 = arith.index_cast %add3A_381 : i32 to index
          %swap3A_396 = arith.constant 16 : index
          %swap3A_397 = tpu.vector_load %arg8[%swap3A_395, %swap3A_396] {strides = array<i32>} : memref<128x128xf32, #tpu.memory_space<vmem>>, vector<16xf32>,
          tpu.vector_store %arg8[%swap3A_395, %swap3A_396], %gather3A_394 {strides = array<i32>} : memref<128x128xf32, #tpu.memory_space<vmem>>, vector<16xf32>,
          %add3A_398 = arith.constant 2 : i32
          %add3A_399 = arith.addi %mul3A_383, %add3A_398 : i32
          %broadcast_in_dim3A_400 = vector.broadcast %add3A_399 : i32 to vector<16xi32>
          %gather3A_401 = tpu.vector_load_idx %arg6[%iota3A, %broadcast_in_dim3A_400] : memref<16x1024xf32, #tpu.memory_space<vmem>>[vector<16xi32>, vector<16xi32>], vector<16xf32>,
          %swap3A_402 = arith.index_cast %add3A_381 : i32 to index
          %swap3A_403 = arith.constant 32 : index
          %swap3A_404 = tpu.vector_load %arg8[%swap3A_402, %swap3A_403] {strides = array<i32>} : memref<128x128xf32, #tpu.memory_space<vmem>>, vector<16xf32>,
          tpu.vector_store %arg8[%swap3A_402, %swap3A_403], %gather3A_401 {strides = array<i32>} : memref<128x128xf32, #tpu.memory_space<vmem>>, vector<16xf32>,
          %add3A_405 = arith.constant 3 : i32
          %add3A_406 = arith.addi %mul3A_383, %add3A_405 : i32
          %broadcast_in_dim3A_407 = vector.broadcast %add3A_406 : i32 to vector<16xi32>
          %gather3A_408 = tpu.vector_load_idx %arg6[%iota3A, %broadcast_in_dim3A_407] : memref<16x1024xf32, #tpu.memory_space<vmem>>[vector<16xi32>, vector<16xi32>], vector<16xf32>,
          %swap3A_409 = arith.index_cast %add3A_381 : i32 to index
          %swap3A_410 = arith.constant 48 : index
          %swap3A_411 = tpu.vector_load %arg8[%swap3A_409, %swap3A_410] {strides = array<i32>} : memref<128x128xf32, #tpu.memory_space<vmem>>, vector<16xf32>,
          tpu.vector_store %arg8[%swap3A_409, %swap3A_410], %gather3A_408 {strides = array<i32>} : memref<128x128xf32, #tpu.memory_space<vmem>>, vector<16xf32>,
          %add3A_412 = arith.constant 4 : i32
          %add3A_413 = arith.addi %mul3A_383, %add3A_412 : i32
          %broadcast_in_dim3A_414 = vector.broadcast %add3A_413 : i32 to vector<16xi32>
          %gather3A_415 = tpu.vector_load_idx %arg6[%iota3A, %broadcast_in_dim3A_414] : memref<16x1024xf32, #tpu.memory_space<vmem>>[vector<16xi32>, vector<16xi32>], vector<16xf32>,
          %swap3A_416 = arith.index_cast %add3A_381 : i32 to index
          %swap3A_417 = arith.constant 64 : index
          %swap3A_418 = tpu.vector_load %arg8[%swap3A_416, %swap3A_417] {strides = array<i32>} : memref<128x128xf32, #tpu.memory_space<vmem>>, vector<16xf32>,
          tpu.vector_store %arg8[%swap3A_416, %swap3A_417], %gather3A_415 {strides = array<i32>} : memref<128x128xf32, #tpu.memory_space<vmem>>, vector<16xf32>,
          %add3A_419 = arith.constant 5 : i32
          %add3A_420 = arith.addi %mul3A_383, %add3A_419 : i32
          %broadcast_in_dim3A_421 = vector.broadcast %add3A_420 : i32 to vector<16xi32>
          %gather3A_422 = tpu.vector_load_idx %arg6[%iota3A, %broadcast_in_dim3A_421] : memref<16x1024xf32, #tpu.memory_space<vmem>>[vector<16xi32>, vector<16xi32>], vector<16xf32>,
          %swap3A_423 = arith.index_cast %add3A_381 : i32 to index
          %swap3A_424 = arith.constant 80 : index
          %swap3A_425 = tpu.vector_load %arg8[%swap3A_423, %swap3A_424] {strides = array<i32>} : memref<128x128xf32, #tpu.memory_space<vmem>>, vector<16xf32>,
          tpu.vector_store %arg8[%swap3A_423, %swap3A_424], %gather3A_422 {strides = array<i32>} : memref<128x128xf32, #tpu.memory_space<vmem>>, vector<16xf32>,
          %add3A_426 = arith.constant 6 : i32
          %add3A_427 = arith.addi %mul3A_383, %add3A_426 : i32
          %broadcast_in_dim3A_428 = vector.broadcast %add3A_427 : i32 to vector<16xi32>
          %gather3A_429 = tpu.vector_load_idx %arg6[%iota3A, %broadcast_in_dim3A_428] : memref<16x1024xf32, #tpu.memory_space<vmem>>[vector<16xi32>, vector<16xi32>], vector<16xf32>,
          %swap3A_430 = arith.index_cast %add3A_381 : i32 to index
          %swap3A_431 = arith.constant 96 : index
          %swap3A_432 = tpu.vector_load %arg8[%swap3A_430, %swap3A_431] {strides = array<i32>} : memref<128x128xf32, #tpu.memory_space<vmem>>, vector<16xf32>,
          tpu.vector_store %arg8[%swap3A_430, %swap3A_431], %gather3A_429 {strides = array<i32>} : memref<128x128xf32, #tpu.memory_space<vmem>>, vector<16xf32>,
          %add3A_433 = arith.constant 7 : i32
          %add3A_434 = arith.addi %mul3A_383, %add3A_433 : i32
          %broadcast_in_dim3A_435 = vector.broadcast %add3A_434 : i32 to vector<16xi32>
          %gather3A_436 = tpu.vector_load_idx %arg6[%iota3A, %broadcast_in_dim3A_435] : memref<16x1024xf32, #tpu.memory_space<vmem>>[vector<16xi32>, vector<16xi32>], vector<16xf32>,
          %swap3A_437 = arith.index_cast %add3A_381 : i32 to index
          %swap3A_438 = arith.constant 112 : index
          %swap3A_439 = tpu.vector_load %arg8[%swap3A_437, %swap3A_438] {strides = array<i32>} : memref<128x128xf32, #tpu.memory_space<vmem>>, vector<16xf32>,
          tpu.vector_store %arg8[%swap3A_437, %swap3A_438], %gather3A_436 {strides = array<i32>} : memref<128x128xf32, #tpu.memory_space<vmem>>, vector<16xf32>,
        }
        %scan3A_163 = arith.constant 128 : i32
        %jit3A_164 = arith.constant 8 : i32
        %div3A_165 = arith.divsi %mul3A_158, %jit3A_164 : i32
        %sign3A_166 = arith.constant 0 : i32
        %sign3A_167 = arith.cmpi sgt, %mul3A_158, %sign3A_166 : i32
        %sign3A_168 = arith.extui %sign3A_167 : i1 to i32
        %sign3A_169 = arith.constant 0 : i32
        %sign3A_170 = arith.cmpi slt, %mul3A_158, %sign3A_169 : i32
        %sign3A_171 = arith.extui %sign3A_170 : i1 to i32
        %sign3A_172 = arith.subi %sign3A_168, %sign3A_171 : i32
        %sign3A_173 = arith.constant 0 : i32
        %sign3A_174 = arith.cmpi sgt, %jit3A_164, %sign3A_173 : i32
        %sign3A_175 = arith.extui %sign3A_174 : i1 to i32
        %sign3A_176 = arith.constant 0 : i32
        %sign3A_177 = arith.cmpi slt, %jit3A_164, %sign3A_176 : i32
        %sign3A_178 = arith.extui %sign3A_177 : i1 to i32
        %sign3A_179 = arith.subi %sign3A_175, %sign3A_178 : i32
        %ne3A_180 = arith.cmpi ne, %sign3A_172, %sign3A_179 : i32
        %rem3A_181 = arith.remsi %mul3A_158, %jit3A_164 : i32
        %ne3A_182 = arith.constant 0 : i32
        %ne3A_183 = arith.cmpi ne, %rem3A_181, %ne3A_182 : i32
        %and3A_184 = arith.andi %ne3A_180, %ne3A_183 : i1
        %sub3A_185 = arith.constant 1 : i32
        %sub3A_186 = arith.subi %div3A_165, %sub3A_185 : i32
        %select_n3A_187 = arith.select %and3A_184, %sub3A_186, %div3A_165 : i32
        %multiple_of3A = tpu.assume_multiple %select_n3A_187, 8 : i32
        "tpu.region"() ({
          %run_scoped3A = tpu.sem_alloc : memref<!tpu.dma_semaphore, #tpu.memory_space<semaphore_mem>>
          %dma_start3A = arith.constant 0 : i32
          %dma_start3A_188 = arith.constant 0 : i32
          %dma_start3A_189 = tpu.memref_slice %arg8[%dma_start3A, %dma_start3A_188] : memref<128x128xf32, #tpu.memory_space<vmem>> -> memref<128x128xf32, #tpu.memory_space<vmem>>
          %dma_start3A_190 = arith.constant 0 : i32
          %dma_start3A_191 = tpu.memref_slice %arg4[%select_n3A_140, %multiple_of3A, %dma_start3A_190] : memref<26x13000x128xf32, #tpu.memory_space<hbm>> -> memref<1x128x128xf32, #tpu.memory_space<hbm>>
          %dma_start3A_192 = tpu.memref_squeeze %dma_start3A_191 : memref<1x128x128xf32, #tpu.memory_space<hbm>> -> memref<128x128xf32, #tpu.memory_space<hbm>>
          %dma_start3A_193 = arith.constant 0 : i32
          %dma_start3A_194 = tpu.memref_slice %arg4[%select_n3A_140, %multiple_of3A, %dma_start3A_193] : memref<26x13000x128xf32, #tpu.memory_space<hbm>> -> memref<1x128x128xf32, #tpu.memory_space<hbm>>
          %dma_start3A_195 = tpu.memref_squeeze %dma_start3A_194 : memref<1x128x128xf32, #tpu.memory_space<hbm>> -> memref<128x128xf32, #tpu.memory_space<hbm>>
          %dma_start3A_196 = arith.constant 0 : i32
          %dma_start3A_197 = arith.constant 0 : i32
          %dma_start3A_198 = tpu.memref_slice %arg8[%dma_start3A_196, %dma_start3A_197] : memref<128x128xf32, #tpu.memory_space<vmem>> -> memref<128x128xf32, #tpu.memory_space<vmem>>
          tpu.enqueue_dma source(%dma_start3A_198 : memref<128x128xf32, #tpu.memory_space<vmem>>) target(%dma_start3A_195 : memref<128x128xf32, #tpu.memory_space<hbm>>) target_semaphore(%run_scoped3A : memref<!tpu.dma_semaphore, #tpu.memory_space<semaphore_mem>>)
          %dma_wait3A_199 = arith.constant 0 : i32
          %dma_wait3A_200 = arith.constant 0 : i32
          %dma_wait3A_201 = tpu.memref_slice %arg8[%dma_wait3A_199, %dma_wait3A_200] : memref<128x128xf32, #tpu.memory_space<vmem>> -> memref<128x128xf32, #tpu.memory_space<vmem>>
          %dma_wait3A_202 = arith.constant 0 : i32
          %dma_wait3A_203 = tpu.memref_slice %arg4[%select_n3A_140, %multiple_of3A, %dma_wait3A_202] : memref<26x13000x128xf32, #tpu.memory_space<hbm>> -> memref<1x128x128xf32, #tpu.memory_space<hbm>>
          %dma_wait3A_204 = tpu.memref_squeeze %dma_wait3A_203 : memref<1x128x128xf32, #tpu.memory_space<hbm>> -> memref<128x128xf32, #tpu.memory_space<hbm>>
          %dma_wait3A_205 = arith.constant 0 : i32
          %dma_wait3A_206 = tpu.memref_slice %arg4[%select_n3A_140, %multiple_of3A, %dma_wait3A_205] : memref<26x13000x128xf32, #tpu.memory_space<hbm>> -> memref<1x128x128xf32, #tpu.memory_space<hbm>>
          %dma_wait3A_207 = tpu.memref_squeeze %dma_wait3A_206 : memref<1x128x128xf32, #tpu.memory_space<hbm>> -> memref<128x128xf32, #tpu.memory_space<hbm>>
          %dma_wait3A_208 = arith.constant 0 : i32
          %dma_wait3A_209 = arith.constant 0 : i32
          %dma_wait3A_210 = tpu.memref_slice %arg8[%dma_wait3A_208, %dma_wait3A_209] : memref<128x128xf32, #tpu.memory_space<vmem>> -> memref<128x128xf32, #tpu.memory_space<vmem>>
          tpu.wait_dma2 semaphore(%run_scoped3A : memref<!tpu.dma_semaphore, #tpu.memory_space<semaphore_mem>>) src(%dma_wait3A_210 : memref<128x128xf32, #tpu.memory_space<vmem>>) dst(%dma_wait3A_207 : memref<128x128xf32, #tpu.memory_space<hbm>>)
          tpu.yield
        }) : () -> ()
      } else {
      }
    }
    %scan3A_6 = arith.constant 83 : i32
    %lt3A_7 = arith.constant 26 : i32
    %lt3A_8 = arith.cmpi slt, %add3A, %lt3A_7 : i32
    %convert_element_type3A_9 = arith.extui %lt3A_8 : i1 to i32
    %cond3A_10 = arith.constant 0 : i32
    %cond3A_11 = arith.cmpi ne, %convert_element_type3A_9, %cond3A_10 : i32
    scf.if %cond3A_11 {
      "tpu.region"() ({
        %run_scoped3A = tpu.sem_alloc : memref<!tpu.dma_semaphore, #tpu.memory_space<semaphore_mem>>
        %dma_start3A = arith.constant 0 : i32
        %dma_start3A_17 = arith.constant 103424 : i32
        %dma_start3A_18 = tpu.memref_slice %arg2[%add3A, %dma_start3A, %dma_start3A_17] : memref<26x16x104000xf32, #tpu.memory_space<hbm>> -> memref<1x16x512xf32, #tpu.memory_space<hbm>>
        %dma_start3A_19 = tpu.memref_squeeze %dma_start3A_18 : memref<1x16x512xf32, #tpu.memory_space<hbm>> -> memref<16x512xf32, #tpu.memory_space<hbm>>
        %dma_start3A_20 = arith.constant 0 : i32
        %dma_start3A_21 = arith.constant 103424 : i32
        %dma_start3A_22 = tpu.memref_slice %arg2[%add3A, %dma_start3A_20, %dma_start3A_21] : memref<26x16x104000xf32, #tpu.memory_space<hbm>> -> memref<1x16x512xf32, #tpu.memory_space<hbm>>
        %dma_start3A_23 = tpu.memref_squeeze %dma_start3A_22 : memref<1x16x512xf32, #tpu.memory_space<hbm>> -> memref<16x512xf32, #tpu.memory_space<hbm>>
        tpu.enqueue_dma source(%dma_start3A_23 : memref<16x512xf32, #tpu.memory_space<hbm>>) target(%arg7 : memref<16x512xf32, #tpu.memory_space<vmem>>) target_semaphore(%run_scoped3A : memref<!tpu.dma_semaphore, #tpu.memory_space<semaphore_mem>>)
        %dma_wait3A = arith.constant 0 : i32
        %dma_wait3A_24 = arith.constant 103424 : i32
        %dma_wait3A_25 = tpu.memref_slice %arg2[%add3A, %dma_wait3A, %dma_wait3A_24] : memref<26x16x104000xf32, #tpu.memory_space<hbm>> -> memref<1x16x512xf32, #tpu.memory_space<hbm>>
        %dma_wait3A_26 = tpu.memref_squeeze %dma_wait3A_25 : memref<1x16x512xf32, #tpu.memory_space<hbm>> -> memref<16x512xf32, #tpu.memory_space<hbm>>
        %dma_wait3A_27 = arith.constant 0 : i32
        %dma_wait3A_28 = arith.constant 103424 : i32
        %dma_wait3A_29 = tpu.memref_slice %arg2[%add3A, %dma_wait3A_27, %dma_wait3A_28] : memref<26x16x104000xf32, #tpu.memory_space<hbm>> -> memref<1x16x512xf32, #tpu.memory_space<hbm>>
        %dma_wait3A_30 = tpu.memref_squeeze %dma_wait3A_29 : memref<1x16x512xf32, #tpu.memory_space<hbm>> -> memref<16x512xf32, #tpu.memory_space<hbm>>
        tpu.wait_dma2 semaphore(%run_scoped3A : memref<!tpu.dma_semaphore, #tpu.memory_space<semaphore_mem>>) src(%dma_wait3A_30 : memref<16x512xf32, #tpu.memory_space<hbm>>) dst(%arg7 : memref<16x512xf32, #tpu.memory_space<vmem>>)
        tpu.yield
      }) : () -> ()
      %scan3A_12 = arith.constant 0 : i32
      %scan3A_13 = arith.constant 64 : i32
      %scan3A_14 = arith.addi %scan3A_12, %scan3A_13 : i32
      %scan3A_15 = arith.constant 4 : i32
      scf.for %scan3A_17 = %scan3A_12 to %scan3A_14 step %scan3A_15  : i32 {
        %mul3A_18 = arith.constant 1 : i32
        %mul3A_19 = arith.muli %scan3A_17, %mul3A_18 : i32
        %add3A_20 = arith.constant 0 : i32
        %add3A_21 = arith.addi %add3A_20, %mul3A_19 : i32
        %mul3A_22 = arith.constant 8 : i32
        %mul3A_23 = arith.muli %add3A_21, %mul3A_22 : i32
        %add3A_24 = arith.constant 0 : i32
        %add3A_25 = arith.addi %mul3A_23, %add3A_24 : i32
        %broadcast_in_dim3A = vector.broadcast %add3A_25 : i32 to vector<16xi32>
        %gather3A = tpu.vector_load_idx %arg7[%iota3A, %broadcast_in_dim3A] : memref<16x512xf32, #tpu.memory_space<vmem>>[vector<16xi32>, vector<16xi32>], vector<16xf32>,
        %swap3A = arith.index_cast %add3A_21 : i32 to index
        %swap3A_26 = arith.constant 0 : index
        %swap3A_27 = tpu.vector_load %arg8[%swap3A, %swap3A_26] {strides = array<i32>} : memref<128x128xf32, #tpu.memory_space<vmem>>, vector<16xf32>,
        tpu.vector_store %arg8[%swap3A, %swap3A_26], %gather3A {strides = array<i32>} : memref<128x128xf32, #tpu.memory_space<vmem>>, vector<16xf32>,
        %add3A_28 = arith.constant 1 : i32
        %add3A_29 = arith.addi %mul3A_23, %add3A_28 : i32
        %broadcast_in_dim3A_30 = vector.broadcast %add3A_29 : i32 to vector<16xi32>
        %gather3A_31 = tpu.vector_load_idx %arg7[%iota3A, %broadcast_in_dim3A_30] : memref<16x512xf32, #tpu.memory_space<vmem>>[vector<16xi32>, vector<16xi32>], vector<16xf32>,
        %swap3A_32 = arith.index_cast %add3A_21 : i32 to index
        %swap3A_33 = arith.constant 16 : index
        %swap3A_34 = tpu.vector_load %arg8[%swap3A_32, %swap3A_33] {strides = array<i32>} : memref<128x128xf32, #tpu.memory_space<vmem>>, vector<16xf32>,
        tpu.vector_store %arg8[%swap3A_32, %swap3A_33], %gather3A_31 {strides = array<i32>} : memref<128x128xf32, #tpu.memory_space<vmem>>, vector<16xf32>,
        %add3A_35 = arith.constant 2 : i32
        %add3A_36 = arith.addi %mul3A_23, %add3A_35 : i32
        %broadcast_in_dim3A_37 = vector.broadcast %add3A_36 : i32 to vector<16xi32>
        %gather3A_38 = tpu.vector_load_idx %arg7[%iota3A, %broadcast_in_dim3A_37] : memref<16x512xf32, #tpu.memory_space<vmem>>[vector<16xi32>, vector<16xi32>], vector<16xf32>,
        %swap3A_39 = arith.index_cast %add3A_21 : i32 to index
        %swap3A_40 = arith.constant 32 : index
        %swap3A_41 = tpu.vector_load %arg8[%swap3A_39, %swap3A_40] {strides = array<i32>} : memref<128x128xf32, #tpu.memory_space<vmem>>, vector<16xf32>,
        tpu.vector_store %arg8[%swap3A_39, %swap3A_40], %gather3A_38 {strides = array<i32>} : memref<128x128xf32, #tpu.memory_space<vmem>>, vector<16xf32>,
        %add3A_42 = arith.constant 3 : i32
        %add3A_43 = arith.addi %mul3A_23, %add3A_42 : i32
        %broadcast_in_dim3A_44 = vector.broadcast %add3A_43 : i32 to vector<16xi32>
        %gather3A_45 = tpu.vector_load_idx %arg7[%iota3A, %broadcast_in_dim3A_44] : memref<16x512xf32, #tpu.memory_space<vmem>>[vector<16xi32>, vector<16xi32>], vector<16xf32>,
        %swap3A_46 = arith.index_cast %add3A_21 : i32 to index
        %swap3A_47 = arith.constant 48 : index
        %swap3A_48 = tpu.vector_load %arg8[%swap3A_46, %swap3A_47] {strides = array<i32>} : memref<128x128xf32, #tpu.memory_space<vmem>>, vector<16xf32>,
        tpu.vector_store %arg8[%swap3A_46, %swap3A_47], %gather3A_45 {strides = array<i32>} : memref<128x128xf32, #tpu.memory_space<vmem>>, vector<16xf32>,
        %add3A_49 = arith.constant 4 : i32
        %add3A_50 = arith.addi %mul3A_23, %add3A_49 : i32
        %broadcast_in_dim3A_51 = vector.broadcast %add3A_50 : i32 to vector<16xi32>
        %gather3A_52 = tpu.vector_load_idx %arg7[%iota3A, %broadcast_in_dim3A_51] : memref<16x512xf32, #tpu.memory_space<vmem>>[vector<16xi32>, vector<16xi32>], vector<16xf32>,
        %swap3A_53 = arith.index_cast %add3A_21 : i32 to index
        %swap3A_54 = arith.constant 64 : index
        %swap3A_55 = tpu.vector_load %arg8[%swap3A_53, %swap3A_54] {strides = array<i32>} : memref<128x128xf32, #tpu.memory_space<vmem>>, vector<16xf32>,
        tpu.vector_store %arg8[%swap3A_53, %swap3A_54], %gather3A_52 {strides = array<i32>} : memref<128x128xf32, #tpu.memory_space<vmem>>, vector<16xf32>,
        %add3A_56 = arith.constant 5 : i32
        %add3A_57 = arith.addi %mul3A_23, %add3A_56 : i32
        %broadcast_in_dim3A_58 = vector.broadcast %add3A_57 : i32 to vector<16xi32>
        %gather3A_59 = tpu.vector_load_idx %arg7[%iota3A, %broadcast_in_dim3A_58] : memref<16x512xf32, #tpu.memory_space<vmem>>[vector<16xi32>, vector<16xi32>], vector<16xf32>,
        %swap3A_60 = arith.index_cast %add3A_21 : i32 to index
        %swap3A_61 = arith.constant 80 : index
        %swap3A_62 = tpu.vector_load %arg8[%swap3A_60, %swap3A_61] {strides = array<i32>} : memref<128x128xf32, #tpu.memory_space<vmem>>, vector<16xf32>,
        tpu.vector_store %arg8[%swap3A_60, %swap3A_61], %gather3A_59 {strides = array<i32>} : memref<128x128xf32, #tpu.memory_space<vmem>>, vector<16xf32>,
        %add3A_63 = arith.constant 6 : i32
        %add3A_64 = arith.addi %mul3A_23, %add3A_63 : i32
        %broadcast_in_dim3A_65 = vector.broadcast %add3A_64 : i32 to vector<16xi32>
        %gather3A_66 = tpu.vector_load_idx %arg7[%iota3A, %broadcast_in_dim3A_65] : memref<16x512xf32, #tpu.memory_space<vmem>>[vector<16xi32>, vector<16xi32>], vector<16xf32>,
        %swap3A_67 = arith.index_cast %add3A_21 : i32 to index
        %swap3A_68 = arith.constant 96 : index
        %swap3A_69 = tpu.vector_load %arg8[%swap3A_67, %swap3A_68] {strides = array<i32>} : memref<128x128xf32, #tpu.memory_space<vmem>>, vector<16xf32>,
        tpu.vector_store %arg8[%swap3A_67, %swap3A_68], %gather3A_66 {strides = array<i32>} : memref<128x128xf32, #tpu.memory_space<vmem>>, vector<16xf32>,
        %add3A_70 = arith.constant 7 : i32
        %add3A_71 = arith.addi %mul3A_23, %add3A_70 : i32
        %broadcast_in_dim3A_72 = vector.broadcast %add3A_71 : i32 to vector<16xi32>
        %gather3A_73 = tpu.vector_load_idx %arg7[%iota3A, %broadcast_in_dim3A_72] : memref<16x512xf32, #tpu.memory_space<vmem>>[vector<16xi32>, vector<16xi32>], vector<16xf32>,
        %swap3A_74 = arith.index_cast %add3A_21 : i32 to index
        %swap3A_75 = arith.constant 112 : index
        %swap3A_76 = tpu.vector_load %arg8[%swap3A_74, %swap3A_75] {strides = array<i32>} : memref<128x128xf32, #tpu.memory_space<vmem>>, vector<16xf32>,
        tpu.vector_store %arg8[%swap3A_74, %swap3A_75], %gather3A_73 {strides = array<i32>} : memref<128x128xf32, #tpu.memory_space<vmem>>, vector<16xf32>,
        %scan3A_77 = arith.constant 1 : i32
        %scan3A_78 = arith.addi %scan3A_17, %scan3A_77 : i32
        %mul3A_79 = arith.constant 1 : i32
        %mul3A_80 = arith.muli %scan3A_78, %mul3A_79 : i32
        %add3A_81 = arith.constant 0 : i32
        %add3A_82 = arith.addi %add3A_81, %mul3A_80 : i32
        %mul3A_83 = arith.constant 8 : i32
        %mul3A_84 = arith.muli %add3A_82, %mul3A_83 : i32
        %add3A_85 = arith.constant 0 : i32
        %add3A_86 = arith.addi %mul3A_84, %add3A_85 : i32
        %broadcast_in_dim3A_87 = vector.broadcast %add3A_86 : i32 to vector<16xi32>
        %gather3A_88 = tpu.vector_load_idx %arg7[%iota3A, %broadcast_in_dim3A_87] : memref<16x512xf32, #tpu.memory_space<vmem>>[vector<16xi32>, vector<16xi32>], vector<16xf32>,
        %swap3A_89 = arith.index_cast %add3A_82 : i32 to index
        %swap3A_90 = arith.constant 0 : index
        %swap3A_91 = tpu.vector_load %arg8[%swap3A_89, %swap3A_90] {strides = array<i32>} : memref<128x128xf32, #tpu.memory_space<vmem>>, vector<16xf32>,
        tpu.vector_store %arg8[%swap3A_89, %swap3A_90], %gather3A_88 {strides = array<i32>} : memref<128x128xf32, #tpu.memory_space<vmem>>, vector<16xf32>,
        %add3A_92 = arith.constant 1 : i32
        %add3A_93 = arith.addi %mul3A_84, %add3A_92 : i32
        %broadcast_in_dim3A_94 = vector.broadcast %add3A_93 : i32 to vector<16xi32>
        %gather3A_95 = tpu.vector_load_idx %arg7[%iota3A, %broadcast_in_dim3A_94] : memref<16x512xf32, #tpu.memory_space<vmem>>[vector<16xi32>, vector<16xi32>], vector<16xf32>,
        %swap3A_96 = arith.index_cast %add3A_82 : i32 to index
        %swap3A_97 = arith.constant 16 : index
        %swap3A_98 = tpu.vector_load %arg8[%swap3A_96, %swap3A_97] {strides = array<i32>} : memref<128x128xf32, #tpu.memory_space<vmem>>, vector<16xf32>,
        tpu.vector_store %arg8[%swap3A_96, %swap3A_97], %gather3A_95 {strides = array<i32>} : memref<128x128xf32, #tpu.memory_space<vmem>>, vector<16xf32>,
        %add3A_99 = arith.constant 2 : i32
        %add3A_100 = arith.addi %mul3A_84, %add3A_99 : i32
        %broadcast_in_dim3A_101 = vector.broadcast %add3A_100 : i32 to vector<16xi32>
        %gather3A_102 = tpu.vector_load_idx %arg7[%iota3A, %broadcast_in_dim3A_101] : memref<16x512xf32, #tpu.memory_space<vmem>>[vector<16xi32>, vector<16xi32>], vector<16xf32>,
        %swap3A_103 = arith.index_cast %add3A_82 : i32 to index
        %swap3A_104 = arith.constant 32 : index
        %swap3A_105 = tpu.vector_load %arg8[%swap3A_103, %swap3A_104] {strides = array<i32>} : memref<128x128xf32, #tpu.memory_space<vmem>>, vector<16xf32>,
        tpu.vector_store %arg8[%swap3A_103, %swap3A_104], %gather3A_102 {strides = array<i32>} : memref<128x128xf32, #tpu.memory_space<vmem>>, vector<16xf32>,
        %add3A_106 = arith.constant 3 : i32
        %add3A_107 = arith.addi %mul3A_84, %add3A_106 : i32
        %broadcast_in_dim3A_108 = vector.broadcast %add3A_107 : i32 to vector<16xi32>
        %gather3A_109 = tpu.vector_load_idx %arg7[%iota3A, %broadcast_in_dim3A_108] : memref<16x512xf32, #tpu.memory_space<vmem>>[vector<16xi32>, vector<16xi32>], vector<16xf32>,
        %swap3A_110 = arith.index_cast %add3A_82 : i32 to index
        %swap3A_111 = arith.constant 48 : index
        %swap3A_112 = tpu.vector_load %arg8[%swap3A_110, %swap3A_111] {strides = array<i32>} : memref<128x128xf32, #tpu.memory_space<vmem>>, vector<16xf32>,
        tpu.vector_store %arg8[%swap3A_110, %swap3A_111], %gather3A_109 {strides = array<i32>} : memref<128x128xf32, #tpu.memory_space<vmem>>, vector<16xf32>,
        %add3A_113 = arith.constant 4 : i32
        %add3A_114 = arith.addi %mul3A_84, %add3A_113 : i32
        %broadcast_in_dim3A_115 = vector.broadcast %add3A_114 : i32 to vector<16xi32>
        %gather3A_116 = tpu.vector_load_idx %arg7[%iota3A, %broadcast_in_dim3A_115] : memref<16x512xf32, #tpu.memory_space<vmem>>[vector<16xi32>, vector<16xi32>], vector<16xf32>,
        %swap3A_117 = arith.index_cast %add3A_82 : i32 to index
        %swap3A_118 = arith.constant 64 : index
        %swap3A_119 = tpu.vector_load %arg8[%swap3A_117, %swap3A_118] {strides = array<i32>} : memref<128x128xf32, #tpu.memory_space<vmem>>, vector<16xf32>,
        tpu.vector_store %arg8[%swap3A_117, %swap3A_118], %gather3A_116 {strides = array<i32>} : memref<128x128xf32, #tpu.memory_space<vmem>>, vector<16xf32>,
        %add3A_120 = arith.constant 5 : i32
        %add3A_121 = arith.addi %mul3A_84, %add3A_120 : i32
        %broadcast_in_dim3A_122 = vector.broadcast %add3A_121 : i32 to vector<16xi32>
        %gather3A_123 = tpu.vector_load_idx %arg7[%iota3A, %broadcast_in_dim3A_122] : memref<16x512xf32, #tpu.memory_space<vmem>>[vector<16xi32>, vector<16xi32>], vector<16xf32>,
        %swap3A_124 = arith.index_cast %add3A_82 : i32 to index
        %swap3A_125 = arith.constant 80 : index
        %swap3A_126 = tpu.vector_load %arg8[%swap3A_124, %swap3A_125] {strides = array<i32>} : memref<128x128xf32, #tpu.memory_space<vmem>>, vector<16xf32>,
        tpu.vector_store %arg8[%swap3A_124, %swap3A_125], %gather3A_123 {strides = array<i32>} : memref<128x128xf32, #tpu.memory_space<vmem>>, vector<16xf32>,
        %add3A_127 = arith.constant 6 : i32
        %add3A_128 = arith.addi %mul3A_84, %add3A_127 : i32
        %broadcast_in_dim3A_129 = vector.broadcast %add3A_128 : i32 to vector<16xi32>
        %gather3A_130 = tpu.vector_load_idx %arg7[%iota3A, %broadcast_in_dim3A_129] : memref<16x512xf32, #tpu.memory_space<vmem>>[vector<16xi32>, vector<16xi32>], vector<16xf32>,
        %swap3A_131 = arith.index_cast %add3A_82 : i32 to index
        %swap3A_132 = arith.constant 96 : index
        %swap3A_133 = tpu.vector_load %arg8[%swap3A_131, %swap3A_132] {strides = array<i32>} : memref<128x128xf32, #tpu.memory_space<vmem>>, vector<16xf32>,
        tpu.vector_store %arg8[%swap3A_131, %swap3A_132], %gather3A_130 {strides = array<i32>} : memref<128x128xf32, #tpu.memory_space<vmem>>, vector<16xf32>,
        %add3A_134 = arith.constant 7 : i32
        %add3A_135 = arith.addi %mul3A_84, %add3A_134 : i32
        %broadcast_in_dim3A_136 = vector.broadcast %add3A_135 : i32 to vector<16xi32>
        %gather3A_137 = tpu.vector_load_idx %arg7[%iota3A, %broadcast_in_dim3A_136] : memref<16x512xf32, #tpu.memory_space<vmem>>[vector<16xi32>, vector<16xi32>], vector<16xf32>,
        %swap3A_138 = arith.index_cast %add3A_82 : i32 to index
        %swap3A_139 = arith.constant 112 : index
        %swap3A_140 = tpu.vector_load %arg8[%swap3A_138, %swap3A_139] {strides = array<i32>} : memref<128x128xf32, #tpu.memory_space<vmem>>, vector<16xf32>,
        tpu.vector_store %arg8[%swap3A_138, %swap3A_139], %gather3A_137 {strides = array<i32>} : memref<128x128xf32, #tpu.memory_space<vmem>>, vector<16xf32>,
        %scan3A_141 = arith.constant 2 : i32
        %scan3A_142 = arith.addi %scan3A_17, %scan3A_141 : i32
        %mul3A_143 = arith.constant 1 : i32
        %mul3A_144 = arith.muli %scan3A_142, %mul3A_143 : i32
        %add3A_145 = arith.constant 0 : i32
        %add3A_146 = arith.addi %add3A_145, %mul3A_144 : i32
        %mul3A_147 = arith.constant 8 : i32
        %mul3A_148 = arith.muli %add3A_146, %mul3A_147 : i32
        %add3A_149 = arith.constant 0 : i32
        %add3A_150 = arith.addi %mul3A_148, %add3A_149 : i32
        %broadcast_in_dim3A_151 = vector.broadcast %add3A_150 : i32 to vector<16xi32>
        %gather3A_152 = tpu.vector_load_idx %arg7[%iota3A, %broadcast_in_dim3A_151] : memref<16x512xf32, #tpu.memory_space<vmem>>[vector<16xi32>, vector<16xi32>], vector<16xf32>,
        %swap3A_153 = arith.index_cast %add3A_146 : i32 to index
        %swap3A_154 = arith.constant 0 : index
        %swap3A_155 = tpu.vector_load %arg8[%swap3A_153, %swap3A_154] {strides = array<i32>} : memref<128x128xf32, #tpu.memory_space<vmem>>, vector<16xf32>,
        tpu.vector_store %arg8[%swap3A_153, %swap3A_154], %gather3A_152 {strides = array<i32>} : memref<128x128xf32, #tpu.memory_space<vmem>>, vector<16xf32>,
        %add3A_156 = arith.constant 1 : i32
        %add3A_157 = arith.addi %mul3A_148, %add3A_156 : i32
        %broadcast_in_dim3A_158 = vector.broadcast %add3A_157 : i32 to vector<16xi32>
        %gather3A_159 = tpu.vector_load_idx %arg7[%iota3A, %broadcast_in_dim3A_158] : memref<16x512xf32, #tpu.memory_space<vmem>>[vector<16xi32>, vector<16xi32>], vector<16xf32>,
        %swap3A_160 = arith.index_cast %add3A_146 : i32 to index
        %swap3A_161 = arith.constant 16 : index
        %swap3A_162 = tpu.vector_load %arg8[%swap3A_160, %swap3A_161] {strides = array<i32>} : memref<128x128xf32, #tpu.memory_space<vmem>>, vector<16xf32>,
        tpu.vector_store %arg8[%swap3A_160, %swap3A_161], %gather3A_159 {strides = array<i32>} : memref<128x128xf32, #tpu.memory_space<vmem>>, vector<16xf32>,
        %add3A_163 = arith.constant 2 : i32
        %add3A_164 = arith.addi %mul3A_148, %add3A_163 : i32
        %broadcast_in_dim3A_165 = vector.broadcast %add3A_164 : i32 to vector<16xi32>
        %gather3A_166 = tpu.vector_load_idx %arg7[%iota3A, %broadcast_in_dim3A_165] : memref<16x512xf32, #tpu.memory_space<vmem>>[vector<16xi32>, vector<16xi32>], vector<16xf32>,
        %swap3A_167 = arith.index_cast %add3A_146 : i32 to index
        %swap3A_168 = arith.constant 32 : index
        %swap3A_169 = tpu.vector_load %arg8[%swap3A_167, %swap3A_168] {strides = array<i32>} : memref<128x128xf32, #tpu.memory_space<vmem>>, vector<16xf32>,
        tpu.vector_store %arg8[%swap3A_167, %swap3A_168], %gather3A_166 {strides = array<i32>} : memref<128x128xf32, #tpu.memory_space<vmem>>, vector<16xf32>,
        %add3A_170 = arith.constant 3 : i32
        %add3A_171 = arith.addi %mul3A_148, %add3A_170 : i32
        %broadcast_in_dim3A_172 = vector.broadcast %add3A_171 : i32 to vector<16xi32>
        %gather3A_173 = tpu.vector_load_idx %arg7[%iota3A, %broadcast_in_dim3A_172] : memref<16x512xf32, #tpu.memory_space<vmem>>[vector<16xi32>, vector<16xi32>], vector<16xf32>,
        %swap3A_174 = arith.index_cast %add3A_146 : i32 to index
        %swap3A_175 = arith.constant 48 : index
        %swap3A_176 = tpu.vector_load %arg8[%swap3A_174, %swap3A_175] {strides = array<i32>} : memref<128x128xf32, #tpu.memory_space<vmem>>, vector<16xf32>,
        tpu.vector_store %arg8[%swap3A_174, %swap3A_175], %gather3A_173 {strides = array<i32>} : memref<128x128xf32, #tpu.memory_space<vmem>>, vector<16xf32>,
        %add3A_177 = arith.constant 4 : i32
        %add3A_178 = arith.addi %mul3A_148, %add3A_177 : i32
        %broadcast_in_dim3A_179 = vector.broadcast %add3A_178 : i32 to vector<16xi32>
        %gather3A_180 = tpu.vector_load_idx %arg7[%iota3A, %broadcast_in_dim3A_179] : memref<16x512xf32, #tpu.memory_space<vmem>>[vector<16xi32>, vector<16xi32>], vector<16xf32>,
        %swap3A_181 = arith.index_cast %add3A_146 : i32 to index
        %swap3A_182 = arith.constant 64 : index
        %swap3A_183 = tpu.vector_load %arg8[%swap3A_181, %swap3A_182] {strides = array<i32>} : memref<128x128xf32, #tpu.memory_space<vmem>>, vector<16xf32>,
        tpu.vector_store %arg8[%swap3A_181, %swap3A_182], %gather3A_180 {strides = array<i32>} : memref<128x128xf32, #tpu.memory_space<vmem>>, vector<16xf32>,
        %add3A_184 = arith.constant 5 : i32
        %add3A_185 = arith.addi %mul3A_148, %add3A_184 : i32
        %broadcast_in_dim3A_186 = vector.broadcast %add3A_185 : i32 to vector<16xi32>
        %gather3A_187 = tpu.vector_load_idx %arg7[%iota3A, %broadcast_in_dim3A_186] : memref<16x512xf32, #tpu.memory_space<vmem>>[vector<16xi32>, vector<16xi32>], vector<16xf32>,
        %swap3A_188 = arith.index_cast %add3A_146 : i32 to index
        %swap3A_189 = arith.constant 80 : index
        %swap3A_190 = tpu.vector_load %arg8[%swap3A_188, %swap3A_189] {strides = array<i32>} : memref<128x128xf32, #tpu.memory_space<vmem>>, vector<16xf32>,
        tpu.vector_store %arg8[%swap3A_188, %swap3A_189], %gather3A_187 {strides = array<i32>} : memref<128x128xf32, #tpu.memory_space<vmem>>, vector<16xf32>,
        %add3A_191 = arith.constant 6 : i32
        %add3A_192 = arith.addi %mul3A_148, %add3A_191 : i32
        %broadcast_in_dim3A_193 = vector.broadcast %add3A_192 : i32 to vector<16xi32>
        %gather3A_194 = tpu.vector_load_idx %arg7[%iota3A, %broadcast_in_dim3A_193] : memref<16x512xf32, #tpu.memory_space<vmem>>[vector<16xi32>, vector<16xi32>], vector<16xf32>,
        %swap3A_195 = arith.index_cast %add3A_146 : i32 to index
        %swap3A_196 = arith.constant 96 : index
        %swap3A_197 = tpu.vector_load %arg8[%swap3A_195, %swap3A_196] {strides = array<i32>} : memref<128x128xf32, #tpu.memory_space<vmem>>, vector<16xf32>,
        tpu.vector_store %arg8[%swap3A_195, %swap3A_196], %gather3A_194 {strides = array<i32>} : memref<128x128xf32, #tpu.memory_space<vmem>>, vector<16xf32>,
        %add3A_198 = arith.constant 7 : i32
        %add3A_199 = arith.addi %mul3A_148, %add3A_198 : i32
        %broadcast_in_dim3A_200 = vector.broadcast %add3A_199 : i32 to vector<16xi32>
        %gather3A_201 = tpu.vector_load_idx %arg7[%iota3A, %broadcast_in_dim3A_200] : memref<16x512xf32, #tpu.memory_space<vmem>>[vector<16xi32>, vector<16xi32>], vector<16xf32>,
        %swap3A_202 = arith.index_cast %add3A_146 : i32 to index
        %swap3A_203 = arith.constant 112 : index
        %swap3A_204 = tpu.vector_load %arg8[%swap3A_202, %swap3A_203] {strides = array<i32>} : memref<128x128xf32, #tpu.memory_space<vmem>>, vector<16xf32>,
        tpu.vector_store %arg8[%swap3A_202, %swap3A_203], %gather3A_201 {strides = array<i32>} : memref<128x128xf32, #tpu.memory_space<vmem>>, vector<16xf32>,
        %scan3A_205 = arith.constant 3 : i32
        %scan3A_206 = arith.addi %scan3A_17, %scan3A_205 : i32
        %mul3A_207 = arith.constant 1 : i32
        %mul3A_208 = arith.muli %scan3A_206, %mul3A_207 : i32
        %add3A_209 = arith.constant 0 : i32
        %add3A_210 = arith.addi %add3A_209, %mul3A_208 : i32
        %mul3A_211 = arith.constant 8 : i32
        %mul3A_212 = arith.muli %add3A_210, %mul3A_211 : i32
        %add3A_213 = arith.constant 0 : i32
        %add3A_214 = arith.addi %mul3A_212, %add3A_213 : i32
        %broadcast_in_dim3A_215 = vector.broadcast %add3A_214 : i32 to vector<16xi32>
        %gather3A_216 = tpu.vector_load_idx %arg7[%iota3A, %broadcast_in_dim3A_215] : memref<16x512xf32, #tpu.memory_space<vmem>>[vector<16xi32>, vector<16xi32>], vector<16xf32>,
        %swap3A_217 = arith.index_cast %add3A_210 : i32 to index
        %swap3A_218 = arith.constant 0 : index
        %swap3A_219 = tpu.vector_load %arg8[%swap3A_217, %swap3A_218] {strides = array<i32>} : memref<128x128xf32, #tpu.memory_space<vmem>>, vector<16xf32>,
        tpu.vector_store %arg8[%swap3A_217, %swap3A_218], %gather3A_216 {strides = array<i32>} : memref<128x128xf32, #tpu.memory_space<vmem>>, vector<16xf32>,
        %add3A_220 = arith.constant 1 : i32
        %add3A_221 = arith.addi %mul3A_212, %add3A_220 : i32
        %broadcast_in_dim3A_222 = vector.broadcast %add3A_221 : i32 to vector<16xi32>
        %gather3A_223 = tpu.vector_load_idx %arg7[%iota3A, %broadcast_in_dim3A_222] : memref<16x512xf32, #tpu.memory_space<vmem>>[vector<16xi32>, vector<16xi32>], vector<16xf32>,
        %swap3A_224 = arith.index_cast %add3A_210 : i32 to index
        %swap3A_225 = arith.constant 16 : index
        %swap3A_226 = tpu.vector_load %arg8[%swap3A_224, %swap3A_225] {strides = array<i32>} : memref<128x128xf32, #tpu.memory_space<vmem>>, vector<16xf32>,
        tpu.vector_store %arg8[%swap3A_224, %swap3A_225], %gather3A_223 {strides = array<i32>} : memref<128x128xf32, #tpu.memory_space<vmem>>, vector<16xf32>,
        %add3A_227 = arith.constant 2 : i32
        %add3A_228 = arith.addi %mul3A_212, %add3A_227 : i32
        %broadcast_in_dim3A_229 = vector.broadcast %add3A_228 : i32 to vector<16xi32>
        %gather3A_230 = tpu.vector_load_idx %arg7[%iota3A, %broadcast_in_dim3A_229] : memref<16x512xf32, #tpu.memory_space<vmem>>[vector<16xi32>, vector<16xi32>], vector<16xf32>,
        %swap3A_231 = arith.index_cast %add3A_210 : i32 to index
        %swap3A_232 = arith.constant 32 : index
        %swap3A_233 = tpu.vector_load %arg8[%swap3A_231, %swap3A_232] {strides = array<i32>} : memref<128x128xf32, #tpu.memory_space<vmem>>, vector<16xf32>,
        tpu.vector_store %arg8[%swap3A_231, %swap3A_232], %gather3A_230 {strides = array<i32>} : memref<128x128xf32, #tpu.memory_space<vmem>>, vector<16xf32>,
        %add3A_234 = arith.constant 3 : i32
        %add3A_235 = arith.addi %mul3A_212, %add3A_234 : i32
        %broadcast_in_dim3A_236 = vector.broadcast %add3A_235 : i32 to vector<16xi32>
        %gather3A_237 = tpu.vector_load_idx %arg7[%iota3A, %broadcast_in_dim3A_236] : memref<16x512xf32, #tpu.memory_space<vmem>>[vector<16xi32>, vector<16xi32>], vector<16xf32>,
        %swap3A_238 = arith.index_cast %add3A_210 : i32 to index
        %swap3A_239 = arith.constant 48 : index
        %swap3A_240 = tpu.vector_load %arg8[%swap3A_238, %swap3A_239] {strides = array<i32>} : memref<128x128xf32, #tpu.memory_space<vmem>>, vector<16xf32>,
        tpu.vector_store %arg8[%swap3A_238, %swap3A_239], %gather3A_237 {strides = array<i32>} : memref<128x128xf32, #tpu.memory_space<vmem>>, vector<16xf32>,
        %add3A_241 = arith.constant 4 : i32
        %add3A_242 = arith.addi %mul3A_212, %add3A_241 : i32
        %broadcast_in_dim3A_243 = vector.broadcast %add3A_242 : i32 to vector<16xi32>
        %gather3A_244 = tpu.vector_load_idx %arg7[%iota3A, %broadcast_in_dim3A_243] : memref<16x512xf32, #tpu.memory_space<vmem>>[vector<16xi32>, vector<16xi32>], vector<16xf32>,
        %swap3A_245 = arith.index_cast %add3A_210 : i32 to index
        %swap3A_246 = arith.constant 64 : index
        %swap3A_247 = tpu.vector_load %arg8[%swap3A_245, %swap3A_246] {strides = array<i32>} : memref<128x128xf32, #tpu.memory_space<vmem>>, vector<16xf32>,
        tpu.vector_store %arg8[%swap3A_245, %swap3A_246], %gather3A_244 {strides = array<i32>} : memref<128x128xf32, #tpu.memory_space<vmem>>, vector<16xf32>,
        %add3A_248 = arith.constant 5 : i32
        %add3A_249 = arith.addi %mul3A_212, %add3A_248 : i32
        %broadcast_in_dim3A_250 = vector.broadcast %add3A_249 : i32 to vector<16xi32>
        %gather3A_251 = tpu.vector_load_idx %arg7[%iota3A, %broadcast_in_dim3A_250] : memref<16x512xf32, #tpu.memory_space<vmem>>[vector<16xi32>, vector<16xi32>], vector<16xf32>,
        %swap3A_252 = arith.index_cast %add3A_210 : i32 to index
        %swap3A_253 = arith.constant 80 : index
        %swap3A_254 = tpu.vector_load %arg8[%swap3A_252, %swap3A_253] {strides = array<i32>} : memref<128x128xf32, #tpu.memory_space<vmem>>, vector<16xf32>,
        tpu.vector_store %arg8[%swap3A_252, %swap3A_253], %gather3A_251 {strides = array<i32>} : memref<128x128xf32, #tpu.memory_space<vmem>>, vector<16xf32>,
        %add3A_255 = arith.constant 6 : i32
        %add3A_256 = arith.addi %mul3A_212, %add3A_255 : i32
        %broadcast_in_dim3A_257 = vector.broadcast %add3A_256 : i32 to vector<16xi32>
        %gather3A_258 = tpu.vector_load_idx %arg7[%iota3A, %broadcast_in_dim3A_257] : memref<16x512xf32, #tpu.memory_space<vmem>>[vector<16xi32>, vector<16xi32>], vector<16xf32>,
        %swap3A_259 = arith.index_cast %add3A_210 : i32 to index
        %swap3A_260 = arith.constant 96 : index
        %swap3A_261 = tpu.vector_load %arg8[%swap3A_259, %swap3A_260] {strides = array<i32>} : memref<128x128xf32, #tpu.memory_space<vmem>>, vector<16xf32>,
        tpu.vector_store %arg8[%swap3A_259, %swap3A_260], %gather3A_258 {strides = array<i32>} : memref<128x128xf32, #tpu.memory_space<vmem>>, vector<16xf32>,
        %add3A_262 = arith.constant 7 : i32
        %add3A_263 = arith.addi %mul3A_212, %add3A_262 : i32
        %broadcast_in_dim3A_264 = vector.broadcast %add3A_263 : i32 to vector<16xi32>
        %gather3A_265 = tpu.vector_load_idx %arg7[%iota3A, %broadcast_in_dim3A_264] : memref<16x512xf32, #tpu.memory_space<vmem>>[vector<16xi32>, vector<16xi32>], vector<16xf32>,
        %swap3A_266 = arith.index_cast %add3A_210 : i32 to index
        %swap3A_267 = arith.constant 112 : index
        %swap3A_268 = tpu.vector_load %arg8[%swap3A_266, %swap3A_267] {strides = array<i32>} : memref<128x128xf32, #tpu.memory_space<vmem>>, vector<16xf32>,
        tpu.vector_store %arg8[%swap3A_266, %swap3A_267], %gather3A_265 {strides = array<i32>} : memref<128x128xf32, #tpu.memory_space<vmem>>, vector<16xf32>,
      }
      %scan3A_16 = arith.constant 64 : i32
      "tpu.region"() ({
        %run_scoped3A = tpu.sem_alloc : memref<!tpu.dma_semaphore, #tpu.memory_space<semaphore_mem>>
        %dma_start3A = arith.constant 0 : i32
        %dma_start3A_17 = arith.constant 0 : i32
        %dma_start3A_18 = tpu.memref_slice %arg8[%dma_start3A, %dma_start3A_17] : memref<128x128xf32, #tpu.memory_space<vmem>> -> memref<64x128xf32, #tpu.memory_space<vmem>>
        %dma_start3A_19 = arith.constant 12928 : i32
        %dma_start3A_20 = arith.constant 0 : i32
        %dma_start3A_21 = tpu.memref_slice %arg4[%add3A, %dma_start3A_19, %dma_start3A_20] : memref<26x13000x128xf32, #tpu.memory_space<hbm>> -> memref<1x64x128xf32, #tpu.memory_space<hbm>>
        %dma_start3A_22 = tpu.memref_squeeze %dma_start3A_21 : memref<1x64x128xf32, #tpu.memory_space<hbm>> -> memref<64x128xf32, #tpu.memory_space<hbm>>
        %dma_start3A_23 = arith.constant 12928 : i32
        %dma_start3A_24 = arith.constant 0 : i32
        %dma_start3A_25 = tpu.memref_slice %arg4[%add3A, %dma_start3A_23, %dma_start3A_24] : memref<26x13000x128xf32, #tpu.memory_space<hbm>> -> memref<1x64x128xf32, #tpu.memory_space<hbm>>
        %dma_start3A_26 = tpu.memref_squeeze %dma_start3A_25 : memref<1x64x128xf32, #tpu.memory_space<hbm>> -> memref<64x128xf32, #tpu.memory_space<hbm>>
        %dma_start3A_27 = arith.constant 0 : i32
        %dma_start3A_28 = arith.constant 0 : i32
        %dma_start3A_29 = tpu.memref_slice %arg8[%dma_start3A_27, %dma_start3A_28] : memref<128x128xf32, #tpu.memory_space<vmem>> -> memref<64x128xf32, #tpu.memory_space<vmem>>
        tpu.enqueue_dma source(%dma_start3A_29 : memref<64x128xf32, #tpu.memory_space<vmem>>) target(%dma_start3A_26 : memref<64x128xf32, #tpu.memory_space<hbm>>) target_semaphore(%run_scoped3A : memref<!tpu.dma_semaphore, #tpu.memory_space<semaphore_mem>>)
        %dma_wait3A = arith.constant 0 : i32
        %dma_wait3A_30 = arith.constant 0 : i32
        %dma_wait3A_31 = tpu.memref_slice %arg8[%dma_wait3A, %dma_wait3A_30] : memref<128x128xf32, #tpu.memory_space<vmem>> -> memref<64x128xf32, #tpu.memory_space<vmem>>
        %dma_wait3A_32 = arith.constant 12928 : i32
        %dma_wait3A_33 = arith.constant 0 : i32
        %dma_wait3A_34 = tpu.memref_slice %arg4[%add3A, %dma_wait3A_32, %dma_wait3A_33] : memref<26x13000x128xf32, #tpu.memory_space<hbm>> -> memref<1x64x128xf32, #tpu.memory_space<hbm>>
        %dma_wait3A_35 = tpu.memref_squeeze %dma_wait3A_34 : memref<1x64x128xf32, #tpu.memory_space<hbm>> -> memref<64x128xf32, #tpu.memory_space<hbm>>
        %dma_wait3A_36 = arith.constant 12928 : i32
        %dma_wait3A_37 = arith.constant 0 : i32
        %dma_wait3A_38 = tpu.memref_slice %arg4[%add3A, %dma_wait3A_36, %dma_wait3A_37] : memref<26x13000x128xf32, #tpu.memory_space<hbm>> -> memref<1x64x128xf32, #tpu.memory_space<hbm>>
        %dma_wait3A_39 = tpu.memref_squeeze %dma_wait3A_38 : memref<1x64x128xf32, #tpu.memory_space<hbm>> -> memref<64x128xf32, #tpu.memory_space<hbm>>
        %dma_wait3A_40 = arith.constant 0 : i32
        %dma_wait3A_41 = arith.constant 0 : i32
        %dma_wait3A_42 = tpu.memref_slice %arg8[%dma_wait3A_40, %dma_wait3A_41] : memref<128x128xf32, #tpu.memory_space<vmem>> -> memref<64x128xf32, #tpu.memory_space<vmem>>
        tpu.wait_dma2 semaphore(%run_scoped3A : memref<!tpu.dma_semaphore, #tpu.memory_space<semaphore_mem>>) src(%dma_wait3A_42 : memref<64x128xf32, #tpu.memory_space<vmem>>) dst(%dma_wait3A_39 : memref<64x128xf32, #tpu.memory_space<hbm>>)
        tpu.yield
      }) : () -> ()
      "tpu.region"() ({
        %run_scoped3A = tpu.sem_alloc : memref<!tpu.dma_semaphore, #tpu.memory_space<semaphore_mem>>
        %dma_start3A = arith.constant 0 : i32
        %dma_start3A_17 = arith.constant 0 : i32
        %dma_start3A_18 = tpu.memref_slice %arg3[%add3A, %dma_start3A, %dma_start3A_17] : memref<26x8x128xf32, #tpu.memory_space<hbm>> -> memref<1x8x128xf32, #tpu.memory_space<hbm>>
        %dma_start3A_19 = tpu.memref_squeeze %dma_start3A_18 : memref<1x8x128xf32, #tpu.memory_space<hbm>> -> memref<8x128xf32, #tpu.memory_space<hbm>>
        %dma_start3A_20 = arith.constant 0 : i32
        %dma_start3A_21 = arith.constant 0 : i32
        %dma_start3A_22 = tpu.memref_slice %arg3[%add3A, %dma_start3A_20, %dma_start3A_21] : memref<26x8x128xf32, #tpu.memory_space<hbm>> -> memref<1x8x128xf32, #tpu.memory_space<hbm>>
        %dma_start3A_23 = tpu.memref_squeeze %dma_start3A_22 : memref<1x8x128xf32, #tpu.memory_space<hbm>> -> memref<8x128xf32, #tpu.memory_space<hbm>>
        tpu.enqueue_dma source(%dma_start3A_23 : memref<8x128xf32, #tpu.memory_space<hbm>>) target(%arg9 : memref<8x128xf32, #tpu.memory_space<vmem>>) target_semaphore(%run_scoped3A : memref<!tpu.dma_semaphore, #tpu.memory_space<semaphore_mem>>)
        %dma_wait3A = arith.constant 0 : i32
        %dma_wait3A_24 = arith.constant 0 : i32
        %dma_wait3A_25 = tpu.memref_slice %arg3[%add3A, %dma_wait3A, %dma_wait3A_24] : memref<26x8x128xf32, #tpu.memory_space<hbm>> -> memref<1x8x128xf32, #tpu.memory_space<hbm>>
        %dma_wait3A_26 = tpu.memref_squeeze %dma_wait3A_25 : memref<1x8x128xf32, #tpu.memory_space<hbm>> -> memref<8x128xf32, #tpu.memory_space<hbm>>
        %dma_wait3A_27 = arith.constant 0 : i32
        %dma_wait3A_28 = arith.constant 0 : i32
        %dma_wait3A_29 = tpu.memref_slice %arg3[%add3A, %dma_wait3A_27, %dma_wait3A_28] : memref<26x8x128xf32, #tpu.memory_space<hbm>> -> memref<1x8x128xf32, #tpu.memory_space<hbm>>
        %dma_wait3A_30 = tpu.memref_squeeze %dma_wait3A_29 : memref<1x8x128xf32, #tpu.memory_space<hbm>> -> memref<8x128xf32, #tpu.memory_space<hbm>>
        tpu.wait_dma2 semaphore(%run_scoped3A : memref<!tpu.dma_semaphore, #tpu.memory_space<semaphore_mem>>) src(%dma_wait3A_30 : memref<8x128xf32, #tpu.memory_space<hbm>>) dst(%arg9 : memref<8x128xf32, #tpu.memory_space<vmem>>)
        tpu.yield
      }) : () -> ()
      "tpu.region"() ({
        %run_scoped3A = tpu.sem_alloc : memref<!tpu.dma_semaphore, #tpu.memory_space<semaphore_mem>>
        %dma_start3A = arith.constant 12992 : i32
        %dma_start3A_17 = arith.constant 0 : i32
        %dma_start3A_18 = tpu.memref_slice %arg4[%add3A, %dma_start3A, %dma_start3A_17] : memref<26x13000x128xf32, #tpu.memory_space<hbm>> -> memref<1x8x128xf32, #tpu.memory_space<hbm>>
        %dma_start3A_19 = tpu.memref_squeeze %dma_start3A_18 : memref<1x8x128xf32, #tpu.memory_space<hbm>> -> memref<8x128xf32, #tpu.memory_space<hbm>>
        %dma_start3A_20 = arith.constant 12992 : i32
        %dma_start3A_21 = arith.constant 0 : i32
        %dma_start3A_22 = tpu.memref_slice %arg4[%add3A, %dma_start3A_20, %dma_start3A_21] : memref<26x13000x128xf32, #tpu.memory_space<hbm>> -> memref<1x8x128xf32, #tpu.memory_space<hbm>>
        %dma_start3A_23 = tpu.memref_squeeze %dma_start3A_22 : memref<1x8x128xf32, #tpu.memory_space<hbm>> -> memref<8x128xf32, #tpu.memory_space<hbm>>
        tpu.enqueue_dma source(%arg9 : memref<8x128xf32, #tpu.memory_space<vmem>>) target(%dma_start3A_23 : memref<8x128xf32, #tpu.memory_space<hbm>>) target_semaphore(%run_scoped3A : memref<!tpu.dma_semaphore, #tpu.memory_space<semaphore_mem>>)
        %dma_wait3A = arith.constant 12992 : i32
        %dma_wait3A_24 = arith.constant 0 : i32
        %dma_wait3A_25 = tpu.memref_slice %arg4[%add3A, %dma_wait3A, %dma_wait3A_24] : memref<26x13000x128xf32, #tpu.memory_space<hbm>> -> memref<1x8x128xf32, #tpu.memory_space<hbm>>
        %dma_wait3A_26 = tpu.memref_squeeze %dma_wait3A_25 : memref<1x8x128xf32, #tpu.memory_space<hbm>> -> memref<8x128xf32, #tpu.memory_space<hbm>>
        %dma_wait3A_27 = arith.constant 12992 : i32
        %dma_wait3A_28 = arith.constant 0 : i32
        %dma_wait3A_29 = tpu.memref_slice %arg4[%add3A, %dma_wait3A_27, %dma_wait3A_28] : memref<26x13000x128xf32, #tpu.memory_space<hbm>> -> memref<1x8x128xf32, #tpu.memory_space<hbm>>
        %dma_wait3A_30 = tpu.memref_squeeze %dma_wait3A_29 : memref<1x8x128xf32, #tpu.memory_space<hbm>> -> memref<8x128xf32, #tpu.memory_space<hbm>>
        tpu.wait_dma2 semaphore(%run_scoped3A : memref<!tpu.dma_semaphore, #tpu.memory_space<semaphore_mem>>) src(%arg9 : memref<8x128xf32, #tpu.memory_space<vmem>>) dst(%dma_wait3A_30 : memref<8x128xf32, #tpu.memory_space<hbm>>)
        tpu.yield
      }) : () -> ()
    } else {
    }
    return
  }
}

</mosaic_0001>

<sc_bundles>
// kernel: _transpose.3.cloned.1.call-start
scs
__scs_entry_jumppad:
0x0: {  	(pc) =	sbr.rel $0x88, $3  }
0x1: {  	(tag) =	ssettag $0x0;
	lr =	simm.s32 $0x1  }
0x2: {  	[smem:$0x3F9F] =	sst lr;
	_ =	strace $0xD0000000  }
0x3: {  	_ = 	snop  }
0x4: {  	_ = 	snop  }
0x5: {  	_ = 	snop  }
0x6: {  	_ = 	snop  }
0x7: {  	_ = 	snop  }
__scs_overlays_trampoline_lowered:
0x8: {  	[smem:$0x3FAE] =	sst s0  }
0x9: {  	[smem:$0x3FAF] =	sst s1  }
0xa: {  	[smem:$0x3FB0] =	sst s2  }
0xb: {  	[smem:$0x3FB1] =	sst s3  }
0xc: {  	[smem:$0x3FB2] =	sst s4  }
0xd: {  	[smem:$0x3FB3] =	sst s5  }
0xe: {  	[smem:$0x3FB4] =	sst s6  }
0xf: {  	[smem:$0x3FB5] =	sst s7  }
0x10: {  	[smem:$0x3FB6] =	sst s8  }
0x11: {  	[smem:$0x3FB7] =	sst s9;
	s0 =	simm.s32 @!p0 $0x0  }
0x12: {  	s1 =	sld [smem:$0x3F9D];
	s0 =	simm.s32 @p0 $0x1  }
0x13: {  	[smem:$0x3FB8] =	sst s0;
	s0 =	simm.s32 @!p1 $0x0  }
0x14: {  	s2 =	sld [smem:$0x3F9C];
	s0 =	simm.s32 @p1 $0x1  }
0x15: {  	[smem:$0x3FB9] =	sst s0;
	s0 =	simm.s32 @!p2 $0x0  }
0x16: {  	s3 =	sld [smem:$0x3FDB];
	s0 =	simm.s32 @p2 $0x1  }
0x17: {  	s4 =	simm.s32 $0x1BF5;
	[smem:$0x3FBB] =	sst s0  }
0x18: {  	s0 =	sld [smem:$0x3F9E];
	_ =	swait.ge [sflag:s4], $0x0  }
0x19: {  	s7 =	sld [smem:$0x3F9F]  }
0x1a: {  	s8 =	sadd.s32 $0xFFFFE003, lr  }
0x1b: {  	s9 =	sadd.s32 $0xFFFFFEF7, lr;
	s5 =	simm.s32 $0xFFFFFFFF;
	p2 =	slt.u32 s8, $0xFFFFF086  }
0x1c: {  	p1 =	slt.u32 s9, $0xF7A;
	s5 =	simm.s32 @!p2 $0x0  }
0x1d: {  	s5 =	simm.s32 @p1 $0x1;
	p0 =	seq.s32 s7, s2  }
0x1e: {  	s7 =	smul.u32 @!p0 $0xF7A, s2;
	p2 =	seq.s32 @!p0 s5, $0x0  }
0x1f: {  	s9 =	smul.u32 $0xF7A, s1;
	s8 =	simm.s32 @!p0 $0x1BF5;
	p2 =	por !p2, p0  }
0x20: {  	[sflag:s8] =	ssyncset.s32 @!p0 $0xFFFFF086;
	s6 =	sadd.s32 @!p0 s3, s7;
	s7 =	simm.s32 @!p0 $0x108  }
0x21: {  	s3 =	sadd.s32 s3, s9;
	s6 =	sadd.s32 @!p0 $0x88, s6;
	s7 =	simm.s32 @p2 $0x1082  }
0x22: {  	[simem:s7], [sflag:s8] =	dma.local @!p0 [hbm:s6], $0xF7A  }
0x23: {  	s9 =	sor.u32 $0xD0000000, s2;
	s6 =	simm.s32 $0x108;
	_ =	swait.ge @!p0 [sflag:s8], $0x0  }
0x24: {  	s3 =	sadd.s32 $0x88, s3;
	s6 =	simm.s32 @!p1 $0x1082;
	[sflag:s4] =	ssyncset.s32 $0xFFFFF086  }
0x25: {  	[simem:s6], [sflag:s4] =	dma.local [hbm:s3], $0xF7A  }
0x26: {  	[smem:$0x3F9F] =	sst s1;
	(tag) =	ssettag s2;
	_ =	strace s9  }
0x27: {  	s1 =	sld [smem:$0x3FAF]  }
0x28: {  	s2 =	sld [smem:$0x3FB0]  }
0x29: {  	s4 =	sld [smem:$0x3FB2]  }
0x2a: {  	p0 =	seq.s32 s5, $0x0;
	s5 =	sld [smem:$0x3FB3]  }
0x2b: {  	s6 =	sld [smem:$0x3FB4]  }
0x2c: {  	s7 =	sld [smem:$0x3FB5]  }
0x2d: {  	s3 =	simm.s32 $0x108;
	s8 =	sld [smem:$0x3FB6]  }
0x2e: {  	s3 =	simm.s32 @!p0 $0x1082;
	s9 =	sld [smem:$0x3FB7]  }
0x2f: {  	lr =	sadd.s32 s0, s3;
	s0 =	sld [smem:$0x3FAE]  }
0x30: {  	s3 =	sld [smem:$0x3FB1]  }
0x31: {  	[smem:$0x3FBA] =	sst s10  }
0x32: {  	s10 =	sld [smem:$0x3FB8];
	_ =	sdelay $0x3  }
0x33: {  	p0 =	seq.s32 s10, $0x1;
	s10 =	sld [smem:$0x3FBA];
	_ =	sdelay $0x3  }
0x34: {  	[smem:$0x3FBA] =	sst s10  }
0x35: {  	s10 =	sld [smem:$0x3FB9];
	_ =	sdelay $0x3  }
0x36: {  	p1 =	seq.s32 s10, $0x1;
	s10 =	sld [smem:$0x3FBA];
	_ =	sdelay $0x3  }
0x37: {  	[smem:$0x3FBA] =	sst s10  }
0x38: {  	s10 =	sld [smem:$0x3FBB]  }
0x39: {  	_ = 	snop;
	(pc) =	sbr.ind lr, $3  }
0x3a: {  	_ = 	snop  }
0x3b: {  	_ = 	snop  }
0x3c: {  	p2 =	seq.s32 s10, $0x1;
	s10 =	sld [smem:$0x3FBA]  }
0x3d: {  	_ =	shalt  }
0x3e: {  	_ =	shalt  }
0x3f: {  	_ =	shalt  }
0x40: {  	_ =	shalt  }
0x41: {  	_ =	shalt  }
0x42: {  	_ =	shalt  }
0x43: {  	_ =	shalt  }
0x44: {  	_ =	shalt  }
0x45: {  	_ =	shalt  }
0x46: {  	_ =	shalt  }
0x47: {  	_ =	shalt  }
0x48: {  	_ =	shalt  }
0x49: {  	_ =	shalt  }
0x4a: {  	_ =	shalt  }
0x4b: {  	_ =	shalt  }
0x4c: {  	_ =	shalt  }
0x4d: {  	_ =	shalt  }
0x4e: {  	_ =	shalt  }
0x4f: {  	_ =	shalt  }
0x50: {  	_ =	shalt  }
0x51: {  	_ =	shalt  }
0x52: {  	_ =	shalt  }
0x53: {  	_ =	shalt  }
0x54: {  	_ =	shalt  }
0x55: {  	_ =	shalt  }
0x56: {  	_ =	shalt  }
0x57: {  	_ =	shalt  }
0x58: {  	_ =	shalt  }
0x59: {  	_ =	shalt  }
0x5a: {  	_ =	shalt  }
0x5b: {  	_ =	shalt  }
0x5c: {  	_ =	shalt  }
0x5d: {  	_ =	shalt  }
0x5e: {  	_ =	shalt  }
0x5f: {  	_ =	shalt  }
0x60: {  	_ =	shalt  }
0x61: {  	_ =	shalt  }
0x62: {  	_ =	shalt  }
0x63: {  	_ =	shalt  }
0x64: {  	_ =	shalt  }
0x65: {  	_ =	shalt  }
0x66: {  	_ =	shalt  }
0x67: {  	_ =	shalt  }
0x68: {  	_ =	shalt  }
0x69: {  	_ =	shalt  }
0x6a: {  	_ =	shalt  }
0x6b: {  	_ =	shalt  }
0x6c: {  	_ =	shalt  }
0x6d: {  	_ =	shalt  }
0x6e: {  	_ =	shalt  }
0x6f: {  	_ =	shalt  }
0x70: {  	_ =	shalt  }
0x71: {  	_ =	shalt  }
0x72: {  	_ =	shalt  }
0x73: {  	_ =	shalt  }
0x74: {  	_ =	shalt  }
0x75: {  	_ =	shalt  }
0x76: {  	_ =	shalt  }
0x77: {  	_ =	shalt  }
0x78: {  	_ =	shalt  }
0x79: {  	_ =	shalt  }
0x7a: {  	_ =	shalt  }
0x7b: {  	_ =	shalt  }
0x7c: {  	_ =	shalt  }
0x7d: {  	_ =	shalt  }
0x7e: {  	_ =	shalt  }
0x7f: {  	_ =	shalt  }
0x80: {  	_ =	shalt  }
0x81: {  	_ =	shalt  }
0x82: {  	_ =	shalt  }
0x83: {  	_ =	shalt  }
0x84: {  	_ =	shalt  }
0x85: {  	_ =	shalt  }
0x86: {  	_ =	shalt  }
0x87: {  	_ =	shalt  }
.Lfunc_end0:
.L_simem_size_0:
called_computation_lowered:
.L_overlay_start_0:
0x88: {  	s2 =	sld [smem:$0x3FD9]  }
0x89: {  	s3 =	sld [smem:$0x3FFE];
	_ =	sdelay $0x1  }
0x8a: {  	s1 =	srdreg.scid  }
0x8b: {  	s0 =	sand.u32 $0x1, s1  }
0x8c: {  	s18 =	sshll.u32 s0, $0xA;
	s2 =	sadd.s32 s3, s2  }
0x8d: {  	s2 =	sadd.s32 s2, s18  }
0x8e: {  	[smem:$0x3FC6] =	sst s2  }
0x8f: {  	_ = 	snop  }
0x90: {  	s2 =	sld [smem:$0x3FC9]  }
0x91: {  	s19 =	sld [smem:$0x3FC8]  }
0x92: {  	s4 =	sld [smem:$0x3FD0];
	(tm) =	ssettm $0x1  }
0x93: {  	s5 =	sld [smem:$0x3FFB];
	_ =	sdelay $0x3  }
0x94: {  	_ =	strace s5  }
0x95: {  	s5 =	sld [smem:$0x3FFC];
	_ =	sdelay $0x3  }
0x96: {  	_ =	strace s5  }
0x97: {  	s5 =	sld [smem:$0x3FFD];
	_ =	sdelay $0x3  }
0x98: {  	_ =	strace s5  }
0x99: {  	_ =	strace $0x8FFFFFFF  }
0x9a: {  	s20 =	sld [smem:$0x3FDB];
	_ =	sdelay $0x1  }
0x9b: {  	s6 =	simm.s32 $_scs_section_size  }
0x9c: {  	s7 =	simm.s32 $_size__tile_overlayer_lowered;
	s8 =	simm.s32 $_tile_overlayer_lowered  }
0x9d: {  	s23 =	simm.s32 $0x1BFF;
	s22 =	sshll.u32 s8, $0x1;
	s5 =	sadd.s32 s6, s20  }
0x9e: {  	s9 =	simm.s32 $0x0;
	s21 =	sshll.u32 s7, $0x1;
	s7 =	sadd.s32 s22, s5  }
0x9f: {  	[timem:s9], [sflag:s23] =	dma.local [hbm:s7], s21  }
0xa0: {  	_ =	swait.ge [sflag:s23], s21  }
0xa1: {  	s6 =	ssub.s32 $0x0, s21;
	[sflag:s23] =	ssyncset.done $0x0  }
0xa2: {  	[sflag:s23] =	ssyncadd.s32 s6;
	_ =	sdelay $0x1  }
0xa3: {  	s24 =	simm.s32 $0x1B8B  }
0xa4: {  	_ =	swait.ge [sflag:s24], $0x1  }
0xa5: {  	[sflag:s24] =	ssyncset.done $0x0  }
0xa6: {  	s25 =	simm.s32 $0x1B8E;
	[sflag:s24] =	ssyncadd.s32 $0xFFFFFFFF  }
0xa7: {  	s26 =	simm.s32 $execute0_lowered;
	[smem:$0x3FD2] =	sst s25  }
0xa8: {  	s6 =	sshll.u32 s26, $0x1;
	_ =	strace $0x80000046;
	[dreg:$0x1] =	wrdreg $0xFFFFFFFF  }
0xa9: {  	s28 =	simm.s32 $_size_execute0_lowered;
	s5 =	sadd.s32 s5, s6;
	[dreg:$0x0] =	wrdreg $0x0  }
0xaa: {  	s6 =	sshll.u32 s28, $0x1;
	[dreg:$0x2] =	wrdreg s5  }
0xab: {  	[dreg:$0x3] =	wrdreg s6  }
0xac: {  	[dreg:$0x4] =	wrdreg $0xC0  }
0xad: {  	_ =	task [dreg:s9], $0x5FFFF  }
0xae: {  	[dreg:$0x1] =	wrdreg $0xFFFFFFFF  }
0xaf: {  	[dreg:$0x0] =	wrdreg $0x60  }
0xb0: {  	[dreg:$0x2] =	wrdreg s2  }
0xb1: {  	[dreg:$0x3] =	wrdreg s19  }
0xb2: {  	[dreg:$0x4] =	wrdreg s4  }
0xb3: {  	[dreg:$0x5] =	wrdreg $0x9  }
0xb4: {  	_ =	task.clear_ibuf [dreg:s9], $0x6FFFF;
	_ =	strace $0x90000046  }
0xb5: {  	s29 =	simm.s32 $0x9;
	_ =	strace $0x80000048  }
0xb6: {  	_ =	swait.ge [sflag:s29], $0x1  }
0xb7: {  	[sflag:s29] =	ssyncadd.s32 $0xFFFFFFFF  }
0xb8: {  	_ =	strace $0x90000048  }
0xb9: {  	_ =	sfence  }
0xba: {  	s30 =	sld [smem:$0x0];
	_ =	sdelay $0x2  }
0xbb: {  	s31 =	sshll.u32 s1, $0xD;
	s1 =	sshrl.u32 s1, $0x2  }
0xbc: {  	s3 =	sand.u32 $0x4000, s31;
	s1 =	sadd.s32 s1, s30  }
0xbd: {  	s0 =	sor.u32 s3, s0;
	s1 =	sshll.u32 s1, $0x11  }
0xbe: {  	s0 =	sor.u32 s1, s0  }
0xbf: {  	s0 =	sadd.s32 $0x8F2B, s0  }
0xc0: {  	[sflag:s0] =	ssyncadd.remote.s32 $0x1  }
0xc1: {  	_ =	sfence.sel $0xFFFF  }
0xc2: {  	[dreg:$0x0] =	wrdreg $0xFFFFFFFF;
	(pc) =	sbr.abs _section_cstart, $3  }
0xc3: {  	[dreg:$0x1] =	wrdreg $0xFFFFFFFF  }
0xc4: {  	_ =	task.clear_ibuf [dreg:s9], $0x2FFFF;
	_ =	strace $0x9FFFFFFF  }
0xc5: {  	(tm) =	ssettm $0x7FFFFFFF  }
tec
execute0_lowered:
.L_overlay_start_1:
0x0: {  	(tag) =	ssettag $0x1  }
0x1: {  	v0 =	vimm.s32 $0x2380  }
0x2: {  	vm0 =	vcmask $0x300;
	v1 =	vimm.s32 $0x1380;
	vm1 =	vcmask $0x704  }
0x3: {  	s0 =	rddreg [dreg:$0x0];
	vm15 =	vcmask $0xB08;
	v0 =	vsel vm0, $0x0, v0;
	v1 =	vsel vm0, $0x0, v1  }
0x4: {  	s9 =	rddreg [dreg:$0x1];
	s2 =	srdreg.scid;
	vm4 =	vcmask $0xF0C;
	v0 =	vsel vm1, $0x80, v0;
	v1 =	vsel vm1, $0x80, v1  }
0x5: {  	s1 =	stileid.u32;
	s3 =	rddreg [dreg:$0x2];
	vm5 =	vcmask $0x1310;
	v0 =	vsel vm15, $0x100, v0;
	v1 =	vsel vm15, $0x100, v1  }
0x6: {  	s5 =	simm.s32 $0x0;
	vm6 =	vcmask $0x1714;
	s13 =	simm.s32 $0xCB400;
	s14 =	simm.s32 $0x1;
	v0 =	vsel vm4, $0x180, v0;
	v1 =	vsel vm4, $0x180, v1  }
0x7: {  	vm7 =	vcmask $0x1B18;
	s15 =	simm.s32 $0xA000;
	s16 =	simm.s32 $0x4;
	s17 =	simm.s32 $0x2;
	v0 =	vsel vm5, $0x200, v0;
	v1 =	vsel vm5, $0x200, v1  }
0x8: {  	vm8 =	vcmask $0x1F1C;
	s18 =	simm.s32 $0x4000;
	s19 =	simm.s32 $0x3;
	s21 =	simm.s32 $0x8000;
	v0 =	vsel vm6, $0x280, v0;
	v1 =	vsel vm6, $0x280, v1  }
0x9: {  	vm9 =	vcmask $0x2320;
	s22 =	simm.s32 $0xE000;
	s6 =	sand.u32 $0x1, s2;
	s4 =	sshll.u32 s1, $0x1;
	v0 =	vsel vm7, $0x300, v0;
	v1 =	vsel vm7, $0x300, v1  }
0xa: {  	vm10 =	vcmask $0x2724;
	s23 =	simm.s32 $0x0;
	[smem:$0x7FF] =	sst s5;
	s4 =	sor.u32 s6, s4;
	v0 =	vsel vm8, $0x380, v0;
	v1 =	vsel vm8, $0x380, v1  }
0xb: {  	vm11 =	vcmask $0x2B28;
	p0 =	sgt.u32 s1, $0xC;
	s6 =	ssub.s32 $0x2, s6;
	s7 =	smul.u32 $0x196800, s4;
	v0 =	vsel vm9, $0x2000, v0;
	v1 =	vsel vm9, $0x1000, v1  }
0xc: {  	_ =	strace $0x80000047;
	s8 =	sshrl.u32 s6, $0x1;
	s10 =	smul.u32 $0x196400, s4;
	v0 =	vsel vm10, $0x2080, v0;
	v1 =	vsel vm10, $0x1080, v1  }
.Ltmp0:
0xd: {  	vm12 =	vcmask $0x2F2C;
	s30 =	sshll.u32 s4, $0xA;
	s12 =	sshll.u32 s4, $0x7;
	v0 =	vsel vm11, $0x2100, v0;
	v1 =	vsel vm11, $0x1100, v1;
	(pc) =	sbr.rel .LBB2_1-.Ltmp0, $4  }
0xe: {  	vm13 =	vcmask $0x3330;
	s11 =	ssub.s32 s6, s8;
	s6 =	sadd.s32 s0, s30;
	s9 =	sadd.s32 s9, s12;
	v0 =	vsel vm12, $0x2180, v0;
	v1 =	vsel vm12, $0x1180, v1  }
0xf: {  	vm14 =	vcmask $0x3734;
	s12 =	simm.s32 $0x2000;
	s7 =	sshrl.u32 s7, $0x3;
	s31 =	sshrl.u32 s10, $0x3;
	v0 =	vsel vm13, $0x2200, v0;
	v1 =	vsel vm13, $0x1200, v1  }
0x10: {  	vm15 =	vcmask $0x3B38;
	s11 =	smax.u32 s11, $0x1;
	s7 =	sadd.s32 s0, s7;
	s10 =	sadd.s32 s3, s31;
	v0 =	vsel vm14, $0x2280, v0;
	v1 =	vsel vm14, $0x1280, v1  }
0x11: {  	s7 =	sadd.s32 $0x19400, s7;
	s8 =	sadd.s32 $0x32800, s10;
	s10 =	sadd.s32 $0x32C00, s10;
	v0 =	vsel vm15, $0x2300, v0;
	v1 =	vsel vm15, $0x1300, v1  }
.LBB2_15:
0x12: {  	s23 =	sadd.s32 $0x1, s23  }
0x13: {  	p1 =	sne.s32 s23, s11  }
.Ltmp1:
0x14: {  	_ = 	snop;
	(pc) =	sbr.rel @!p1 .LBB2_16-.Ltmp1, $1  }
0x15: {  	_ =	sdelay $0x3  }
.LBB2_1:
.Ltmp2:
0x16: {  	(pc) =	sbr.rel .LBB2_2-.Ltmp2, $3  }
0x17: {  	_ =	sdelay $0x1  }
0x18: {  	[tilespmem:s5], [sflag:$0x1] =	stream.strided.gather [hbm4b:s6+s12], $0x4000, s13, s12, $0x38;
	[tilespmem:$0xE400] =	vst v63  }
0x19: {  	s24 =	simm.s32 $0x0  }
.LBB2_10:
0x1a: {  	s24 =	sadd.s32 $0x1, s24  }
0x1b: {  	p1 =	sne.s32 s24, $0x53  }
.Ltmp3:
0x1c: {  	_ = 	snop;
	(pc) =	sbr.rel @!p1 .LBB2_11-.Ltmp3, $1  }
0x1d: {  	_ =	sdelay $0x3  }
.LBB2_2:
0x1e: {  	s25 =	sshll.u32 s24, $0x5;
	s26 =	sand.u32 $0x1, s24  }
0x1f: {  	s25 =	sor.u32 s4, s25;
	p1 =	seq.s32 s26, $0x1  }
0x20: {  	p2 =	sgt.u32 @!p1 s25, $0xA21  }
0x21: {  	s28 =	sadd.s32 $0x20, s25;
	p3 =	por p2, p1  }
0x22: {  	s29 =	smul.u32 @!p3 $0x1447, s28;
	_ =	sdelay $0x1  }
0x23: {  	s29 =	sshrl.u32 @!p3 s29, $0x13  }
0x24: {  	s30 =	smul.u32 @!p3 $0x65, s29;
	_ =	sdelay $0x1  }
0x25: {  	s30 =	ssub.s32 @!p3 s28, s30  }
0x26: {  	p6 =	sgt.u32 s25, $0xA21;
	s29 =	smul.u32 @!p3 $0x196800, s29;
	s30 =	sand.u32 @!p3 $0xFFFF, s30  }
0x27: {  	p2 =	por !p1, p6;
	s30 =	sshll.u32 @!p3 s30, $0xD  }
0x28: {  	s29 =	sadd.s32 @!p3 s30, s29;
	s30 =	smul.u32 @!p2 $0x1447, s28  }
0x29: {  	s31 =	simm.s32 @!p3 $0x2000  }
0x2a: {  	s2 =	simm.s32 @!p3 $0xCB400;
	s29 =	sshrl.u32 @!p3 s29, $0x3;
	s30 =	sshrl.u32 @!p2 s30, $0x13  }
0x2b: {  	s1 =	simm.s32 @!p3 $0x4000;
	s29 =	sadd.s32 @!p3 s0, s29;
	s20 =	smul.u32 @!p2 $0x65, s30  }
0x2c: {  	[tilespmem:s1], [sflag:$0x2] =	stream.strided.gather @!p3 [hbm4b:s29+s31], $0x4000, s2, s31, $0x38;
	[tilespmem:$0xE400] =	vst v63  }
0x2d: {  	s1 =	ssub.s32 @!p2 s28, s20  }
0x2e: {  	s2 =	smul.u32 @!p2 $0x196800, s30;
	s1 =	sand.u32 @!p2 $0xFFFF, s1  }
0x2f: {  	s1 =	sshll.u32 @!p2 s1, $0xD  }
0x30: {  	s1 =	sadd.s32 @!p2 s1, s2  }
0x31: {  	s20 =	simm.s32 @!p2 $0xCB400;
	s1 =	sshrl.u32 @!p2 s1, $0x3  }
0x32: {  	s28 =	simm.s32 @!p2 $0x0;
	s2 =	simm.s32 @!p2 $0x2000;
	s1 =	sadd.s32 @!p2 s0, s1  }
0x33: {  	[tilespmem:s28], [sflag:$0x1] =	stream.strided.gather @!p2 [hbm4b:s1+s2], $0x4000, s20, s2, $0x38;
	[tilespmem:$0xE400] =	vst v63  }
0x34: {  	p2 =	sne.s32 s26, $0x0  }
0x35: {  	p3 =	sgt.u32 @!p2 s25, $0xA41  }
0x36: {  	p2 =	por p2, p3  }
.Ltmp4:
0x37: {  	_ = 	snop;
	(pc) =	sbr.rel @p2 .LBB2_6-.Ltmp4, $1  }
0x38: {  	_ =	sdelay $0x3  }
0x39: {  	s1 =	simm.s32 $0x0  }
0x3a: {  	v2 =	vmov s1  }
0x3b: {  	v3 =	vshll.u32 v2, $0x3  }
0x3c: {  	v2 =	vand.u32 $0x60, v2;
	v3 =	vand.u32 $0x1C00, v3  }
0x3d: {  	v2 =	vor.u32 v3, v2  }
0x3e: {  	v2 =	vor.u32 v0, v2  }
0x3f: {  	s26 =	simm.s32 $0x1  }
0x40: {  	_ =	swait.ge [sflag:s14], $0x4000;
	v3 =	vmov s26  }
0x41: {  	[sflag:s14] =	ssyncset.done $0x0;
	v4 =	vshll.u32 v3, $0x3  }
0x42: {  	[sflag:s14] =	ssyncadd.s32 $0xFFFFC000;
	v3 =	vand.u32 $0x61, v3;
	v4 =	vand.u32 $0x1C00, v4  }
0x43: {  	v3 =	vor.u32 v4, v3;
	v2 =	vld.idx.msk [tilespmem:v2+s5+$0x0], $0xffff  }
0x44: {  	v3 =	vor.u32 v0, v3  }
0x45: {  	s30 =	simm.s32 $0x2  }
0x46: {  	v4 =	vmov s30  }
0x47: {  	s26 =	simm.s32 $0xA100;
	v5 =	vshll.u32 v4, $0x3  }
0x48: {  	[tilespmem:s26+$0xFFFFFF00] =	vst v2;
	v2 =	vand.u32 $0x62, v4;
	v4 =	vand.u32 $0x1C00, v5  }
0x49: {  	v3 =	vld.idx.msk [tilespmem:v3+s5+$0x0], $0xffff;
	v2 =	vor.u32 v4, v2  }
0x4a: {  	v2 =	vor.u32 v0, v2  }
0x4b: {  	s31 =	simm.s32 $0x3  }
0x4c: {  	v4 =	vmov s31  }
0x4d: {  	v5 =	vshll.u32 v4, $0x3  }
0x4e: {  	[tilespmem:s26+$0xFFFFFF10] =	vst v3;
	v3 =	vand.u32 $0x63, v4;
	v4 =	vand.u32 $0x1C00, v5  }
0x4f: {  	v2 =	vld.idx.msk [tilespmem:v2+s5+$0x0], $0xffff;
	v3 =	vor.u32 v4, v3  }
0x50: {  	v3 =	vor.u32 v0, v3  }
0x51: {  	s2 =	simm.s32 $0x4  }
0x52: {  	v4 =	vmov s2  }
0x53: {  	v5 =	vshll.u32 v4, $0x3  }
0x54: {  	[tilespmem:s26+$0xFFFFFF20] =	vst v2;
	v2 =	vand.u32 $0x64, v4;
	v4 =	vand.u32 $0x1C00, v5  }
0x55: {  	v3 =	vld.idx.msk [tilespmem:v3+s5+$0x0], $0xffff;
	v2 =	vor.u32 v4, v2  }
0x56: {  	v2 =	vor.u32 v0, v2  }
0x57: {  	s20 =	simm.s32 $0x5  }
0x58: {  	v4 =	vmov s20  }
0x59: {  	v5 =	vshll.u32 v4, $0x3  }
0x5a: {  	[tilespmem:s26+$0xFFFFFF30] =	vst v3;
	v3 =	vand.u32 $0x65, v4;
	v4 =	vand.u32 $0x1C00, v5  }
0x5b: {  	v2 =	vld.idx.msk [tilespmem:v2+s5+$0x0], $0xffff;
	v3 =	vor.u32 v4, v3  }
0x5c: {  	v3 =	vor.u32 v0, v3  }
0x5d: {  	s30 =	simm.s32 $0x6  }
0x5e: {  	v4 =	vmov s30  }
0x5f: {  	v5 =	vshll.u32 v4, $0x3  }
0x60: {  	[tilespmem:s26+$0xFFFFFF40] =	vst v2;
	v2 =	vand.u32 $0x66, v4;
	v4 =	vand.u32 $0x1C00, v5  }
0x61: {  	v3 =	vld.idx.msk [tilespmem:v3+s5+$0x0], $0xffff;
	v2 =	vor.u32 v4, v2  }
0x62: {  	v2 =	vor.u32 v0, v2  }
0x63: {  	s31 =	simm.s32 $0x7  }
0x64: {  	v4 =	vmov s31  }
0x65: {  	v5 =	vshll.u32 v4, $0x3  }
0x66: {  	[tilespmem:s26+$0xFFFFFF50] =	vst v3;
	v3 =	vand.u32 $0x67, v4;
	v4 =	vand.u32 $0x1C00, v5  }
0x67: {  	v2 =	vld.idx.msk [tilespmem:v2+s5+$0x0], $0xffff;
	v3 =	vor.u32 v4, v3  }
0x68: {  	v3 =	vor.u32 v0, v3  }
0x69: {  	s2 =	simm.s32 $0x8  }
0x6a: {  	v4 =	vmov s2  }
0x6b: {  	v5 =	vshll.u32 v4, $0x3  }
0x6c: {  	[tilespmem:s26+$0xFFFFFF60] =	vst v2;
	v2 =	vand.u32 $0x68, v4;
	v4 =	vand.u32 $0x1C00, v5  }
0x6d: {  	v3 =	vld.idx.msk [tilespmem:v3+s5+$0x0], $0xffff;
	v2 =	vor.u32 v4, v2  }
0x6e: {  	v2 =	vor.u32 v0, v2  }
0x6f: {  	s20 =	simm.s32 $0x9  }
0x70: {  	v4 =	vmov s20  }
0x71: {  	v5 =	vshll.u32 v4, $0x3  }
0x72: {  	[tilespmem:s26+$0xFFFFFF70] =	vst v3;
	v3 =	vand.u32 $0x69, v4;
	v4 =	vand.u32 $0x7FFFFC00, v5  }
0x73: {  	v2 =	vld.idx.msk [tilespmem:v2+s5+$0x0], $0xffff;
	v3 =	vor.u32 v3, v4  }
0x74: {  	v3 =	vadd.s32 v0, v3  }
0x75: {  	s30 =	simm.s32 $0xA  }
0x76: {  	v4 =	vmov s30  }
0x77: {  	v5 =	vshll.u32 v4, $0x3  }
0x78: {  	[tilespmem:s26+$0xFFFFFF80] =	vst v2;
	v2 =	vand.u32 $0x6A, v4;
	v4 =	vand.u32 $0x7FFFFC00, v5  }
0x79: {  	v3 =	vld.idx.msk [tilespmem:v3+s5+$0x0], $0xffff;
	v2 =	vor.u32 v2, v4  }
0x7a: {  	v2 =	vadd.s32 v0, v2  }
0x7b: {  	s31 =	simm.s32 $0xB  }
0x7c: {  	v4 =	vmov s31  }
0x7d: {  	v5 =	vshll.u32 v4, $0x3  }
0x7e: {  	[tilespmem:s26+$0xFFFFFF90] =	vst v3;
	v3 =	vand.u32 $0x6B, v4;
	v4 =	vand.u32 $0x7FFFFC00, v5  }
0x7f: {  	v2 =	vld.idx.msk [tilespmem:v2+s5+$0x0], $0xffff;
	v3 =	vor.u32 v3, v4  }
0x80: {  	v3 =	vadd.s32 v0, v3  }
0x81: {  	s2 =	simm.s32 $0xC  }
0x82: {  	v4 =	vmov s2  }
0x83: {  	v5 =	vshll.u32 v4, $0x3  }
0x84: {  	[tilespmem:s26+$0xFFFFFFA0] =	vst v2;
	v2 =	vand.u32 $0x6C, v4;
	v4 =	vand.u32 $0x7FFFFC00, v5  }
0x85: {  	v3 =	vld.idx.msk [tilespmem:v3+s5+$0x0], $0xffff;
	v2 =	vor.u32 v2, v4  }
0x86: {  	v2 =	vadd.s32 v0, v2  }
0x87: {  	s20 =	simm.s32 $0xD  }
0x88: {  	v4 =	vmov s20  }
0x89: {  	v5 =	vshll.u32 v4, $0x3  }
0x8a: {  	[tilespmem:s26+$0xFFFFFFB0] =	vst v3;
	v3 =	vand.u32 $0x6D, v4;
	v4 =	vand.u32 $0x7FFFFC00, v5  }
0x8b: {  	v2 =	vld.idx.msk [tilespmem:v2+s5+$0x0], $0xffff;
	v3 =	vor.u32 v3, v4  }
0x8c: {  	v3 =	vadd.s32 v0, v3  }
0x8d: {  	s30 =	simm.s32 $0xE  }
0x8e: {  	v4 =	vmov s30  }
0x8f: {  	v5 =	vshll.u32 v4, $0x3  }
0x90: {  	[tilespmem:s26+$0xFFFFFFC0] =	vst v2;
	v2 =	vand.u32 $0x6E, v4;
	v4 =	vand.u32 $0x7FFFFC00, v5  }
0x91: {  	v3 =	vld.idx.msk [tilespmem:v3+s5+$0x0], $0xffff;
	v2 =	vor.u32 v2, v4  }
0x92: {  	v2 =	vadd.s32 v0, v2  }
0x93: {  	s31 =	simm.s32 $0xF  }
0x94: {  	v4 =	vmov s31  }
0x95: {  	v5 =	vshll.u32 v4, $0x3  }
0x96: {  	[tilespmem:s26+$0xFFFFFFD0] =	vst v3;
	v3 =	vand.u32 $0x6F, v4;
	v4 =	vand.u32 $0x7FFFFC00, v5  }
0x97: {  	v2 =	vld.idx.msk [tilespmem:v2+s5+$0x0], $0xffff;
	v3 =	vor.u32 v3, v4  }
0x98: {  	v3 =	vadd.s32 v0, v3  }
0x99: {  	s2 =	simm.s32 $0x10  }
0x9a: {  	v4 =	vmov s2  }
0x9b: {  	v5 =	vshll.u32 v4, $0x3  }
0x9c: {  	[tilespmem:s26+$0xFFFFFFE0] =	vst v2;
	v2 =	vand.u32 $0x70, v4;
	v4 =	vand.u32 $0x1C00, v5  }
0x9d: {  	v3 =	vld.idx.msk [tilespmem:v3+s5+$0x0], $0xffff;
	v2 =	vor.u32 v4, v2  }
0x9e: {  	v2 =	vor.u32 v0, v2  }
0x9f: {  	s20 =	simm.s32 $0x11  }
0xa0: {  	v4 =	vmov s20  }
0xa1: {  	v5 =	vshll.u32 v4, $0x3  }
0xa2: {  	[tilespmem:s26+$0xFFFFFFF0] =	vst v3;
	v3 =	vand.u32 $0x71, v4;
	v4 =	vand.u32 $0x7FFFFC00, v5  }
0xa3: {  	v2 =	vld.idx.msk [tilespmem:v2+s5+$0x0], $0xffff;
	v3 =	vor.u32 v3, v4  }
0xa4: {  	v3 =	vadd.s32 v0, v3  }
0xa5: {  	s30 =	simm.s32 $0x12  }
0xa6: {  	v4 =	vmov s30  }
0xa7: {  	v5 =	vshll.u32 v4, $0x3  }
0xa8: {  	[tilespmem:s26+$0x0] =	vst v2;
	v2 =	vand.u32 $0x72, v4;
	v4 =	vand.u32 $0x7FFFFC00, v5  }
0xa9: {  	v3 =	vld.idx.msk [tilespmem:v3+s5+$0x0], $0xffff;
	v2 =	vor.u32 v2, v4  }
0xaa: {  	v2 =	vadd.s32 v0, v2  }
0xab: {  	s31 =	simm.s32 $0x13  }
0xac: {  	v4 =	vmov s31  }
0xad: {  	v5 =	vshll.u32 v4, $0x3  }
0xae: {  	[tilespmem:s26+$0x10] =	vst v3;
	v3 =	vand.u32 $0x73, v4;
	v4 =	vand.u32 $0x7FFFFC00, v5  }
0xaf: {  	v2 =	vld.idx.msk [tilespmem:v2+s5+$0x0], $0xffff;
	v3 =	vor.u32 v3, v4  }
0xb0: {  	v3 =	vadd.s32 v0, v3  }
0xb1: {  	s2 =	simm.s32 $0x14  }
0xb2: {  	v4 =	vmov s2  }
0xb3: {  	v5 =	vshll.u32 v4, $0x3  }
0xb4: {  	[tilespmem:s26+$0x20] =	vst v2;
	v2 =	vand.u32 $0x74, v4;
	v4 =	vand.u32 $0x7FFFFC00, v5  }
0xb5: {  	v3 =	vld.idx.msk [tilespmem:v3+s5+$0x0], $0xffff;
	v2 =	vor.u32 v2, v4  }
0xb6: {  	v2 =	vadd.s32 v0, v2  }
0xb7: {  	s20 =	simm.s32 $0x15  }
0xb8: {  	v4 =	vmov s20  }
0xb9: {  	v5 =	vshll.u32 v4, $0x3  }
0xba: {  	[tilespmem:s26+$0x30] =	vst v3;
	v3 =	vand.u32 $0x75, v4;
	v4 =	vand.u32 $0x7FFFFC00, v5  }
0xbb: {  	v2 =	vld.idx.msk [tilespmem:v2+s5+$0x0], $0xffff;
	v3 =	vor.u32 v3, v4  }
0xbc: {  	v3 =	vadd.s32 v0, v3  }
0xbd: {  	s30 =	simm.s32 $0x16  }
0xbe: {  	v4 =	vmov s30  }
0xbf: {  	v5 =	vshll.u32 v4, $0x3  }
0xc0: {  	[tilespmem:s26+$0x40] =	vst v2;
	v2 =	vand.u32 $0x76, v4;
	v4 =	vand.u32 $0x7FFFFC00, v5  }
0xc1: {  	v3 =	vld.idx.msk [tilespmem:v3+s5+$0x0], $0xffff;
	v2 =	vor.u32 v2, v4  }
0xc2: {  	v2 =	vadd.s32 v0, v2  }
0xc3: {  	s31 =	simm.s32 $0x17  }
0xc4: {  	v4 =	vmov s31  }
0xc5: {  	v5 =	vshll.u32 v4, $0x3  }
0xc6: {  	[tilespmem:s26+$0x50] =	vst v3;
	v3 =	vand.u32 $0x77, v4;
	v4 =	vand.u32 $0x7FFFFC00, v5  }
0xc7: {  	v2 =	vld.idx.msk [tilespmem:v2+s5+$0x0], $0xffff;
	v3 =	vor.u32 v3, v4  }
0xc8: {  	v3 =	vadd.s32 v0, v3  }
0xc9: {  	s2 =	simm.s32 $0x18  }
0xca: {  	v4 =	vmov s2  }
0xcb: {  	v5 =	vshll.u32 v4, $0x3  }
0xcc: {  	[tilespmem:s26+$0x60] =	vst v2;
	v2 =	vand.u32 $0x78, v4;
	v4 =	vand.u32 $0x1C00, v5  }
0xcd: {  	v3 =	vld.idx.msk [tilespmem:v3+s5+$0x0], $0xffff;
	v2 =	vor.u32 v4, v2  }
0xce: {  	v2 =	vor.u32 v0, v2  }
0xcf: {  	s20 =	simm.s32 $0x19  }
0xd0: {  	v4 =	vmov s20  }
0xd1: {  	v5 =	vshll.u32 v4, $0x3  }
0xd2: {  	[tilespmem:s26+$0x70] =	vst v3;
	v3 =	vand.u32 $0x79, v4;
	v4 =	vand.u32 $0x7FFFFC00, v5  }
0xd3: {  	v2 =	vld.idx.msk [tilespmem:v2+s5+$0x0], $0xffff;
	v3 =	vor.u32 v3, v4  }
0xd4: {  	v3 =	vadd.s32 v0, v3  }
0xd5: {  	s30 =	simm.s32 $0x1A  }
0xd6: {  	v4 =	vmov s30  }
0xd7: {  	v5 =	vshll.u32 v4, $0x3  }
0xd8: {  	[tilespmem:s26+$0x80] =	vst v2;
	v2 =	vand.u32 $0x7A, v4;
	v4 =	vand.u32 $0x7FFFFC00, v5  }
0xd9: {  	v3 =	vld.idx.msk [tilespmem:v3+s5+$0x0], $0xffff;
	v2 =	vor.u32 v2, v4  }
0xda: {  	v2 =	vadd.s32 v0, v2  }
0xdb: {  	s31 =	simm.s32 $0x1B  }
0xdc: {  	v4 =	vmov s31  }
0xdd: {  	v5 =	vshll.u32 v4, $0x3  }
0xde: {  	[tilespmem:s26+$0x90] =	vst v3;
	v3 =	vand.u32 $0x7B, v4;
	v4 =	vand.u32 $0x7FFFFC00, v5  }
0xdf: {  	v2 =	vld.idx.msk [tilespmem:v2+s5+$0x0], $0xffff;
	v3 =	vor.u32 v3, v4  }
0xe0: {  	v3 =	vadd.s32 v0, v3  }
0xe1: {  	s2 =	simm.s32 $0x1C  }
0xe2: {  	v4 =	vmov s2  }
0xe3: {  	v5 =	vshll.u32 v4, $0x3  }
0xe4: {  	[tilespmem:s26+$0xA0] =	vst v2;
	v2 =	vand.u32 $0x7C, v4;
	v4 =	vand.u32 $0x7FFFFC00, v5  }
0xe5: {  	v3 =	vld.idx.msk [tilespmem:v3+s5+$0x0], $0xffff;
	v2 =	vor.u32 v2, v4  }
0xe6: {  	v2 =	vadd.s32 v0, v2  }
0xe7: {  	s20 =	simm.s32 $0x1D  }
0xe8: {  	v4 =	vmov s20  }
0xe9: {  	v5 =	vshll.u32 v4, $0x3  }
0xea: {  	[tilespmem:s26+$0xB0] =	vst v3;
	v3 =	vand.u32 $0x7D, v4;
	v4 =	vand.u32 $0x7FFFFC00, v5  }
0xeb: {  	v2 =	vld.idx.msk [tilespmem:v2+s5+$0x0], $0xffff;
	v3 =	vor.u32 v3, v4  }
0xec: {  	v3 =	vadd.s32 v0, v3  }
0xed: {  	s30 =	simm.s32 $0x1E  }
0xee: {  	v4 =	vmov s30  }
0xef: {  	v5 =	vshll.u32 v4, $0x3  }
0xf0: {  	[tilespmem:s26+$0xC0] =	vst v2;
	v2 =	vand.u32 $0x7E, v4;
	v4 =	vand.u32 $0x7FFFFC00, v5  }
0xf1: {  	v3 =	vld.idx.msk [tilespmem:v3+s5+$0x0], $0xffff;
	v2 =	vor.u32 v2, v4  }
0xf2: {  	v2 =	vadd.s32 v0, v2  }
0xf3: {  	s31 =	simm.s32 $0x1F  }
0xf4: {  	v4 =	vmov s31  }
0xf5: {  	v5 =	vshll.u32 v4, $0x3  }
0xf6: {  	v4 =	vand.u32 $0x7F, v4;
	v5 =	vand.u32 $0x7FFFFC00, v5;
	[tilespmem:s26+$0xD0] =	vst v3  }
0xf7: {  	v3 =	vor.u32 v4, v5;
	v2 =	vld.idx.msk [tilespmem:v2+s5+$0x0], $0xffff  }
0xf8: {  	v3 =	vadd.s32 v0, v3  }
0xf9: {  	s28 =	simm.s32 $0x0;
	s29 =	simm.s32 $0x3F  }
.LBB2_4:
0xfa: {  	s1 =	sadd.s32 $0xFFFFFFE1, s29;
	s28 =	sadd.s32 $0x4, s28  }
0xfb: {  	v4 =	vmov s1;
	p2 =	slt.u32 s28, $0x7C  }
0xfc: {  	v5 =	vshll.u32 v4, $0x3;
	[tilespmem:s26+$0xE0] =	vst v2  }
0xfd: {  	v2 =	vand.u32 $0x60, v4;
	v4 =	vand.u32 $0x1C00, v5;
	v3 =	vld.idx.msk [tilespmem:v3+s5+$0x0], $0xffff  }
0xfe: {  	v2 =	vor.u32 v4, v2  }
0xff: {  	v2 =	vor.u32 v0, v2;
	_ =	sdelay $0x1  }
0x100: {  	s1 =	sadd.s32 $0xFFFFFFE2, s29  }
0x101: {  	v4 =	vmov s1  }
0x102: {  	v5 =	vshll.u32 v4, $0x3;
	[tilespmem:s26+$0xF0] =	vst v3  }
0x103: {  	v3 =	vand.u32 $0x61, v4;
	v4 =	vand.u32 $0x1C00, v5;
	v2 =	vld.idx.msk [tilespmem:v2+s5+$0x0], $0xffff  }
0x104: {  	v3 =	vor.u32 v4, v3  }
0x105: {  	v3 =	vor.u32 v0, v3;
	_ =	sdelay $0x1  }
0x106: {  	s1 =	sadd.s32 $0xFFFFFFE3, s29  }
0x107: {  	s26 =	sadd.s32 $0x200, s26;
	v4 =	vmov s1  }
0x108: {  	[tilespmem:s26+$0xFFFFFF00] =	vst v2;
	v2 =	vshll.u32 v4, $0x3  }
0x109: {  	v4 =	vand.u32 $0x62, v4;
	v3 =	vld.idx.msk [tilespmem:v3+s5+$0x0], $0xffff;
	v2 =	vand.u32 $0x1C00, v2  }
0x10a: {  	v2 =	vor.u32 v2, v4  }
0x10b: {  	v2 =	vor.u32 v0, v2;
	_ =	sdelay $0x1  }
0x10c: {  	s1 =	sadd.s32 $0xFFFFFFE4, s29  }
0x10d: {  	v4 =	vmov s1  }
0x10e: {  	[tilespmem:s26+$0xFFFFFF10] =	vst v3;
	v3 =	vshll.u32 v4, $0x3  }
0x10f: {  	v4 =	vand.u32 $0x63, v4;
	v2 =	vld.idx.msk [tilespmem:v2+s5+$0x0], $0xffff;
	v3 =	vand.u32 $0x1C00, v3  }
0x110: {  	v3 =	vor.u32 v3, v4  }
0x111: {  	v3 =	vor.u32 v0, v3;
	_ =	sdelay $0x1  }
0x112: {  	s1 =	sadd.s32 $0xFFFFFFE5, s29  }
0x113: {  	v4 =	vmov s1  }
0x114: {  	[tilespmem:s26+$0xFFFFFF20] =	vst v2;
	v2 =	vshll.u32 v4, $0x3  }
0x115: {  	v4 =	vand.u32 $0x64, v4;
	v3 =	vld.idx.msk [tilespmem:v3+s5+$0x0], $0xffff;
	v2 =	vand.u32 $0x1C00, v2  }
0x116: {  	v2 =	vor.u32 v2, v4  }
0x117: {  	v2 =	vor.u32 v0, v2;
	_ =	sdelay $0x1  }
0x118: {  	s1 =	sadd.s32 $0xFFFFFFE6, s29  }
0x119: {  	v4 =	vmov s1  }
0x11a: {  	[tilespmem:s26+$0xFFFFFF30] =	vst v3;
	v3 =	vshll.u32 v4, $0x3  }
0x11b: {  	v4 =	vand.u32 $0x65, v4;
	v2 =	vld.idx.msk [tilespmem:v2+s5+$0x0], $0xffff;
	v3 =	vand.u32 $0x1C00, v3  }
0x11c: {  	v3 =	vor.u32 v3, v4  }
0x11d: {  	v3 =	vor.u32 v0, v3;
	_ =	sdelay $0x1  }
0x11e: {  	s1 =	sadd.s32 $0xFFFFFFE7, s29  }
0x11f: {  	v4 =	vmov s1  }
0x120: {  	[tilespmem:s26+$0xFFFFFF40] =	vst v2;
	v2 =	vshll.u32 v4, $0x3  }
0x121: {  	v4 =	vand.u32 $0x66, v4;
	v3 =	vld.idx.msk [tilespmem:v3+s5+$0x0], $0xffff;
	v2 =	vand.u32 $0x1C00, v2  }
0x122: {  	v2 =	vor.u32 v2, v4  }
0x123: {  	v2 =	vor.u32 v0, v2;
	_ =	sdelay $0x1  }
0x124: {  	s1 =	sadd.s32 $0xFFFFFFE8, s29  }
0x125: {  	v4 =	vmov s1  }
0x126: {  	[tilespmem:s26+$0xFFFFFF50] =	vst v3;
	v3 =	vshll.u32 v4, $0x3  }
0x127: {  	v4 =	vand.u32 $0x67, v4;
	v2 =	vld.idx.msk [tilespmem:v2+s5+$0x0], $0xffff;
	v3 =	vand.u32 $0x1C00, v3  }
0x128: {  	v3 =	vor.u32 v3, v4  }
0x129: {  	v3 =	vor.u32 v0, v3;
	_ =	sdelay $0x1  }
0x12a: {  	s1 =	sadd.s32 $0xFFFFFFE9, s29  }
0x12b: {  	v4 =	vmov s1  }
0x12c: {  	[tilespmem:s26+$0xFFFFFF60] =	vst v2;
	v2 =	vshll.u32 v4, $0x3  }
0x12d: {  	v4 =	vand.u32 $0x68, v4;
	v3 =	vld.idx.msk [tilespmem:v3+s5+$0x0], $0xffff;
	v2 =	vand.u32 $0x1C00, v2  }
0x12e: {  	v2 =	vor.u32 v2, v4  }
0x12f: {  	v2 =	vor.u32 v0, v2;
	_ =	sdelay $0x1  }
0x130: {  	s1 =	sadd.s32 $0xFFFFFFEA, s29  }
0x131: {  	v4 =	vmov s1  }
0x132: {  	[tilespmem:s26+$0xFFFFFF70] =	vst v3;
	v3 =	vshll.u32 v4, $0x3  }
0x133: {  	v4 =	vand.u32 $0x69, v4;
	v2 =	vld.idx.msk [tilespmem:v2+s5+$0x0], $0xffff;
	v3 =	vand.u32 $0x7FFFFC00, v3  }
0x134: {  	v3 =	vor.u32 v4, v3  }
0x135: {  	v3 =	vadd.s32 v0, v3;
	_ =	sdelay $0x1  }
0x136: {  	s1 =	sadd.s32 $0xFFFFFFEB, s29  }
0x137: {  	v4 =	vmov s1  }
0x138: {  	[tilespmem:s26+$0xFFFFFF80] =	vst v2;
	v2 =	vshll.u32 v4, $0x3  }
0x139: {  	v4 =	vand.u32 $0x6A, v4;
	v3 =	vld.idx.msk [tilespmem:v3+s5+$0x0], $0xffff;
	v2 =	vand.u32 $0x7FFFFC00, v2  }
0x13a: {  	v2 =	vor.u32 v4, v2  }
0x13b: {  	v2 =	vadd.s32 v0, v2;
	_ =	sdelay $0x1  }
0x13c: {  	s1 =	sadd.s32 $0xFFFFFFEC, s29  }
0x13d: {  	v4 =	vmov s1  }
0x13e: {  	[tilespmem:s26+$0xFFFFFF90] =	vst v3;
	v3 =	vshll.u32 v4, $0x3  }
0x13f: {  	v4 =	vand.u32 $0x6B, v4;
	v2 =	vld.idx.msk [tilespmem:v2+s5+$0x0], $0xffff;
	v3 =	vand.u32 $0x7FFFFC00, v3  }
0x140: {  	v3 =	vor.u32 v4, v3  }
0x141: {  	v3 =	vadd.s32 v0, v3;
	_ =	sdelay $0x1  }
0x142: {  	s1 =	sadd.s32 $0xFFFFFFED, s29  }
0x143: {  	v4 =	vmov s1  }
0x144: {  	[tilespmem:s26+$0xFFFFFFA0] =	vst v2;
	v2 =	vshll.u32 v4, $0x3  }
0x145: {  	v4 =	vand.u32 $0x6C, v4;
	v3 =	vld.idx.msk [tilespmem:v3+s5+$0x0], $0xffff;
	v2 =	vand.u32 $0x7FFFFC00, v2  }
0x146: {  	v2 =	vor.u32 v4, v2  }
0x147: {  	v2 =	vadd.s32 v0, v2;
	_ =	sdelay $0x1  }
0x148: {  	s1 =	sadd.s32 $0xFFFFFFEE, s29  }
0x149: {  	v4 =	vmov s1  }
0x14a: {  	[tilespmem:s26+$0xFFFFFFB0] =	vst v3;
	v3 =	vshll.u32 v4, $0x3  }
0x14b: {  	v4 =	vand.u32 $0x6D, v4;
	v2 =	vld.idx.msk [tilespmem:v2+s5+$0x0], $0xffff;
	v3 =	vand.u32 $0x7FFFFC00, v3  }
0x14c: {  	v3 =	vor.u32 v4, v3  }
0x14d: {  	v3 =	vadd.s32 v0, v3;
	_ =	sdelay $0x1  }
0x14e: {  	s1 =	sadd.s32 $0xFFFFFFEF, s29  }
0x14f: {  	v4 =	vmov s1  }
0x150: {  	[tilespmem:s26+$0xFFFFFFC0] =	vst v2;
	v2 =	vshll.u32 v4, $0x3  }
0x151: {  	v4 =	vand.u32 $0x6E, v4;
	v3 =	vld.idx.msk [tilespmem:v3+s5+$0x0], $0xffff;
	v2 =	vand.u32 $0x7FFFFC00, v2  }
0x152: {  	v2 =	vor.u32 v4, v2  }
0x153: {  	v2 =	vadd.s32 v0, v2;
	_ =	sdelay $0x1  }
0x154: {  	s1 =	sadd.s32 $0xFFFFFFF0, s29  }
0x155: {  	v4 =	vmov s1  }
0x156: {  	[tilespmem:s26+$0xFFFFFFD0] =	vst v3;
	v3 =	vshll.u32 v4, $0x3  }
0x157: {  	v4 =	vand.u32 $0x6F, v4;
	v2 =	vld.idx.msk [tilespmem:v2+s5+$0x0], $0xffff;
	v3 =	vand.u32 $0x7FFFFC00, v3  }
0x158: {  	v3 =	vor.u32 v4, v3  }
0x159: {  	v3 =	vadd.s32 v0, v3;
	_ =	sdelay $0x1  }
0x15a: {  	s1 =	sadd.s32 $0xFFFFFFF1, s29  }
0x15b: {  	v4 =	vmov s1  }
0x15c: {  	[tilespmem:s26+$0xFFFFFFE0] =	vst v2;
	v2 =	vshll.u32 v4, $0x3  }
0x15d: {  	v4 =	vand.u32 $0x70, v4;
	v3 =	vld.idx.msk [tilespmem:v3+s5+$0x0], $0xffff;
	v2 =	vand.u32 $0x1C00, v2  }
0x15e: {  	v2 =	vor.u32 v2, v4  }
0x15f: {  	v2 =	vor.u32 v0, v2;
	_ =	sdelay $0x1  }
0x160: {  	s1 =	sadd.s32 $0xFFFFFFF2, s29  }
0x161: {  	v4 =	vmov s1  }
0x162: {  	[tilespmem:s26+$0xFFFFFFF0] =	vst v3;
	v3 =	vshll.u32 v4, $0x3  }
0x163: {  	v4 =	vand.u32 $0x71, v4;
	v2 =	vld.idx.msk [tilespmem:v2+s5+$0x0], $0xffff;
	v3 =	vand.u32 $0x7FFFFC00, v3  }
0x164: {  	v3 =	vor.u32 v4, v3  }
0x165: {  	v3 =	vadd.s32 v0, v3;
	_ =	sdelay $0x1  }
0x166: {  	s1 =	sadd.s32 $0xFFFFFFF3, s29  }
0x167: {  	v4 =	vmov s1  }
0x168: {  	[tilespmem:s26+$0x0] =	vst v2;
	v2 =	vshll.u32 v4, $0x3  }
0x169: {  	v4 =	vand.u32 $0x72, v4;
	v3 =	vld.idx.msk [tilespmem:v3+s5+$0x0], $0xffff;
	v2 =	vand.u32 $0x7FFFFC00, v2  }
0x16a: {  	v2 =	vor.u32 v4, v2  }
0x16b: {  	v2 =	vadd.s32 v0, v2;
	_ =	sdelay $0x1  }
0x16c: {  	s1 =	sadd.s32 $0xFFFFFFF4, s29  }
0x16d: {  	v4 =	vmov s1  }
0x16e: {  	[tilespmem:s26+$0x10] =	vst v3;
	v3 =	vshll.u32 v4, $0x3  }
0x16f: {  	v4 =	vand.u32 $0x73, v4;
	v2 =	vld.idx.msk [tilespmem:v2+s5+$0x0], $0xffff;
	v3 =	vand.u32 $0x7FFFFC00, v3  }
0x170: {  	v3 =	vor.u32 v4, v3  }
0x171: {  	v3 =	vadd.s32 v0, v3;
	_ =	sdelay $0x1  }
0x172: {  	s1 =	sadd.s32 $0xFFFFFFF5, s29  }
0x173: {  	v4 =	vmov s1  }
0x174: {  	[tilespmem:s26+$0x20] =	vst v2;
	v2 =	vshll.u32 v4, $0x3  }
0x175: {  	v4 =	vand.u32 $0x74, v4;
	v3 =	vld.idx.msk [tilespmem:v3+s5+$0x0], $0xffff;
	v2 =	vand.u32 $0x7FFFFC00, v2  }
0x176: {  	v2 =	vor.u32 v4, v2  }
0x177: {  	v2 =	vadd.s32 v0, v2;
	_ =	sdelay $0x1  }
0x178: {  	s1 =	sadd.s32 $0xFFFFFFF6, s29  }
0x179: {  	v4 =	vmov s1  }
0x17a: {  	[tilespmem:s26+$0x30] =	vst v3;
	v3 =	vshll.u32 v4, $0x3  }
0x17b: {  	v4 =	vand.u32 $0x75, v4;
	v2 =	vld.idx.msk [tilespmem:v2+s5+$0x0], $0xffff;
	v3 =	vand.u32 $0x7FFFFC00, v3  }
0x17c: {  	v3 =	vor.u32 v4, v3  }
0x17d: {  	v3 =	vadd.s32 v0, v3;
	_ =	sdelay $0x1  }
0x17e: {  	s1 =	sadd.s32 $0xFFFFFFF7, s29  }
0x17f: {  	v4 =	vmov s1  }
0x180: {  	[tilespmem:s26+$0x40] =	vst v2;
	v2 =	vshll.u32 v4, $0x3  }
0x181: {  	v4 =	vand.u32 $0x76, v4;
	v3 =	vld.idx.msk [tilespmem:v3+s5+$0x0], $0xffff;
	v2 =	vand.u32 $0x7FFFFC00, v2  }
0x182: {  	v2 =	vor.u32 v4, v2  }
0x183: {  	v2 =	vadd.s32 v0, v2;
	_ =	sdelay $0x1  }
0x184: {  	s1 =	sadd.s32 $0xFFFFFFF8, s29  }
0x185: {  	v4 =	vmov s1  }
0x186: {  	[tilespmem:s26+$0x50] =	vst v3;
	v3 =	vshll.u32 v4, $0x3  }
0x187: {  	v4 =	vand.u32 $0x77, v4;
	v2 =	vld.idx.msk [tilespmem:v2+s5+$0x0], $0xffff;
	v3 =	vand.u32 $0x7FFFFC00, v3  }
0x188: {  	v3 =	vor.u32 v4, v3  }
0x189: {  	v3 =	vadd.s32 v0, v3;
	_ =	sdelay $0x1  }
0x18a: {  	s1 =	sadd.s32 $0xFFFFFFF9, s29  }
0x18b: {  	v4 =	vmov s1  }
0x18c: {  	[tilespmem:s26+$0x60] =	vst v2;
	v2 =	vshll.u32 v4, $0x3  }
0x18d: {  	v4 =	vand.u32 $0x78, v4;
	v3 =	vld.idx.msk [tilespmem:v3+s5+$0x0], $0xffff;
	v2 =	vand.u32 $0x1C00, v2  }
0x18e: {  	v2 =	vor.u32 v2, v4  }
0x18f: {  	v2 =	vor.u32 v0, v2;
	_ =	sdelay $0x1  }
0x190: {  	s1 =	sadd.s32 $0xFFFFFFFA, s29  }
0x191: {  	v4 =	vmov s1  }
0x192: {  	[tilespmem:s26+$0x70] =	vst v3;
	v3 =	vshll.u32 v4, $0x3  }
0x193: {  	v4 =	vand.u32 $0x79, v4;
	v2 =	vld.idx.msk [tilespmem:v2+s5+$0x0], $0xffff;
	v3 =	vand.u32 $0x7FFFFC00, v3  }
0x194: {  	v3 =	vor.u32 v4, v3  }
0x195: {  	v3 =	vadd.s32 v0, v3;
	_ =	sdelay $0x1  }
0x196: {  	s1 =	sadd.s32 $0xFFFFFFFB, s29  }
0x197: {  	v4 =	vmov s1  }
0x198: {  	[tilespmem:s26+$0x80] =	vst v2;
	v2 =	vshll.u32 v4, $0x3  }
0x199: {  	v4 =	vand.u32 $0x7A, v4;
	v3 =	vld.idx.msk [tilespmem:v3+s5+$0x0], $0xffff;
	v2 =	vand.u32 $0x7FFFFC00, v2  }
0x19a: {  	v2 =	vor.u32 v4, v2  }
0x19b: {  	v2 =	vadd.s32 v0, v2;
	_ =	sdelay $0x1  }
0x19c: {  	s1 =	sadd.s32 $0xFFFFFFFC, s29  }
0x19d: {  	v4 =	vmov s1  }
0x19e: {  	[tilespmem:s26+$0x90] =	vst v3;
	v3 =	vshll.u32 v4, $0x3  }
0x19f: {  	v4 =	vand.u32 $0x7B, v4;
	v2 =	vld.idx.msk [tilespmem:v2+s5+$0x0], $0xffff;
	v3 =	vand.u32 $0x7FFFFC00, v3  }
0x1a0: {  	v3 =	vor.u32 v4, v3  }
0x1a1: {  	v3 =	vadd.s32 v0, v3;
	_ =	sdelay $0x1  }
0x1a2: {  	s1 =	sadd.s32 $0xFFFFFFFD, s29  }
0x1a3: {  	v4 =	vmov s1  }
0x1a4: {  	[tilespmem:s26+$0xA0] =	vst v2;
	v2 =	vshll.u32 v4, $0x3  }
0x1a5: {  	v4 =	vand.u32 $0x7C, v4;
	v3 =	vld.idx.msk [tilespmem:v3+s5+$0x0], $0xffff;
	v2 =	vand.u32 $0x7FFFFC00, v2  }
0x1a6: {  	v2 =	vor.u32 v4, v2  }
0x1a7: {  	v2 =	vadd.s32 v0, v2;
	_ =	sdelay $0x1  }
0x1a8: {  	s1 =	sadd.s32 $0xFFFFFFFE, s29  }
0x1a9: {  	v4 =	vmov s1  }
0x1aa: {  	[tilespmem:s26+$0xB0] =	vst v3;
	v3 =	vshll.u32 v4, $0x3  }
0x1ab: {  	v4 =	vand.u32 $0x7D, v4;
	v2 =	vld.idx.msk [tilespmem:v2+s5+$0x0], $0xffff;
	v3 =	vand.u32 $0x7FFFFC00, v3  }
0x1ac: {  	v3 =	vor.u32 v4, v3  }
0x1ad: {  	v3 =	vadd.s32 v0, v3;
	_ =	sdelay $0x1  }
0x1ae: {  	s1 =	sadd.s32 $0xFFFFFFFF, s29  }
0x1af: {  	v4 =	vmov s1  }
0x1b0: {  	[tilespmem:s26+$0xC0] =	vst v2;
	v2 =	vshll.u32 v4, $0x3  }
0x1b1: {  	v4 =	vand.u32 $0x7E, v4;
	v3 =	vld.idx.msk [tilespmem:v3+s5+$0x0], $0xffff;
	v2 =	vand.u32 $0x7FFFFC00, v2  }
0x1b2: {  	v2 =	vor.u32 v4, v2  }
0x1b3: {  	v2 =	vadd.s32 v0, v2;
	_ =	sdelay $0x2  }
0x1b4: {  	v4 =	vmov s29  }
.Ltmp5:
0x1b5: {  	[tilespmem:s26+$0xD0] =	vst v3;
	v3 =	vshll.u32 v4, $0x3;
	(pc) =	sbr.rel @p2 .LBB2_4-.Ltmp5, $4  }
0x1b6: {  	v4 =	vand.u32 $0x7F, v4;
	v2 =	vld.idx.msk [tilespmem:v2+s5+$0x0], $0xffff;
	v3 =	vand.u32 $0x7FFFFC00, v3  }
0x1b7: {  	v3 =	vor.u32 v4, v3  }
0x1b8: {  	v3 =	vadd.s32 v0, v3  }
0x1b9: {  	s29 =	sadd.s32 $0x20, s29  }
0x1ba: {  	s1 =	smul.u32 $0x1447, s25;
	_ =	sdelay $0x1  }
0x1bb: {  	s1 =	sshrl.u32 s1, $0x13  }
0x1bc: {  	s2 =	smul.u32 $0x65, s1  }
0x1bd: {  	[tilespmem:s26+$0xE0] =	vst v2  }
0x1be: {  	v2 =	vld.idx.msk [tilespmem:v3+s5+$0x0], $0xffff;
	s2 =	ssub.s32 s25, s2  }
0x1bf: {  	s1 =	smul.u32 $0x196400, s1;
	s2 =	sand.u32 $0xFFFF, s2  }
0x1c0: {  	s2 =	sshll.u32 s2, $0xE  }
0x1c1: {  	s1 =	sadd.s32 s2, s1  }
0x1c2: {  	s1 =	sshrl.u32 s1, $0x3  }
0x1c3: {  	[tilespmem:s26+$0xF0] =	vst v2;
	s1 =	sadd.s32 s3, s1  }
0x1c4: {  	[hbm4b:s1+s5] =	stream.linear.scatter [tilespmem:s15], [sflag:$0x4], $0x4000, $0x38;
	[tilespmem:$0xE400] =	vst v63  }
0x1c5: {  	_ =	swait.ge [sflag:s16], $0x4000  }
0x1c6: {  	[sflag:s16] =	ssyncset.done $0x0  }
0x1c7: {  	[sflag:s16] =	ssyncadd.s32 $0xFFFFC000  }
.LBB2_6:
0x1c8: {  	p2 =	sgt.u32 s25, $0xA41;
	p1 =	por !p1, !p1  }
0x1c9: {  	p1 =	por p2, p1  }
.Ltmp6:
0x1ca: {  	_ = 	snop;
	(pc) =	sbr.rel @p1 .LBB2_10-.Ltmp6, $1  }
0x1cb: {  	_ =	sdelay $0x3  }
0x1cc: {  	s1 =	simm.s32 $0x0  }
0x1cd: {  	v2 =	vmov s1  }
0x1ce: {  	v3 =	vshll.u32 v2, $0x3  }
0x1cf: {  	v2 =	vand.u32 $0x60, v2;
	v3 =	vand.u32 $0x1C00, v3  }
0x1d0: {  	v2 =	vor.u32 v3, v2  }
0x1d1: {  	v2 =	vor.u32 v0, v2  }
0x1d2: {  	s26 =	simm.s32 $0x1  }
0x1d3: {  	_ =	swait.ge [sflag:s17], $0x4000;
	v3 =	vmov s26  }
0x1d4: {  	[sflag:s17] =	ssyncset.done $0x0;
	v4 =	vshll.u32 v3, $0x3  }
0x1d5: {  	[sflag:s17] =	ssyncadd.s32 $0xFFFFC000;
	v3 =	vand.u32 $0x61, v3;
	v4 =	vand.u32 $0x1C00, v4  }
0x1d6: {  	v3 =	vor.u32 v4, v3;
	v2 =	vld.idx.msk [tilespmem:v2+s18+$0x0], $0xffff  }
0x1d7: {  	v3 =	vor.u32 v0, v3  }
0x1d8: {  	s30 =	simm.s32 $0x2  }
0x1d9: {  	v4 =	vmov s30  }
0x1da: {  	s26 =	simm.s32 $0xA100;
	v5 =	vshll.u32 v4, $0x3  }
0x1db: {  	[tilespmem:s26+$0xFFFFFF00] =	vst v2;
	v2 =	vand.u32 $0x62, v4;
	v4 =	vand.u32 $0x1C00, v5  }
0x1dc: {  	v3 =	vld.idx.msk [tilespmem:v3+s18+$0x0], $0xffff;
	v2 =	vor.u32 v4, v2  }
0x1dd: {  	v2 =	vor.u32 v0, v2  }
0x1de: {  	s31 =	simm.s32 $0x3  }
0x1df: {  	v4 =	vmov s31  }
0x1e0: {  	v5 =	vshll.u32 v4, $0x3  }
0x1e1: {  	[tilespmem:s26+$0xFFFFFF10] =	vst v3;
	v3 =	vand.u32 $0x63, v4;
	v4 =	vand.u32 $0x1C00, v5  }
0x1e2: {  	v2 =	vld.idx.msk [tilespmem:v2+s18+$0x0], $0xffff;
	v3 =	vor.u32 v4, v3  }
0x1e3: {  	v3 =	vor.u32 v0, v3  }
0x1e4: {  	s2 =	simm.s32 $0x4  }
0x1e5: {  	v4 =	vmov s2  }
0x1e6: {  	v5 =	vshll.u32 v4, $0x3  }
0x1e7: {  	[tilespmem:s26+$0xFFFFFF20] =	vst v2;
	v2 =	vand.u32 $0x64, v4;
	v4 =	vand.u32 $0x1C00, v5  }
0x1e8: {  	v3 =	vld.idx.msk [tilespmem:v3+s18+$0x0], $0xffff;
	v2 =	vor.u32 v4, v2  }
0x1e9: {  	v2 =	vor.u32 v0, v2  }
0x1ea: {  	s20 =	simm.s32 $0x5  }
0x1eb: {  	v4 =	vmov s20  }
0x1ec: {  	v5 =	vshll.u32 v4, $0x3  }
0x1ed: {  	[tilespmem:s26+$0xFFFFFF30] =	vst v3;
	v3 =	vand.u32 $0x65, v4;
	v4 =	vand.u32 $0x1C00, v5  }
0x1ee: {  	v2 =	vld.idx.msk [tilespmem:v2+s18+$0x0], $0xffff;
	v3 =	vor.u32 v4, v3  }
0x1ef: {  	v3 =	vor.u32 v0, v3  }
0x1f0: {  	s30 =	simm.s32 $0x6  }
0x1f1: {  	v4 =	vmov s30  }
0x1f2: {  	v5 =	vshll.u32 v4, $0x3  }
0x1f3: {  	[tilespmem:s26+$0xFFFFFF40] =	vst v2;
	v2 =	vand.u32 $0x66, v4;
	v4 =	vand.u32 $0x1C00, v5  }
0x1f4: {  	v3 =	vld.idx.msk [tilespmem:v3+s18+$0x0], $0xffff;
	v2 =	vor.u32 v4, v2  }
0x1f5: {  	v2 =	vor.u32 v0, v2  }
0x1f6: {  	s31 =	simm.s32 $0x7  }
0x1f7: {  	v4 =	vmov s31  }
0x1f8: {  	v5 =	vshll.u32 v4, $0x3  }
0x1f9: {  	[tilespmem:s26+$0xFFFFFF50] =	vst v3;
	v3 =	vand.u32 $0x67, v4;
	v4 =	vand.u32 $0x1C00, v5  }
0x1fa: {  	v2 =	vld.idx.msk [tilespmem:v2+s18+$0x0], $0xffff;
	v3 =	vor.u32 v4, v3  }
0x1fb: {  	v3 =	vor.u32 v0, v3  }
0x1fc: {  	s2 =	simm.s32 $0x8  }
0x1fd: {  	v4 =	vmov s2  }
0x1fe: {  	v5 =	vshll.u32 v4, $0x3  }
0x1ff: {  	[tilespmem:s26+$0xFFFFFF60] =	vst v2;
	v2 =	vand.u32 $0x68, v4;
	v4 =	vand.u32 $0x1C00, v5  }
0x200: {  	v3 =	vld.idx.msk [tilespmem:v3+s18+$0x0], $0xffff;
	v2 =	vor.u32 v4, v2  }
0x201: {  	v2 =	vor.u32 v0, v2  }
0x202: {  	s20 =	simm.s32 $0x9  }
0x203: {  	v4 =	vmov s20  }
0x204: {  	v5 =	vshll.u32 v4, $0x3  }
0x205: {  	[tilespmem:s26+$0xFFFFFF70] =	vst v3;
	v3 =	vand.u32 $0x69, v4;
	v4 =	vand.u32 $0x7FFFFC00, v5  }
0x206: {  	v2 =	vld.idx.msk [tilespmem:v2+s18+$0x0], $0xffff;
	v3 =	vor.u32 v3, v4  }
0x207: {  	v3 =	vadd.s32 v0, v3  }
0x208: {  	s30 =	simm.s32 $0xA  }
0x209: {  	v4 =	vmov s30  }
0x20a: {  	v5 =	vshll.u32 v4, $0x3  }
0x20b: {  	[tilespmem:s26+$0xFFFFFF80] =	vst v2;
	v2 =	vand.u32 $0x6A, v4;
	v4 =	vand.u32 $0x7FFFFC00, v5  }
0x20c: {  	v3 =	vld.idx.msk [tilespmem:v3+s18+$0x0], $0xffff;
	v2 =	vor.u32 v2, v4  }
0x20d: {  	v2 =	vadd.s32 v0, v2  }
0x20e: {  	s31 =	simm.s32 $0xB  }
0x20f: {  	v4 =	vmov s31  }
0x210: {  	v5 =	vshll.u32 v4, $0x3  }
0x211: {  	[tilespmem:s26+$0xFFFFFF90] =	vst v3;
	v3 =	vand.u32 $0x6B, v4;
	v4 =	vand.u32 $0x7FFFFC00, v5  }
0x212: {  	v2 =	vld.idx.msk [tilespmem:v2+s18+$0x0], $0xffff;
	v3 =	vor.u32 v3, v4  }
0x213: {  	v3 =	vadd.s32 v0, v3  }
0x214: {  	s2 =	simm.s32 $0xC  }
0x215: {  	v4 =	vmov s2  }
0x216: {  	v5 =	vshll.u32 v4, $0x3  }
0x217: {  	[tilespmem:s26+$0xFFFFFFA0] =	vst v2;
	v2 =	vand.u32 $0x6C, v4;
	v4 =	vand.u32 $0x7FFFFC00, v5  }
0x218: {  	v3 =	vld.idx.msk [tilespmem:v3+s18+$0x0], $0xffff;
	v2 =	vor.u32 v2, v4  }
0x219: {  	v2 =	vadd.s32 v0, v2  }
0x21a: {  	s20 =	simm.s32 $0xD  }
0x21b: {  	v4 =	vmov s20  }
0x21c: {  	v5 =	vshll.u32 v4, $0x3  }
0x21d: {  	[tilespmem:s26+$0xFFFFFFB0] =	vst v3;
	v3 =	vand.u32 $0x6D, v4;
	v4 =	vand.u32 $0x7FFFFC00, v5  }
0x21e: {  	v2 =	vld.idx.msk [tilespmem:v2+s18+$0x0], $0xffff;
	v3 =	vor.u32 v3, v4  }
0x21f: {  	v3 =	vadd.s32 v0, v3  }
0x220: {  	s30 =	simm.s32 $0xE  }
0x221: {  	v4 =	vmov s30  }
0x222: {  	v5 =	vshll.u32 v4, $0x3  }
0x223: {  	[tilespmem:s26+$0xFFFFFFC0] =	vst v2;
	v2 =	vand.u32 $0x6E, v4;
	v4 =	vand.u32 $0x7FFFFC00, v5  }
0x224: {  	v3 =	vld.idx.msk [tilespmem:v3+s18+$0x0], $0xffff;
	v2 =	vor.u32 v2, v4  }
0x225: {  	v2 =	vadd.s32 v0, v2  }
0x226: {  	s31 =	simm.s32 $0xF  }
0x227: {  	v4 =	vmov s31  }
0x228: {  	v5 =	vshll.u32 v4, $0x3  }
0x229: {  	[tilespmem:s26+$0xFFFFFFD0] =	vst v3;
	v3 =	vand.u32 $0x6F, v4;
	v4 =	vand.u32 $0x7FFFFC00, v5  }
0x22a: {  	v2 =	vld.idx.msk [tilespmem:v2+s18+$0x0], $0xffff;
	v3 =	vor.u32 v3, v4  }
0x22b: {  	v3 =	vadd.s32 v0, v3  }
0x22c: {  	s2 =	simm.s32 $0x10  }
0x22d: {  	v4 =	vmov s2  }
0x22e: {  	v5 =	vshll.u32 v4, $0x3  }
0x22f: {  	[tilespmem:s26+$0xFFFFFFE0] =	vst v2;
	v2 =	vand.u32 $0x70, v4;
	v4 =	vand.u32 $0x1C00, v5  }
0x230: {  	v3 =	vld.idx.msk [tilespmem:v3+s18+$0x0], $0xffff;
	v2 =	vor.u32 v4, v2  }
0x231: {  	v2 =	vor.u32 v0, v2  }
0x232: {  	s20 =	simm.s32 $0x11  }
0x233: {  	v4 =	vmov s20  }
0x234: {  	v5 =	vshll.u32 v4, $0x3  }
0x235: {  	[tilespmem:s26+$0xFFFFFFF0] =	vst v3;
	v3 =	vand.u32 $0x71, v4;
	v4 =	vand.u32 $0x7FFFFC00, v5  }
0x236: {  	v2 =	vld.idx.msk [tilespmem:v2+s18+$0x0], $0xffff;
	v3 =	vor.u32 v3, v4  }
0x237: {  	v3 =	vadd.s32 v0, v3  }
0x238: {  	s30 =	simm.s32 $0x12  }
0x239: {  	v4 =	vmov s30  }
0x23a: {  	v5 =	vshll.u32 v4, $0x3  }
0x23b: {  	[tilespmem:s26+$0x0] =	vst v2;
	v2 =	vand.u32 $0x72, v4;
	v4 =	vand.u32 $0x7FFFFC00, v5  }
0x23c: {  	v3 =	vld.idx.msk [tilespmem:v3+s18+$0x0], $0xffff;
	v2 =	vor.u32 v2, v4  }
0x23d: {  	v2 =	vadd.s32 v0, v2  }
0x23e: {  	s31 =	simm.s32 $0x13  }
0x23f: {  	v4 =	vmov s31  }
0x240: {  	v5 =	vshll.u32 v4, $0x3  }
0x241: {  	[tilespmem:s26+$0x10] =	vst v3;
	v3 =	vand.u32 $0x73, v4;
	v4 =	vand.u32 $0x7FFFFC00, v5  }
0x242: {  	v2 =	vld.idx.msk [tilespmem:v2+s18+$0x0], $0xffff;
	v3 =	vor.u32 v3, v4  }
0x243: {  	v3 =	vadd.s32 v0, v3  }
0x244: {  	s2 =	simm.s32 $0x14  }
0x245: {  	v4 =	vmov s2  }
0x246: {  	v5 =	vshll.u32 v4, $0x3  }
0x247: {  	[tilespmem:s26+$0x20] =	vst v2;
	v2 =	vand.u32 $0x74, v4;
	v4 =	vand.u32 $0x7FFFFC00, v5  }
0x248: {  	v3 =	vld.idx.msk [tilespmem:v3+s18+$0x0], $0xffff;
	v2 =	vor.u32 v2, v4  }
0x249: {  	v2 =	vadd.s32 v0, v2  }
0x24a: {  	s20 =	simm.s32 $0x15  }
0x24b: {  	v4 =	vmov s20  }
0x24c: {  	v5 =	vshll.u32 v4, $0x3  }
0x24d: {  	[tilespmem:s26+$0x30] =	vst v3;
	v3 =	vand.u32 $0x75, v4;
	v4 =	vand.u32 $0x7FFFFC00, v5  }
0x24e: {  	v2 =	vld.idx.msk [tilespmem:v2+s18+$0x0], $0xffff;
	v3 =	vor.u32 v3, v4  }
0x24f: {  	v3 =	vadd.s32 v0, v3  }
0x250: {  	s30 =	simm.s32 $0x16  }
0x251: {  	v4 =	vmov s30  }
0x252: {  	v5 =	vshll.u32 v4, $0x3  }
0x253: {  	[tilespmem:s26+$0x40] =	vst v2;
	v2 =	vand.u32 $0x76, v4;
	v4 =	vand.u32 $0x7FFFFC00, v5  }
0x254: {  	v3 =	vld.idx.msk [tilespmem:v3+s18+$0x0], $0xffff;
	v2 =	vor.u32 v2, v4  }
0x255: {  	v2 =	vadd.s32 v0, v2  }
0x256: {  	s31 =	simm.s32 $0x17  }
0x257: {  	v4 =	vmov s31  }
0x258: {  	v5 =	vshll.u32 v4, $0x3  }
0x259: {  	[tilespmem:s26+$0x50] =	vst v3;
	v3 =	vand.u32 $0x77, v4;
	v4 =	vand.u32 $0x7FFFFC00, v5  }
0x25a: {  	v2 =	vld.idx.msk [tilespmem:v2+s18+$0x0], $0xffff;
	v3 =	vor.u32 v3, v4  }
0x25b: {  	v3 =	vadd.s32 v0, v3  }
0x25c: {  	s2 =	simm.s32 $0x18  }
0x25d: {  	v4 =	vmov s2  }
0x25e: {  	v5 =	vshll.u32 v4, $0x3  }
0x25f: {  	[tilespmem:s26+$0x60] =	vst v2;
	v2 =	vand.u32 $0x78, v4;
	v4 =	vand.u32 $0x1C00, v5  }
0x260: {  	v3 =	vld.idx.msk [tilespmem:v3+s18+$0x0], $0xffff;
	v2 =	vor.u32 v4, v2  }
0x261: {  	v2 =	vor.u32 v0, v2  }
0x262: {  	s20 =	simm.s32 $0x19  }
0x263: {  	v4 =	vmov s20  }
0x264: {  	v5 =	vshll.u32 v4, $0x3  }
0x265: {  	[tilespmem:s26+$0x70] =	vst v3;
	v3 =	vand.u32 $0x79, v4;
	v4 =	vand.u32 $0x7FFFFC00, v5  }
0x266: {  	v2 =	vld.idx.msk [tilespmem:v2+s18+$0x0], $0xffff;
	v3 =	vor.u32 v3, v4  }
0x267: {  	v3 =	vadd.s32 v0, v3  }
0x268: {  	s30 =	simm.s32 $0x1A  }
0x269: {  	v4 =	vmov s30  }
0x26a: {  	v5 =	vshll.u32 v4, $0x3  }
0x26b: {  	[tilespmem:s26+$0x80] =	vst v2;
	v2 =	vand.u32 $0x7A, v4;
	v4 =	vand.u32 $0x7FFFFC00, v5  }
0x26c: {  	v3 =	vld.idx.msk [tilespmem:v3+s18+$0x0], $0xffff;
	v2 =	vor.u32 v2, v4  }
0x26d: {  	v2 =	vadd.s32 v0, v2  }
0x26e: {  	s31 =	simm.s32 $0x1B  }
0x26f: {  	v4 =	vmov s31  }
0x270: {  	v5 =	vshll.u32 v4, $0x3  }
0x271: {  	[tilespmem:s26+$0x90] =	vst v3;
	v3 =	vand.u32 $0x7B, v4;
	v4 =	vand.u32 $0x7FFFFC00, v5  }
0x272: {  	v2 =	vld.idx.msk [tilespmem:v2+s18+$0x0], $0xffff;
	v3 =	vor.u32 v3, v4  }
0x273: {  	v3 =	vadd.s32 v0, v3  }
0x274: {  	s2 =	simm.s32 $0x1C  }
0x275: {  	v4 =	vmov s2  }
0x276: {  	v5 =	vshll.u32 v4, $0x3  }
0x277: {  	[tilespmem:s26+$0xA0] =	vst v2;
	v2 =	vand.u32 $0x7C, v4;
	v4 =	vand.u32 $0x7FFFFC00, v5  }
0x278: {  	v3 =	vld.idx.msk [tilespmem:v3+s18+$0x0], $0xffff;
	v2 =	vor.u32 v2, v4  }
0x279: {  	v2 =	vadd.s32 v0, v2  }
0x27a: {  	s20 =	simm.s32 $0x1D  }
0x27b: {  	v4 =	vmov s20  }
0x27c: {  	v5 =	vshll.u32 v4, $0x3  }
0x27d: {  	[tilespmem:s26+$0xB0] =	vst v3;
	v3 =	vand.u32 $0x7D, v4;
	v4 =	vand.u32 $0x7FFFFC00, v5  }
0x27e: {  	v2 =	vld.idx.msk [tilespmem:v2+s18+$0x0], $0xffff;
	v3 =	vor.u32 v3, v4  }
0x27f: {  	v3 =	vadd.s32 v0, v3  }
0x280: {  	s30 =	simm.s32 $0x1E  }
0x281: {  	v4 =	vmov s30  }
0x282: {  	v5 =	vshll.u32 v4, $0x3  }
0x283: {  	[tilespmem:s26+$0xC0] =	vst v2;
	v2 =	vand.u32 $0x7E, v4;
	v4 =	vand.u32 $0x7FFFFC00, v5  }
0x284: {  	v3 =	vld.idx.msk [tilespmem:v3+s18+$0x0], $0xffff;
	v2 =	vor.u32 v2, v4  }
0x285: {  	v2 =	vadd.s32 v0, v2  }
0x286: {  	s31 =	simm.s32 $0x1F  }
0x287: {  	v4 =	vmov s31  }
0x288: {  	v5 =	vshll.u32 v4, $0x3  }
0x289: {  	v4 =	vand.u32 $0x7F, v4;
	v5 =	vand.u32 $0x7FFFFC00, v5;
	[tilespmem:s26+$0xD0] =	vst v3  }
0x28a: {  	v3 =	vor.u32 v4, v5;
	v2 =	vld.idx.msk [tilespmem:v2+s18+$0x0], $0xffff  }
0x28b: {  	v3 =	vadd.s32 v0, v3  }
0x28c: {  	s28 =	simm.s32 $0x0;
	s29 =	simm.s32 $0x3F  }
.LBB2_8:
0x28d: {  	s1 =	sadd.s32 $0xFFFFFFE1, s29;
	s28 =	sadd.s32 $0x4, s28  }
0x28e: {  	v4 =	vmov s1;
	p1 =	slt.u32 s28, $0x7C  }
0x28f: {  	v5 =	vshll.u32 v4, $0x3;
	[tilespmem:s26+$0xE0] =	vst v2  }
0x290: {  	v2 =	vand.u32 $0x60, v4;
	v4 =	vand.u32 $0x1C00, v5;
	v3 =	vld.idx.msk [tilespmem:v3+s18+$0x0], $0xffff  }
0x291: {  	v2 =	vor.u32 v4, v2  }
0x292: {  	v2 =	vor.u32 v0, v2;
	_ =	sdelay $0x1  }
0x293: {  	s1 =	sadd.s32 $0xFFFFFFE2, s29  }
0x294: {  	v4 =	vmov s1  }
0x295: {  	v5 =	vshll.u32 v4, $0x3;
	[tilespmem:s26+$0xF0] =	vst v3  }
0x296: {  	v3 =	vand.u32 $0x61, v4;
	v4 =	vand.u32 $0x1C00, v5;
	v2 =	vld.idx.msk [tilespmem:v2+s18+$0x0], $0xffff  }
0x297: {  	v3 =	vor.u32 v4, v3  }
0x298: {  	v3 =	vor.u32 v0, v3;
	_ =	sdelay $0x1  }
0x299: {  	s1 =	sadd.s32 $0xFFFFFFE3, s29  }
0x29a: {  	s26 =	sadd.s32 $0x200, s26;
	v4 =	vmov s1  }
0x29b: {  	[tilespmem:s26+$0xFFFFFF00] =	vst v2;
	v2 =	vshll.u32 v4, $0x3  }
0x29c: {  	v4 =	vand.u32 $0x62, v4;
	v3 =	vld.idx.msk [tilespmem:v3+s18+$0x0], $0xffff;
	v2 =	vand.u32 $0x1C00, v2  }
0x29d: {  	v2 =	vor.u32 v2, v4  }
0x29e: {  	v2 =	vor.u32 v0, v2;
	_ =	sdelay $0x1  }
0x29f: {  	s1 =	sadd.s32 $0xFFFFFFE4, s29  }
0x2a0: {  	v4 =	vmov s1  }
0x2a1: {  	[tilespmem:s26+$0xFFFFFF10] =	vst v3;
	v3 =	vshll.u32 v4, $0x3  }
0x2a2: {  	v4 =	vand.u32 $0x63, v4;
	v2 =	vld.idx.msk [tilespmem:v2+s18+$0x0], $0xffff;
	v3 =	vand.u32 $0x1C00, v3  }
0x2a3: {  	v3 =	vor.u32 v3, v4  }
0x2a4: {  	v3 =	vor.u32 v0, v3;
	_ =	sdelay $0x1  }
0x2a5: {  	s1 =	sadd.s32 $0xFFFFFFE5, s29  }
0x2a6: {  	v4 =	vmov s1  }
0x2a7: {  	[tilespmem:s26+$0xFFFFFF20] =	vst v2;
	v2 =	vshll.u32 v4, $0x3  }
0x2a8: {  	v4 =	vand.u32 $0x64, v4;
	v3 =	vld.idx.msk [tilespmem:v3+s18+$0x0], $0xffff;
	v2 =	vand.u32 $0x1C00, v2  }
0x2a9: {  	v2 =	vor.u32 v2, v4  }
0x2aa: {  	v2 =	vor.u32 v0, v2;
	_ =	sdelay $0x1  }
0x2ab: {  	s1 =	sadd.s32 $0xFFFFFFE6, s29  }
0x2ac: {  	v4 =	vmov s1  }
0x2ad: {  	[tilespmem:s26+$0xFFFFFF30] =	vst v3;
	v3 =	vshll.u32 v4, $0x3  }
0x2ae: {  	v4 =	vand.u32 $0x65, v4;
	v2 =	vld.idx.msk [tilespmem:v2+s18+$0x0], $0xffff;
	v3 =	vand.u32 $0x1C00, v3  }
0x2af: {  	v3 =	vor.u32 v3, v4  }
0x2b0: {  	v3 =	vor.u32 v0, v3;
	_ =	sdelay $0x1  }
0x2b1: {  	s1 =	sadd.s32 $0xFFFFFFE7, s29  }
0x2b2: {  	v4 =	vmov s1  }
0x2b3: {  	[tilespmem:s26+$0xFFFFFF40] =	vst v2;
	v2 =	vshll.u32 v4, $0x3  }
0x2b4: {  	v4 =	vand.u32 $0x66, v4;
	v3 =	vld.idx.msk [tilespmem:v3+s18+$0x0], $0xffff;
	v2 =	vand.u32 $0x1C00, v2  }
0x2b5: {  	v2 =	vor.u32 v2, v4  }
0x2b6: {  	v2 =	vor.u32 v0, v2;
	_ =	sdelay $0x1  }
0x2b7: {  	s1 =	sadd.s32 $0xFFFFFFE8, s29  }
0x2b8: {  	v4 =	vmov s1  }
0x2b9: {  	[tilespmem:s26+$0xFFFFFF50] =	vst v3;
	v3 =	vshll.u32 v4, $0x3  }
0x2ba: {  	v4 =	vand.u32 $0x67, v4;
	v2 =	vld.idx.msk [tilespmem:v2+s18+$0x0], $0xffff;
	v3 =	vand.u32 $0x1C00, v3  }
0x2bb: {  	v3 =	vor.u32 v3, v4  }
0x2bc: {  	v3 =	vor.u32 v0, v3;
	_ =	sdelay $0x1  }
0x2bd: {  	s1 =	sadd.s32 $0xFFFFFFE9, s29  }
0x2be: {  	v4 =	vmov s1  }
0x2bf: {  	[tilespmem:s26+$0xFFFFFF60] =	vst v2;
	v2 =	vshll.u32 v4, $0x3  }
0x2c0: {  	v4 =	vand.u32 $0x68, v4;
	v3 =	vld.idx.msk [tilespmem:v3+s18+$0x0], $0xffff;
	v2 =	vand.u32 $0x1C00, v2  }
0x2c1: {  	v2 =	vor.u32 v2, v4  }
0x2c2: {  	v2 =	vor.u32 v0, v2;
	_ =	sdelay $0x1  }
0x2c3: {  	s1 =	sadd.s32 $0xFFFFFFEA, s29  }
0x2c4: {  	v4 =	vmov s1  }
0x2c5: {  	[tilespmem:s26+$0xFFFFFF70] =	vst v3;
	v3 =	vshll.u32 v4, $0x3  }
0x2c6: {  	v4 =	vand.u32 $0x69, v4;
	v2 =	vld.idx.msk [tilespmem:v2+s18+$0x0], $0xffff;
	v3 =	vand.u32 $0x7FFFFC00, v3  }
0x2c7: {  	v3 =	vor.u32 v4, v3  }
0x2c8: {  	v3 =	vadd.s32 v0, v3;
	_ =	sdelay $0x1  }
0x2c9: {  	s1 =	sadd.s32 $0xFFFFFFEB, s29  }
0x2ca: {  	v4 =	vmov s1  }
0x2cb: {  	[tilespmem:s26+$0xFFFFFF80] =	vst v2;
	v2 =	vshll.u32 v4, $0x3  }
0x2cc: {  	v4 =	vand.u32 $0x6A, v4;
	v3 =	vld.idx.msk [tilespmem:v3+s18+$0x0], $0xffff;
	v2 =	vand.u32 $0x7FFFFC00, v2  }
0x2cd: {  	v2 =	vor.u32 v4, v2  }
0x2ce: {  	v2 =	vadd.s32 v0, v2;
	_ =	sdelay $0x1  }
0x2cf: {  	s1 =	sadd.s32 $0xFFFFFFEC, s29  }
0x2d0: {  	v4 =	vmov s1  }
0x2d1: {  	[tilespmem:s26+$0xFFFFFF90] =	vst v3;
	v3 =	vshll.u32 v4, $0x3  }
0x2d2: {  	v4 =	vand.u32 $0x6B, v4;
	v2 =	vld.idx.msk [tilespmem:v2+s18+$0x0], $0xffff;
	v3 =	vand.u32 $0x7FFFFC00, v3  }
0x2d3: {  	v3 =	vor.u32 v4, v3  }
0x2d4: {  	v3 =	vadd.s32 v0, v3;
	_ =	sdelay $0x1  }
0x2d5: {  	s1 =	sadd.s32 $0xFFFFFFED, s29  }
0x2d6: {  	v4 =	vmov s1  }
0x2d7: {  	[tilespmem:s26+$0xFFFFFFA0] =	vst v2;
	v2 =	vshll.u32 v4, $0x3  }
0x2d8: {  	v4 =	vand.u32 $0x6C, v4;
	v3 =	vld.idx.msk [tilespmem:v3+s18+$0x0], $0xffff;
	v2 =	vand.u32 $0x7FFFFC00, v2  }
0x2d9: {  	v2 =	vor.u32 v4, v2  }
0x2da: {  	v2 =	vadd.s32 v0, v2;
	_ =	sdelay $0x1  }
0x2db: {  	s1 =	sadd.s32 $0xFFFFFFEE, s29  }
0x2dc: {  	v4 =	vmov s1  }
0x2dd: {  	[tilespmem:s26+$0xFFFFFFB0] =	vst v3;
	v3 =	vshll.u32 v4, $0x3  }
0x2de: {  	v4 =	vand.u32 $0x6D, v4;
	v2 =	vld.idx.msk [tilespmem:v2+s18+$0x0], $0xffff;
	v3 =	vand.u32 $0x7FFFFC00, v3  }
0x2df: {  	v3 =	vor.u32 v4, v3  }
0x2e0: {  	v3 =	vadd.s32 v0, v3;
	_ =	sdelay $0x1  }
0x2e1: {  	s1 =	sadd.s32 $0xFFFFFFEF, s29  }
0x2e2: {  	v4 =	vmov s1  }
0x2e3: {  	[tilespmem:s26+$0xFFFFFFC0] =	vst v2;
	v2 =	vshll.u32 v4, $0x3  }
0x2e4: {  	v4 =	vand.u32 $0x6E, v4;
	v3 =	vld.idx.msk [tilespmem:v3+s18+$0x0], $0xffff;
	v2 =	vand.u32 $0x7FFFFC00, v2  }
0x2e5: {  	v2 =	vor.u32 v4, v2  }
0x2e6: {  	v2 =	vadd.s32 v0, v2;
	_ =	sdelay $0x1  }
0x2e7: {  	s1 =	sadd.s32 $0xFFFFFFF0, s29  }
0x2e8: {  	v4 =	vmov s1  }
0x2e9: {  	[tilespmem:s26+$0xFFFFFFD0] =	vst v3;
	v3 =	vshll.u32 v4, $0x3  }
0x2ea: {  	v4 =	vand.u32 $0x6F, v4;
	v2 =	vld.idx.msk [tilespmem:v2+s18+$0x0], $0xffff;
	v3 =	vand.u32 $0x7FFFFC00, v3  }
0x2eb: {  	v3 =	vor.u32 v4, v3  }
0x2ec: {  	v3 =	vadd.s32 v0, v3;
	_ =	sdelay $0x1  }
0x2ed: {  	s1 =	sadd.s32 $0xFFFFFFF1, s29  }
0x2ee: {  	v4 =	vmov s1  }
0x2ef: {  	[tilespmem:s26+$0xFFFFFFE0] =	vst v2;
	v2 =	vshll.u32 v4, $0x3  }
0x2f0: {  	v4 =	vand.u32 $0x70, v4;
	v3 =	vld.idx.msk [tilespmem:v3+s18+$0x0], $0xffff;
	v2 =	vand.u32 $0x1C00, v2  }
0x2f1: {  	v2 =	vor.u32 v2, v4  }
0x2f2: {  	v2 =	vor.u32 v0, v2;
	_ =	sdelay $0x1  }
0x2f3: {  	s1 =	sadd.s32 $0xFFFFFFF2, s29  }
0x2f4: {  	v4 =	vmov s1  }
0x2f5: {  	[tilespmem:s26+$0xFFFFFFF0] =	vst v3;
	v3 =	vshll.u32 v4, $0x3  }
0x2f6: {  	v4 =	vand.u32 $0x71, v4;
	v2 =	vld.idx.msk [tilespmem:v2+s18+$0x0], $0xffff;
	v3 =	vand.u32 $0x7FFFFC00, v3  }
0x2f7: {  	v3 =	vor.u32 v4, v3  }
0x2f8: {  	v3 =	vadd.s32 v0, v3;
	_ =	sdelay $0x1  }
0x2f9: {  	s1 =	sadd.s32 $0xFFFFFFF3, s29  }
0x2fa: {  	v4 =	vmov s1  }
0x2fb: {  	[tilespmem:s26+$0x0] =	vst v2;
	v2 =	vshll.u32 v4, $0x3  }
0x2fc: {  	v4 =	vand.u32 $0x72, v4;
	v3 =	vld.idx.msk [tilespmem:v3+s18+$0x0], $0xffff;
	v2 =	vand.u32 $0x7FFFFC00, v2  }
0x2fd: {  	v2 =	vor.u32 v4, v2  }
0x2fe: {  	v2 =	vadd.s32 v0, v2;
	_ =	sdelay $0x1  }
0x2ff: {  	s1 =	sadd.s32 $0xFFFFFFF4, s29  }
0x300: {  	v4 =	vmov s1  }
0x301: {  	[tilespmem:s26+$0x10] =	vst v3;
	v3 =	vshll.u32 v4, $0x3  }
0x302: {  	v4 =	vand.u32 $0x73, v4;
	v2 =	vld.idx.msk [tilespmem:v2+s18+$0x0], $0xffff;
	v3 =	vand.u32 $0x7FFFFC00, v3  }
0x303: {  	v3 =	vor.u32 v4, v3  }
0x304: {  	v3 =	vadd.s32 v0, v3;
	_ =	sdelay $0x1  }
0x305: {  	s1 =	sadd.s32 $0xFFFFFFF5, s29  }
0x306: {  	v4 =	vmov s1  }
0x307: {  	[tilespmem:s26+$0x20] =	vst v2;
	v2 =	vshll.u32 v4, $0x3  }
0x308: {  	v4 =	vand.u32 $0x74, v4;
	v3 =	vld.idx.msk [tilespmem:v3+s18+$0x0], $0xffff;
	v2 =	vand.u32 $0x7FFFFC00, v2  }
0x309: {  	v2 =	vor.u32 v4, v2  }
0x30a: {  	v2 =	vadd.s32 v0, v2;
	_ =	sdelay $0x1  }
0x30b: {  	s1 =	sadd.s32 $0xFFFFFFF6, s29  }
0x30c: {  	v4 =	vmov s1  }
0x30d: {  	[tilespmem:s26+$0x30] =	vst v3;
	v3 =	vshll.u32 v4, $0x3  }
0x30e: {  	v4 =	vand.u32 $0x75, v4;
	v2 =	vld.idx.msk [tilespmem:v2+s18+$0x0], $0xffff;
	v3 =	vand.u32 $0x7FFFFC00, v3  }
0x30f: {  	v3 =	vor.u32 v4, v3  }
0x310: {  	v3 =	vadd.s32 v0, v3;
	_ =	sdelay $0x1  }
0x311: {  	s1 =	sadd.s32 $0xFFFFFFF7, s29  }
0x312: {  	v4 =	vmov s1  }
0x313: {  	[tilespmem:s26+$0x40] =	vst v2;
	v2 =	vshll.u32 v4, $0x3  }
0x314: {  	v4 =	vand.u32 $0x76, v4;
	v3 =	vld.idx.msk [tilespmem:v3+s18+$0x0], $0xffff;
	v2 =	vand.u32 $0x7FFFFC00, v2  }
0x315: {  	v2 =	vor.u32 v4, v2  }
0x316: {  	v2 =	vadd.s32 v0, v2;
	_ =	sdelay $0x1  }
0x317: {  	s1 =	sadd.s32 $0xFFFFFFF8, s29  }
0x318: {  	v4 =	vmov s1  }
0x319: {  	[tilespmem:s26+$0x50] =	vst v3;
	v3 =	vshll.u32 v4, $0x3  }
0x31a: {  	v4 =	vand.u32 $0x77, v4;
	v2 =	vld.idx.msk [tilespmem:v2+s18+$0x0], $0xffff;
	v3 =	vand.u32 $0x7FFFFC00, v3  }
0x31b: {  	v3 =	vor.u32 v4, v3  }
0x31c: {  	v3 =	vadd.s32 v0, v3;
	_ =	sdelay $0x1  }
0x31d: {  	s1 =	sadd.s32 $0xFFFFFFF9, s29  }
0x31e: {  	v4 =	vmov s1  }
0x31f: {  	[tilespmem:s26+$0x60] =	vst v2;
	v2 =	vshll.u32 v4, $0x3  }
0x320: {  	v4 =	vand.u32 $0x78, v4;
	v3 =	vld.idx.msk [tilespmem:v3+s18+$0x0], $0xffff;
	v2 =	vand.u32 $0x1C00, v2  }
0x321: {  	v2 =	vor.u32 v2, v4  }
0x322: {  	v2 =	vor.u32 v0, v2;
	_ =	sdelay $0x1  }
0x323: {  	s1 =	sadd.s32 $0xFFFFFFFA, s29  }
0x324: {  	v4 =	vmov s1  }
0x325: {  	[tilespmem:s26+$0x70] =	vst v3;
	v3 =	vshll.u32 v4, $0x3  }
0x326: {  	v4 =	vand.u32 $0x79, v4;
	v2 =	vld.idx.msk [tilespmem:v2+s18+$0x0], $0xffff;
	v3 =	vand.u32 $0x7FFFFC00, v3  }
0x327: {  	v3 =	vor.u32 v4, v3  }
0x328: {  	v3 =	vadd.s32 v0, v3;
	_ =	sdelay $0x1  }
0x329: {  	s1 =	sadd.s32 $0xFFFFFFFB, s29  }
0x32a: {  	v4 =	vmov s1  }
0x32b: {  	[tilespmem:s26+$0x80] =	vst v2;
	v2 =	vshll.u32 v4, $0x3  }
0x32c: {  	v4 =	vand.u32 $0x7A, v4;
	v3 =	vld.idx.msk [tilespmem:v3+s18+$0x0], $0xffff;
	v2 =	vand.u32 $0x7FFFFC00, v2  }
0x32d: {  	v2 =	vor.u32 v4, v2  }
0x32e: {  	v2 =	vadd.s32 v0, v2;
	_ =	sdelay $0x1  }
0x32f: {  	s1 =	sadd.s32 $0xFFFFFFFC, s29  }
0x330: {  	v4 =	vmov s1  }
0x331: {  	[tilespmem:s26+$0x90] =	vst v3;
	v3 =	vshll.u32 v4, $0x3  }
0x332: {  	v4 =	vand.u32 $0x7B, v4;
	v2 =	vld.idx.msk [tilespmem:v2+s18+$0x0], $0xffff;
	v3 =	vand.u32 $0x7FFFFC00, v3  }
0x333: {  	v3 =	vor.u32 v4, v3  }
0x334: {  	v3 =	vadd.s32 v0, v3;
	_ =	sdelay $0x1  }
0x335: {  	s1 =	sadd.s32 $0xFFFFFFFD, s29  }
0x336: {  	v4 =	vmov s1  }
0x337: {  	[tilespmem:s26+$0xA0] =	vst v2;
	v2 =	vshll.u32 v4, $0x3  }
0x338: {  	v4 =	vand.u32 $0x7C, v4;
	v3 =	vld.idx.msk [tilespmem:v3+s18+$0x0], $0xffff;
	v2 =	vand.u32 $0x7FFFFC00, v2  }
0x339: {  	v2 =	vor.u32 v4, v2  }
0x33a: {  	v2 =	vadd.s32 v0, v2;
	_ =	sdelay $0x1  }
0x33b: {  	s1 =	sadd.s32 $0xFFFFFFFE, s29  }
0x33c: {  	v4 =	vmov s1  }
0x33d: {  	[tilespmem:s26+$0xB0] =	vst v3;
	v3 =	vshll.u32 v4, $0x3  }
0x33e: {  	v4 =	vand.u32 $0x7D, v4;
	v2 =	vld.idx.msk [tilespmem:v2+s18+$0x0], $0xffff;
	v3 =	vand.u32 $0x7FFFFC00, v3  }
0x33f: {  	v3 =	vor.u32 v4, v3  }
0x340: {  	v3 =	vadd.s32 v0, v3;
	_ =	sdelay $0x1  }
0x341: {  	s1 =	sadd.s32 $0xFFFFFFFF, s29  }
0x342: {  	v4 =	vmov s1  }
0x343: {  	[tilespmem:s26+$0xC0] =	vst v2;
	v2 =	vshll.u32 v4, $0x3  }
0x344: {  	v4 =	vand.u32 $0x7E, v4;
	v3 =	vld.idx.msk [tilespmem:v3+s18+$0x0], $0xffff;
	v2 =	vand.u32 $0x7FFFFC00, v2  }
0x345: {  	v2 =	vor.u32 v4, v2  }
0x346: {  	v2 =	vadd.s32 v0, v2;
	_ =	sdelay $0x2  }
0x347: {  	v4 =	vmov s29  }
.Ltmp7:
0x348: {  	[tilespmem:s26+$0xD0] =	vst v3;
	v3 =	vshll.u32 v4, $0x3;
	(pc) =	sbr.rel @p1 .LBB2_8-.Ltmp7, $4  }
0x349: {  	v4 =	vand.u32 $0x7F, v4;
	v2 =	vld.idx.msk [tilespmem:v2+s18+$0x0], $0xffff;
	v3 =	vand.u32 $0x7FFFFC00, v3  }
0x34a: {  	v3 =	vor.u32 v4, v3  }
0x34b: {  	v3 =	vadd.s32 v0, v3  }
0x34c: {  	s29 =	sadd.s32 $0x20, s29  }
0x34d: {  	s1 =	smul.u32 $0x1447, s25;
	_ =	sdelay $0x1  }
0x34e: {  	s1 =	sshrl.u32 s1, $0x13  }
0x34f: {  	s2 =	smul.u32 $0x65, s1  }
0x350: {  	[tilespmem:s26+$0xE0] =	vst v2  }
0x351: {  	v2 =	vld.idx.msk [tilespmem:v3+s18+$0x0], $0xffff;
	s2 =	ssub.s32 s25, s2  }
0x352: {  	s1 =	smul.u32 $0x196400, s1;
	s2 =	sand.u32 $0xFFFF, s2  }
0x353: {  	s2 =	sshll.u32 s2, $0xE  }
0x354: {  	s1 =	sadd.s32 s2, s1  }
0x355: {  	s1 =	sshrl.u32 s1, $0x3  }
.Ltmp8:
0x356: {  	[tilespmem:s26+$0xF0] =	vst v2;
	s1 =	sadd.s32 s3, s1;
	(pc) =	sbr.rel .LBB2_10-.Ltmp8, $4  }
0x357: {  	[hbm4b:s1+s5] =	stream.linear.scatter [tilespmem:s15], [sflag:$0x3], $0x4000, $0x38;
	[tilespmem:$0xE400] =	vst v63  }
0x358: {  	_ =	swait.ge [sflag:s19], $0x4000  }
0x359: {  	[sflag:s19] =	ssyncset.done $0x0  }
0x35a: {  	[sflag:s19] =	ssyncadd.s32 $0xFFFFC000  }
.LBB2_11:
.Ltmp9:
0x35b: {  	(pc) =	sbr.rel @p0 .LBB2_15-.Ltmp9, $1  }
0x35c: {  	_ =	sdelay $0x3  }
0x35d: {  	s1 =	simm.s32 $0x0  }
0x35e: {  	v2 =	vmov s1  }
0x35f: {  	v3 =	vshll.u32 v2, $0x3  }
0x360: {  	v2 =	vand.u32 $0x60, v2;
	v3 =	vand.u32 $0xC00, v3  }
0x361: {  	v2 =	vor.u32 v3, v2  }
0x362: {  	s20 =	simm.s32 $0x1000;
	s24 =	simm.s32 $0x1;
	v2 =	vor.u32 v1, v2  }
0x363: {  	[tilespmem:s21], [sflag:$0x3] =	stream.strided.gather [hbm4b:s7+s20], $0x2000, s13, s20, $0x38;
	[tilespmem:$0xE400] =	vst v63  }
0x364: {  	_ =	swait.ge [sflag:s19], $0x2000;
	v3 =	vmov s24  }
0x365: {  	[sflag:s19] =	ssyncset.done $0x0;
	v4 =	vshll.u32 v3, $0x3  }
0x366: {  	[sflag:s19] =	ssyncadd.s32 $0xFFFFE000;
	v3 =	vand.u32 $0x61, v3;
	v4 =	vand.u32 $0xC00, v4  }
0x367: {  	v3 =	vor.u32 v4, v3;
	v2 =	vld.idx.msk [tilespmem:v2+s21+$0x0], $0xffff  }
0x368: {  	v3 =	vor.u32 v1, v3  }
0x369: {  	s25 =	simm.s32 $0x2  }
0x36a: {  	v4 =	vmov s25  }
0x36b: {  	s24 =	simm.s32 $0xA100;
	v5 =	vshll.u32 v4, $0x3  }
0x36c: {  	[tilespmem:s24+$0xFFFFFF00] =	vst v2;
	v2 =	vand.u32 $0x62, v4;
	v4 =	vand.u32 $0xC00, v5  }
0x36d: {  	v3 =	vld.idx.msk [tilespmem:v3+s21+$0x0], $0xffff;
	v2 =	vor.u32 v4, v2  }
0x36e: {  	v2 =	vor.u32 v1, v2  }
0x36f: {  	s26 =	simm.s32 $0x3  }
0x370: {  	v4 =	vmov s26  }
0x371: {  	v5 =	vshll.u32 v4, $0x3  }
0x372: {  	[tilespmem:s24+$0xFFFFFF10] =	vst v3;
	v3 =	vand.u32 $0x63, v4;
	v4 =	vand.u32 $0xC00, v5  }
0x373: {  	v2 =	vld.idx.msk [tilespmem:v2+s21+$0x0], $0xffff;
	v3 =	vor.u32 v4, v3  }
0x374: {  	v3 =	vor.u32 v1, v3  }
0x375: {  	s28 =	simm.s32 $0x4  }
0x376: {  	v4 =	vmov s28  }
0x377: {  	v5 =	vshll.u32 v4, $0x3  }
0x378: {  	[tilespmem:s24+$0xFFFFFF20] =	vst v2;
	v2 =	vand.u32 $0x64, v4;
	v4 =	vand.u32 $0xC00, v5  }
0x379: {  	v3 =	vld.idx.msk [tilespmem:v3+s21+$0x0], $0xffff;
	v2 =	vor.u32 v4, v2  }
0x37a: {  	v2 =	vor.u32 v1, v2  }
0x37b: {  	s29 =	simm.s32 $0x5  }
0x37c: {  	v4 =	vmov s29  }
0x37d: {  	v5 =	vshll.u32 v4, $0x3  }
0x37e: {  	[tilespmem:s24+$0xFFFFFF30] =	vst v3;
	v3 =	vand.u32 $0x65, v4;
	v4 =	vand.u32 $0xC00, v5  }
0x37f: {  	v2 =	vld.idx.msk [tilespmem:v2+s21+$0x0], $0xffff;
	v3 =	vor.u32 v4, v3  }
0x380: {  	v3 =	vor.u32 v1, v3  }
0x381: {  	s30 =	simm.s32 $0x6  }
0x382: {  	v4 =	vmov s30  }
0x383: {  	v5 =	vshll.u32 v4, $0x3  }
0x384: {  	[tilespmem:s24+$0xFFFFFF40] =	vst v2;
	v2 =	vand.u32 $0x66, v4;
	v4 =	vand.u32 $0xC00, v5  }
0x385: {  	v3 =	vld.idx.msk [tilespmem:v3+s21+$0x0], $0xffff;
	v2 =	vor.u32 v4, v2  }
0x386: {  	v2 =	vor.u32 v1, v2  }
0x387: {  	s31 =	simm.s32 $0x7  }
0x388: {  	v4 =	vmov s31  }
0x389: {  	v5 =	vshll.u32 v4, $0x3  }
0x38a: {  	[tilespmem:s24+$0xFFFFFF50] =	vst v3;
	v3 =	vand.u32 $0x67, v4;
	v4 =	vand.u32 $0xC00, v5  }
0x38b: {  	v2 =	vld.idx.msk [tilespmem:v2+s21+$0x0], $0xffff;
	v3 =	vor.u32 v4, v3  }
0x38c: {  	v3 =	vor.u32 v1, v3  }
0x38d: {  	s2 =	simm.s32 $0x8  }
0x38e: {  	v4 =	vmov s2  }
0x38f: {  	v5 =	vshll.u32 v4, $0x3  }
0x390: {  	[tilespmem:s24+$0xFFFFFF60] =	vst v2;
	v2 =	vand.u32 $0x68, v4;
	v4 =	vand.u32 $0xC00, v5  }
0x391: {  	v3 =	vld.idx.msk [tilespmem:v3+s21+$0x0], $0xffff;
	v2 =	vor.u32 v4, v2  }
0x392: {  	v2 =	vor.u32 v1, v2  }
0x393: {  	s20 =	simm.s32 $0x9  }
0x394: {  	v4 =	vmov s20  }
0x395: {  	v5 =	vshll.u32 v4, $0x3  }
0x396: {  	[tilespmem:s24+$0xFFFFFF70] =	vst v3;
	v3 =	vand.u32 $0x69, v4;
	v4 =	vand.u32 $0x7FFFFC00, v5  }
0x397: {  	v2 =	vld.idx.msk [tilespmem:v2+s21+$0x0], $0xffff;
	v3 =	vor.u32 v3, v4  }
0x398: {  	v3 =	vadd.s32 v1, v3  }
0x399: {  	s25 =	simm.s32 $0xA  }
0x39a: {  	v4 =	vmov s25  }
0x39b: {  	v5 =	vshll.u32 v4, $0x3  }
0x39c: {  	[tilespmem:s24+$0xFFFFFF80] =	vst v2;
	v2 =	vand.u32 $0x6A, v4;
	v4 =	vand.u32 $0x7FFFFC00, v5  }
0x39d: {  	v3 =	vld.idx.msk [tilespmem:v3+s21+$0x0], $0xffff;
	v2 =	vor.u32 v2, v4  }
0x39e: {  	v2 =	vadd.s32 v1, v2  }
0x39f: {  	s26 =	simm.s32 $0xB  }
0x3a0: {  	v4 =	vmov s26  }
0x3a1: {  	v5 =	vshll.u32 v4, $0x3  }
0x3a2: {  	[tilespmem:s24+$0xFFFFFF90] =	vst v3;
	v3 =	vand.u32 $0x6B, v4;
	v4 =	vand.u32 $0x7FFFFC00, v5  }
0x3a3: {  	v2 =	vld.idx.msk [tilespmem:v2+s21+$0x0], $0xffff;
	v3 =	vor.u32 v3, v4  }
0x3a4: {  	v3 =	vadd.s32 v1, v3  }
0x3a5: {  	s28 =	simm.s32 $0xC  }
0x3a6: {  	v4 =	vmov s28  }
0x3a7: {  	v5 =	vshll.u32 v4, $0x3  }
0x3a8: {  	[tilespmem:s24+$0xFFFFFFA0] =	vst v2;
	v2 =	vand.u32 $0x6C, v4;
	v4 =	vand.u32 $0x7FFFFC00, v5  }
0x3a9: {  	v3 =	vld.idx.msk [tilespmem:v3+s21+$0x0], $0xffff;
	v2 =	vor.u32 v2, v4  }
0x3aa: {  	v2 =	vadd.s32 v1, v2  }
0x3ab: {  	s29 =	simm.s32 $0xD  }
0x3ac: {  	v4 =	vmov s29  }
0x3ad: {  	v5 =	vshll.u32 v4, $0x3  }
0x3ae: {  	[tilespmem:s24+$0xFFFFFFB0] =	vst v3;
	v3 =	vand.u32 $0x6D, v4;
	v4 =	vand.u32 $0x7FFFFC00, v5  }
0x3af: {  	v2 =	vld.idx.msk [tilespmem:v2+s21+$0x0], $0xffff;
	v3 =	vor.u32 v3, v4  }
0x3b0: {  	v3 =	vadd.s32 v1, v3  }
0x3b1: {  	s30 =	simm.s32 $0xE  }
0x3b2: {  	v4 =	vmov s30  }
0x3b3: {  	v5 =	vshll.u32 v4, $0x3  }
0x3b4: {  	[tilespmem:s24+$0xFFFFFFC0] =	vst v2;
	v2 =	vand.u32 $0x6E, v4;
	v4 =	vand.u32 $0x7FFFFC00, v5  }
0x3b5: {  	v3 =	vld.idx.msk [tilespmem:v3+s21+$0x0], $0xffff;
	v2 =	vor.u32 v2, v4  }
0x3b6: {  	v2 =	vadd.s32 v1, v2  }
0x3b7: {  	s31 =	simm.s32 $0xF  }
0x3b8: {  	v4 =	vmov s31  }
0x3b9: {  	v5 =	vshll.u32 v4, $0x3  }
0x3ba: {  	[tilespmem:s24+$0xFFFFFFD0] =	vst v3;
	v3 =	vand.u32 $0x6F, v4;
	v4 =	vand.u32 $0x7FFFFC00, v5  }
0x3bb: {  	v2 =	vld.idx.msk [tilespmem:v2+s21+$0x0], $0xffff;
	v3 =	vor.u32 v3, v4  }
0x3bc: {  	v3 =	vadd.s32 v1, v3  }
0x3bd: {  	s2 =	simm.s32 $0x10  }
0x3be: {  	v4 =	vmov s2  }
0x3bf: {  	v5 =	vshll.u32 v4, $0x3  }
0x3c0: {  	[tilespmem:s24+$0xFFFFFFE0] =	vst v2;
	v2 =	vand.u32 $0x70, v4;
	v4 =	vand.u32 $0xC00, v5  }
0x3c1: {  	v3 =	vld.idx.msk [tilespmem:v3+s21+$0x0], $0xffff;
	v2 =	vor.u32 v4, v2  }
0x3c2: {  	v2 =	vor.u32 v1, v2  }
0x3c3: {  	s20 =	simm.s32 $0x11  }
0x3c4: {  	v4 =	vmov s20  }
0x3c5: {  	v5 =	vshll.u32 v4, $0x3  }
0x3c6: {  	[tilespmem:s24+$0xFFFFFFF0] =	vst v3;
	v3 =	vand.u32 $0x71, v4;
	v4 =	vand.u32 $0x7FFFFC00, v5  }
0x3c7: {  	v2 =	vld.idx.msk [tilespmem:v2+s21+$0x0], $0xffff;
	v3 =	vor.u32 v3, v4  }
0x3c8: {  	v3 =	vadd.s32 v1, v3  }
0x3c9: {  	s25 =	simm.s32 $0x12  }
0x3ca: {  	v4 =	vmov s25  }
0x3cb: {  	v5 =	vshll.u32 v4, $0x3  }
0x3cc: {  	[tilespmem:s24+$0x0] =	vst v2;
	v2 =	vand.u32 $0x72, v4;
	v4 =	vand.u32 $0x7FFFFC00, v5  }
0x3cd: {  	v3 =	vld.idx.msk [tilespmem:v3+s21+$0x0], $0xffff;
	v2 =	vor.u32 v2, v4  }
0x3ce: {  	v2 =	vadd.s32 v1, v2  }
0x3cf: {  	s26 =	simm.s32 $0x13  }
0x3d0: {  	v4 =	vmov s26  }
0x3d1: {  	v5 =	vshll.u32 v4, $0x3  }
0x3d2: {  	[tilespmem:s24+$0x10] =	vst v3;
	v3 =	vand.u32 $0x73, v4;
	v4 =	vand.u32 $0x7FFFFC00, v5  }
0x3d3: {  	v2 =	vld.idx.msk [tilespmem:v2+s21+$0x0], $0xffff;
	v3 =	vor.u32 v3, v4  }
0x3d4: {  	v3 =	vadd.s32 v1, v3  }
0x3d5: {  	s28 =	simm.s32 $0x14  }
0x3d6: {  	v4 =	vmov s28  }
0x3d7: {  	v5 =	vshll.u32 v4, $0x3  }
0x3d8: {  	[tilespmem:s24+$0x20] =	vst v2;
	v2 =	vand.u32 $0x74, v4;
	v4 =	vand.u32 $0x7FFFFC00, v5  }
0x3d9: {  	v3 =	vld.idx.msk [tilespmem:v3+s21+$0x0], $0xffff;
	v2 =	vor.u32 v2, v4  }
0x3da: {  	v2 =	vadd.s32 v1, v2  }
0x3db: {  	s29 =	simm.s32 $0x15  }
0x3dc: {  	v4 =	vmov s29  }
0x3dd: {  	v5 =	vshll.u32 v4, $0x3  }
0x3de: {  	[tilespmem:s24+$0x30] =	vst v3;
	v3 =	vand.u32 $0x75, v4;
	v4 =	vand.u32 $0x7FFFFC00, v5  }
0x3df: {  	v2 =	vld.idx.msk [tilespmem:v2+s21+$0x0], $0xffff;
	v3 =	vor.u32 v3, v4  }
0x3e0: {  	v3 =	vadd.s32 v1, v3  }
0x3e1: {  	s30 =	simm.s32 $0x16  }
0x3e2: {  	v4 =	vmov s30  }
0x3e3: {  	v5 =	vshll.u32 v4, $0x3  }
0x3e4: {  	[tilespmem:s24+$0x40] =	vst v2;
	v2 =	vand.u32 $0x76, v4;
	v4 =	vand.u32 $0x7FFFFC00, v5  }
0x3e5: {  	v3 =	vld.idx.msk [tilespmem:v3+s21+$0x0], $0xffff;
	v2 =	vor.u32 v2, v4  }
0x3e6: {  	v2 =	vadd.s32 v1, v2  }
0x3e7: {  	s31 =	simm.s32 $0x17  }
0x3e8: {  	v4 =	vmov s31  }
0x3e9: {  	v5 =	vshll.u32 v4, $0x3  }
0x3ea: {  	[tilespmem:s24+$0x50] =	vst v3;
	v3 =	vand.u32 $0x77, v4;
	v4 =	vand.u32 $0x7FFFFC00, v5  }
0x3eb: {  	v2 =	vld.idx.msk [tilespmem:v2+s21+$0x0], $0xffff;
	v3 =	vor.u32 v3, v4  }
0x3ec: {  	v3 =	vadd.s32 v1, v3  }
0x3ed: {  	s2 =	simm.s32 $0x18  }
0x3ee: {  	v4 =	vmov s2  }
0x3ef: {  	v5 =	vshll.u32 v4, $0x3  }
0x3f0: {  	[tilespmem:s24+$0x60] =	vst v2;
	v2 =	vand.u32 $0x78, v4;
	v4 =	vand.u32 $0xC00, v5  }
0x3f1: {  	v3 =	vld.idx.msk [tilespmem:v3+s21+$0x0], $0xffff;
	v2 =	vor.u32 v4, v2  }
0x3f2: {  	v2 =	vor.u32 v1, v2  }
0x3f3: {  	s20 =	simm.s32 $0x19  }
0x3f4: {  	v4 =	vmov s20  }
0x3f5: {  	v5 =	vshll.u32 v4, $0x3  }
0x3f6: {  	[tilespmem:s24+$0x70] =	vst v3;
	v3 =	vand.u32 $0x79, v4;
	v4 =	vand.u32 $0x7FFFFC00, v5  }
0x3f7: {  	v2 =	vld.idx.msk [tilespmem:v2+s21+$0x0], $0xffff;
	v3 =	vor.u32 v3, v4  }
0x3f8: {  	v3 =	vadd.s32 v1, v3  }
0x3f9: {  	s25 =	simm.s32 $0x1A  }
0x3fa: {  	v4 =	vmov s25  }
0x3fb: {  	v5 =	vshll.u32 v4, $0x3  }
0x3fc: {  	[tilespmem:s24+$0x80] =	vst v2;
	v2 =	vand.u32 $0x7A, v4;
	v4 =	vand.u32 $0x7FFFFC00, v5  }
0x3fd: {  	v3 =	vld.idx.msk [tilespmem:v3+s21+$0x0], $0xffff;
	v2 =	vor.u32 v2, v4  }
0x3fe: {  	v2 =	vadd.s32 v1, v2  }
0x3ff: {  	s26 =	simm.s32 $0x1B  }
0x400: {  	v4 =	vmov s26  }
0x401: {  	v5 =	vshll.u32 v4, $0x3  }
0x402: {  	[tilespmem:s24+$0x90] =	vst v3;
	v3 =	vand.u32 $0x7B, v4;
	v4 =	vand.u32 $0x7FFFFC00, v5  }
0x403: {  	v2 =	vld.idx.msk [tilespmem:v2+s21+$0x0], $0xffff;
	v3 =	vor.u32 v3, v4  }
0x404: {  	v3 =	vadd.s32 v1, v3  }
0x405: {  	s28 =	simm.s32 $0x1C  }
0x406: {  	v4 =	vmov s28  }
0x407: {  	v5 =	vshll.u32 v4, $0x3  }
0x408: {  	[tilespmem:s24+$0xA0] =	vst v2;
	v2 =	vand.u32 $0x7C, v4;
	v4 =	vand.u32 $0x7FFFFC00, v5  }
0x409: {  	v3 =	vld.idx.msk [tilespmem:v3+s21+$0x0], $0xffff;
	v2 =	vor.u32 v2, v4  }
0x40a: {  	v2 =	vadd.s32 v1, v2  }
0x40b: {  	s29 =	simm.s32 $0x1D  }
0x40c: {  	v4 =	vmov s29  }
0x40d: {  	v5 =	vshll.u32 v4, $0x3  }
0x40e: {  	[tilespmem:s24+$0xB0] =	vst v3;
	v3 =	vand.u32 $0x7D, v4;
	v4 =	vand.u32 $0x7FFFFC00, v5  }
0x40f: {  	v2 =	vld.idx.msk [tilespmem:v2+s21+$0x0], $0xffff;
	v3 =	vor.u32 v3, v4  }
0x410: {  	v3 =	vadd.s32 v1, v3  }
0x411: {  	s30 =	simm.s32 $0x1E  }
0x412: {  	v4 =	vmov s30  }
0x413: {  	v5 =	vshll.u32 v4, $0x3  }
0x414: {  	[tilespmem:s24+$0xC0] =	vst v2;
	v2 =	vand.u32 $0x7E, v4;
	v4 =	vand.u32 $0x7FFFFC00, v5  }
0x415: {  	v3 =	vld.idx.msk [tilespmem:v3+s21+$0x0], $0xffff;
	v2 =	vor.u32 v2, v4  }
0x416: {  	v2 =	vadd.s32 v1, v2  }
0x417: {  	s31 =	simm.s32 $0x1F  }
0x418: {  	v4 =	vmov s31  }
0x419: {  	v5 =	vshll.u32 v4, $0x3  }
0x41a: {  	v4 =	vand.u32 $0x7F, v4;
	v5 =	vand.u32 $0x7FFFFC00, v5;
	[tilespmem:s24+$0xD0] =	vst v3  }
0x41b: {  	v3 =	vor.u32 v4, v5;
	v2 =	vld.idx.msk [tilespmem:v2+s21+$0x0], $0xffff  }
0x41c: {  	v3 =	vadd.s32 v1, v3  }
0x41d: {  	s25 =	simm.s32 $0x0;
	s26 =	simm.s32 $0x3F  }
.LBB2_13:
0x41e: {  	s1 =	sadd.s32 $0xFFFFFFE1, s26;
	s25 =	sadd.s32 $0x4, s25  }
0x41f: {  	v4 =	vmov s1;
	p1 =	slt.u32 s25, $0x3C  }
0x420: {  	v5 =	vshll.u32 v4, $0x3;
	[tilespmem:s24+$0xE0] =	vst v2  }
0x421: {  	v2 =	vand.u32 $0x60, v4;
	v4 =	vand.u32 $0xC00, v5;
	v3 =	vld.idx.msk [tilespmem:v3+s21+$0x0], $0xffff  }
0x422: {  	v2 =	vor.u32 v4, v2  }
0x423: {  	v2 =	vor.u32 v1, v2;
	_ =	sdelay $0x1  }
0x424: {  	s1 =	sadd.s32 $0xFFFFFFE2, s26  }
0x425: {  	v4 =	vmov s1  }
0x426: {  	v5 =	vshll.u32 v4, $0x3;
	[tilespmem:s24+$0xF0] =	vst v3  }
0x427: {  	v3 =	vand.u32 $0x61, v4;
	v4 =	vand.u32 $0xC00, v5;
	v2 =	vld.idx.msk [tilespmem:v2+s21+$0x0], $0xffff  }
0x428: {  	v3 =	vor.u32 v4, v3  }
0x429: {  	v3 =	vor.u32 v1, v3;
	_ =	sdelay $0x1  }
0x42a: {  	s1 =	sadd.s32 $0xFFFFFFE3, s26  }
0x42b: {  	s24 =	sadd.s32 $0x200, s24;
	v4 =	vmov s1  }
0x42c: {  	[tilespmem:s24+$0xFFFFFF00] =	vst v2;
	v2 =	vshll.u32 v4, $0x3  }
0x42d: {  	v4 =	vand.u32 $0x62, v4;
	v3 =	vld.idx.msk [tilespmem:v3+s21+$0x0], $0xffff;
	v2 =	vand.u32 $0xC00, v2  }
0x42e: {  	v2 =	vor.u32 v2, v4  }
0x42f: {  	v2 =	vor.u32 v1, v2;
	_ =	sdelay $0x1  }
0x430: {  	s1 =	sadd.s32 $0xFFFFFFE4, s26  }
0x431: {  	v4 =	vmov s1  }
0x432: {  	[tilespmem:s24+$0xFFFFFF10] =	vst v3;
	v3 =	vshll.u32 v4, $0x3  }
0x433: {  	v4 =	vand.u32 $0x63, v4;
	v2 =	vld.idx.msk [tilespmem:v2+s21+$0x0], $0xffff;
	v3 =	vand.u32 $0xC00, v3  }
0x434: {  	v3 =	vor.u32 v3, v4  }
0x435: {  	v3 =	vor.u32 v1, v3;
	_ =	sdelay $0x1  }
0x436: {  	s1 =	sadd.s32 $0xFFFFFFE5, s26  }
0x437: {  	v4 =	vmov s1  }
0x438: {  	[tilespmem:s24+$0xFFFFFF20] =	vst v2;
	v2 =	vshll.u32 v4, $0x3  }
0x439: {  	v4 =	vand.u32 $0x64, v4;
	v3 =	vld.idx.msk [tilespmem:v3+s21+$0x0], $0xffff;
	v2 =	vand.u32 $0xC00, v2  }
0x43a: {  	v2 =	vor.u32 v2, v4  }
0x43b: {  	v2 =	vor.u32 v1, v2;
	_ =	sdelay $0x1  }
0x43c: {  	s1 =	sadd.s32 $0xFFFFFFE6, s26  }
0x43d: {  	v4 =	vmov s1  }
0x43e: {  	[tilespmem:s24+$0xFFFFFF30] =	vst v3;
	v3 =	vshll.u32 v4, $0x3  }
0x43f: {  	v4 =	vand.u32 $0x65, v4;
	v2 =	vld.idx.msk [tilespmem:v2+s21+$0x0], $0xffff;
	v3 =	vand.u32 $0xC00, v3  }
0x440: {  	v3 =	vor.u32 v3, v4  }
0x441: {  	v3 =	vor.u32 v1, v3;
	_ =	sdelay $0x1  }
0x442: {  	s1 =	sadd.s32 $0xFFFFFFE7, s26  }
0x443: {  	v4 =	vmov s1  }
0x444: {  	[tilespmem:s24+$0xFFFFFF40] =	vst v2;
	v2 =	vshll.u32 v4, $0x3  }
0x445: {  	v4 =	vand.u32 $0x66, v4;
	v3 =	vld.idx.msk [tilespmem:v3+s21+$0x0], $0xffff;
	v2 =	vand.u32 $0xC00, v2  }
0x446: {  	v2 =	vor.u32 v2, v4  }
0x447: {  	v2 =	vor.u32 v1, v2;
	_ =	sdelay $0x1  }
0x448: {  	s1 =	sadd.s32 $0xFFFFFFE8, s26  }
0x449: {  	v4 =	vmov s1  }
0x44a: {  	[tilespmem:s24+$0xFFFFFF50] =	vst v3;
	v3 =	vshll.u32 v4, $0x3  }
0x44b: {  	v4 =	vand.u32 $0x67, v4;
	v2 =	vld.idx.msk [tilespmem:v2+s21+$0x0], $0xffff;
	v3 =	vand.u32 $0xC00, v3  }
0x44c: {  	v3 =	vor.u32 v3, v4  }
0x44d: {  	v3 =	vor.u32 v1, v3;
	_ =	sdelay $0x1  }
0x44e: {  	s1 =	sadd.s32 $0xFFFFFFE9, s26  }
0x44f: {  	v4 =	vmov s1  }
0x450: {  	[tilespmem:s24+$0xFFFFFF60] =	vst v2;
	v2 =	vshll.u32 v4, $0x3  }
0x451: {  	v4 =	vand.u32 $0x68, v4;
	v3 =	vld.idx.msk [tilespmem:v3+s21+$0x0], $0xffff;
	v2 =	vand.u32 $0xC00, v2  }
0x452: {  	v2 =	vor.u32 v2, v4  }
0x453: {  	v2 =	vor.u32 v1, v2;
	_ =	sdelay $0x1  }
0x454: {  	s1 =	sadd.s32 $0xFFFFFFEA, s26  }
0x455: {  	v4 =	vmov s1  }
0x456: {  	[tilespmem:s24+$0xFFFFFF70] =	vst v3;
	v3 =	vshll.u32 v4, $0x3  }
0x457: {  	v4 =	vand.u32 $0x69, v4;
	v2 =	vld.idx.msk [tilespmem:v2+s21+$0x0], $0xffff;
	v3 =	vand.u32 $0x7FFFFC00, v3  }
0x458: {  	v3 =	vor.u32 v4, v3  }
0x459: {  	v3 =	vadd.s32 v1, v3;
	_ =	sdelay $0x1  }
0x45a: {  	s1 =	sadd.s32 $0xFFFFFFEB, s26  }
0x45b: {  	v4 =	vmov s1  }
0x45c: {  	[tilespmem:s24+$0xFFFFFF80] =	vst v2;
	v2 =	vshll.u32 v4, $0x3  }
0x45d: {  	v4 =	vand.u32 $0x6A, v4;
	v3 =	vld.idx.msk [tilespmem:v3+s21+$0x0], $0xffff;
	v2 =	vand.u32 $0x7FFFFC00, v2  }
0x45e: {  	v2 =	vor.u32 v4, v2  }
0x45f: {  	v2 =	vadd.s32 v1, v2;
	_ =	sdelay $0x1  }
0x460: {  	s1 =	sadd.s32 $0xFFFFFFEC, s26  }
0x461: {  	v4 =	vmov s1  }
0x462: {  	[tilespmem:s24+$0xFFFFFF90] =	vst v3;
	v3 =	vshll.u32 v4, $0x3  }
0x463: {  	v4 =	vand.u32 $0x6B, v4;
	v2 =	vld.idx.msk [tilespmem:v2+s21+$0x0], $0xffff;
	v3 =	vand.u32 $0x7FFFFC00, v3  }
0x464: {  	v3 =	vor.u32 v4, v3  }
0x465: {  	v3 =	vadd.s32 v1, v3;
	_ =	sdelay $0x1  }
0x466: {  	s1 =	sadd.s32 $0xFFFFFFED, s26  }
0x467: {  	v4 =	vmov s1  }
0x468: {  	[tilespmem:s24+$0xFFFFFFA0] =	vst v2;
	v2 =	vshll.u32 v4, $0x3  }
0x469: {  	v4 =	vand.u32 $0x6C, v4;
	v3 =	vld.idx.msk [tilespmem:v3+s21+$0x0], $0xffff;
	v2 =	vand.u32 $0x7FFFFC00, v2  }
0x46a: {  	v2 =	vor.u32 v4, v2  }
0x46b: {  	v2 =	vadd.s32 v1, v2;
	_ =	sdelay $0x1  }
0x46c: {  	s1 =	sadd.s32 $0xFFFFFFEE, s26  }
0x46d: {  	v4 =	vmov s1  }
0x46e: {  	[tilespmem:s24+$0xFFFFFFB0] =	vst v3;
	v3 =	vshll.u32 v4, $0x3  }
0x46f: {  	v4 =	vand.u32 $0x6D, v4;
	v2 =	vld.idx.msk [tilespmem:v2+s21+$0x0], $0xffff;
	v3 =	vand.u32 $0x7FFFFC00, v3  }
0x470: {  	v3 =	vor.u32 v4, v3  }
0x471: {  	v3 =	vadd.s32 v1, v3;
	_ =	sdelay $0x1  }
0x472: {  	s1 =	sadd.s32 $0xFFFFFFEF, s26  }
0x473: {  	v4 =	vmov s1  }
0x474: {  	[tilespmem:s24+$0xFFFFFFC0] =	vst v2;
	v2 =	vshll.u32 v4, $0x3  }
0x475: {  	v4 =	vand.u32 $0x6E, v4;
	v3 =	vld.idx.msk [tilespmem:v3+s21+$0x0], $0xffff;
	v2 =	vand.u32 $0x7FFFFC00, v2  }
0x476: {  	v2 =	vor.u32 v4, v2  }
0x477: {  	v2 =	vadd.s32 v1, v2;
	_ =	sdelay $0x1  }
0x478: {  	s1 =	sadd.s32 $0xFFFFFFF0, s26  }
0x479: {  	v4 =	vmov s1  }
0x47a: {  	[tilespmem:s24+$0xFFFFFFD0] =	vst v3;
	v3 =	vshll.u32 v4, $0x3  }
0x47b: {  	v4 =	vand.u32 $0x6F, v4;
	v2 =	vld.idx.msk [tilespmem:v2+s21+$0x0], $0xffff;
	v3 =	vand.u32 $0x7FFFFC00, v3  }
0x47c: {  	v3 =	vor.u32 v4, v3  }
0x47d: {  	v3 =	vadd.s32 v1, v3;
	_ =	sdelay $0x1  }
0x47e: {  	s1 =	sadd.s32 $0xFFFFFFF1, s26  }
0x47f: {  	v4 =	vmov s1  }
0x480: {  	[tilespmem:s24+$0xFFFFFFE0] =	vst v2;
	v2 =	vshll.u32 v4, $0x3  }
0x481: {  	v4 =	vand.u32 $0x70, v4;
	v3 =	vld.idx.msk [tilespmem:v3+s21+$0x0], $0xffff;
	v2 =	vand.u32 $0xC00, v2  }
0x482: {  	v2 =	vor.u32 v2, v4  }
0x483: {  	v2 =	vor.u32 v1, v2;
	_ =	sdelay $0x1  }
0x484: {  	s1 =	sadd.s32 $0xFFFFFFF2, s26  }
0x485: {  	v4 =	vmov s1  }
0x486: {  	[tilespmem:s24+$0xFFFFFFF0] =	vst v3;
	v3 =	vshll.u32 v4, $0x3  }
0x487: {  	v4 =	vand.u32 $0x71, v4;
	v2 =	vld.idx.msk [tilespmem:v2+s21+$0x0], $0xffff;
	v3 =	vand.u32 $0x7FFFFC00, v3  }
0x488: {  	v3 =	vor.u32 v4, v3  }
0x489: {  	v3 =	vadd.s32 v1, v3;
	_ =	sdelay $0x1  }
0x48a: {  	s1 =	sadd.s32 $0xFFFFFFF3, s26  }
0x48b: {  	v4 =	vmov s1  }
0x48c: {  	[tilespmem:s24+$0x0] =	vst v2;
	v2 =	vshll.u32 v4, $0x3  }
0x48d: {  	v4 =	vand.u32 $0x72, v4;
	v3 =	vld.idx.msk [tilespmem:v3+s21+$0x0], $0xffff;
	v2 =	vand.u32 $0x7FFFFC00, v2  }
0x48e: {  	v2 =	vor.u32 v4, v2  }
0x48f: {  	v2 =	vadd.s32 v1, v2;
	_ =	sdelay $0x1  }
0x490: {  	s1 =	sadd.s32 $0xFFFFFFF4, s26  }
0x491: {  	v4 =	vmov s1  }
0x492: {  	[tilespmem:s24+$0x10] =	vst v3;
	v3 =	vshll.u32 v4, $0x3  }
0x493: {  	v4 =	vand.u32 $0x73, v4;
	v2 =	vld.idx.msk [tilespmem:v2+s21+$0x0], $0xffff;
	v3 =	vand.u32 $0x7FFFFC00, v3  }
0x494: {  	v3 =	vor.u32 v4, v3  }
0x495: {  	v3 =	vadd.s32 v1, v3;
	_ =	sdelay $0x1  }
0x496: {  	s1 =	sadd.s32 $0xFFFFFFF5, s26  }
0x497: {  	v4 =	vmov s1  }
0x498: {  	[tilespmem:s24+$0x20] =	vst v2;
	v2 =	vshll.u32 v4, $0x3  }
0x499: {  	v4 =	vand.u32 $0x74, v4;
	v3 =	vld.idx.msk [tilespmem:v3+s21+$0x0], $0xffff;
	v2 =	vand.u32 $0x7FFFFC00, v2  }
0x49a: {  	v2 =	vor.u32 v4, v2  }
0x49b: {  	v2 =	vadd.s32 v1, v2;
	_ =	sdelay $0x1  }
0x49c: {  	s1 =	sadd.s32 $0xFFFFFFF6, s26  }
0x49d: {  	v4 =	vmov s1  }
0x49e: {  	[tilespmem:s24+$0x30] =	vst v3;
	v3 =	vshll.u32 v4, $0x3  }
0x49f: {  	v4 =	vand.u32 $0x75, v4;
	v2 =	vld.idx.msk [tilespmem:v2+s21+$0x0], $0xffff;
	v3 =	vand.u32 $0x7FFFFC00, v3  }
0x4a0: {  	v3 =	vor.u32 v4, v3  }
0x4a1: {  	v3 =	vadd.s32 v1, v3;
	_ =	sdelay $0x1  }
0x4a2: {  	s1 =	sadd.s32 $0xFFFFFFF7, s26  }
0x4a3: {  	v4 =	vmov s1  }
0x4a4: {  	[tilespmem:s24+$0x40] =	vst v2;
	v2 =	vshll.u32 v4, $0x3  }
0x4a5: {  	v4 =	vand.u32 $0x76, v4;
	v3 =	vld.idx.msk [tilespmem:v3+s21+$0x0], $0xffff;
	v2 =	vand.u32 $0x7FFFFC00, v2  }
0x4a6: {  	v2 =	vor.u32 v4, v2  }
0x4a7: {  	v2 =	vadd.s32 v1, v2;
	_ =	sdelay $0x1  }
0x4a8: {  	s1 =	sadd.s32 $0xFFFFFFF8, s26  }
0x4a9: {  	v4 =	vmov s1  }
0x4aa: {  	[tilespmem:s24+$0x50] =	vst v3;
	v3 =	vshll.u32 v4, $0x3  }
0x4ab: {  	v4 =	vand.u32 $0x77, v4;
	v2 =	vld.idx.msk [tilespmem:v2+s21+$0x0], $0xffff;
	v3 =	vand.u32 $0x7FFFFC00, v3  }
0x4ac: {  	v3 =	vor.u32 v4, v3  }
0x4ad: {  	v3 =	vadd.s32 v1, v3;
	_ =	sdelay $0x1  }
0x4ae: {  	s1 =	sadd.s32 $0xFFFFFFF9, s26  }
0x4af: {  	v4 =	vmov s1  }
0x4b0: {  	[tilespmem:s24+$0x60] =	vst v2;
	v2 =	vshll.u32 v4, $0x3  }
0x4b1: {  	v4 =	vand.u32 $0x78, v4;
	v3 =	vld.idx.msk [tilespmem:v3+s21+$0x0], $0xffff;
	v2 =	vand.u32 $0xC00, v2  }
0x4b2: {  	v2 =	vor.u32 v2, v4  }
0x4b3: {  	v2 =	vor.u32 v1, v2;
	_ =	sdelay $0x1  }
0x4b4: {  	s1 =	sadd.s32 $0xFFFFFFFA, s26  }
0x4b5: {  	v4 =	vmov s1  }
0x4b6: {  	[tilespmem:s24+$0x70] =	vst v3;
	v3 =	vshll.u32 v4, $0x3  }
0x4b7: {  	v4 =	vand.u32 $0x79, v4;
	v2 =	vld.idx.msk [tilespmem:v2+s21+$0x0], $0xffff;
	v3 =	vand.u32 $0x7FFFFC00, v3  }
0x4b8: {  	v3 =	vor.u32 v4, v3  }
0x4b9: {  	v3 =	vadd.s32 v1, v3;
	_ =	sdelay $0x1  }
0x4ba: {  	s1 =	sadd.s32 $0xFFFFFFFB, s26  }
0x4bb: {  	v4 =	vmov s1  }
0x4bc: {  	[tilespmem:s24+$0x80] =	vst v2;
	v2 =	vshll.u32 v4, $0x3  }
0x4bd: {  	v4 =	vand.u32 $0x7A, v4;
	v3 =	vld.idx.msk [tilespmem:v3+s21+$0x0], $0xffff;
	v2 =	vand.u32 $0x7FFFFC00, v2  }
0x4be: {  	v2 =	vor.u32 v4, v2  }
0x4bf: {  	v2 =	vadd.s32 v1, v2;
	_ =	sdelay $0x1  }
0x4c0: {  	s1 =	sadd.s32 $0xFFFFFFFC, s26  }
0x4c1: {  	v4 =	vmov s1  }
0x4c2: {  	[tilespmem:s24+$0x90] =	vst v3;
	v3 =	vshll.u32 v4, $0x3  }
0x4c3: {  	v4 =	vand.u32 $0x7B, v4;
	v2 =	vld.idx.msk [tilespmem:v2+s21+$0x0], $0xffff;
	v3 =	vand.u32 $0x7FFFFC00, v3  }
0x4c4: {  	v3 =	vor.u32 v4, v3  }
0x4c5: {  	v3 =	vadd.s32 v1, v3;
	_ =	sdelay $0x1  }
0x4c6: {  	s1 =	sadd.s32 $0xFFFFFFFD, s26  }
0x4c7: {  	v4 =	vmov s1  }
0x4c8: {  	[tilespmem:s24+$0xA0] =	vst v2;
	v2 =	vshll.u32 v4, $0x3  }
0x4c9: {  	v4 =	vand.u32 $0x7C, v4;
	v3 =	vld.idx.msk [tilespmem:v3+s21+$0x0], $0xffff;
	v2 =	vand.u32 $0x7FFFFC00, v2  }
0x4ca: {  	v2 =	vor.u32 v4, v2  }
0x4cb: {  	v2 =	vadd.s32 v1, v2;
	_ =	sdelay $0x1  }
0x4cc: {  	s1 =	sadd.s32 $0xFFFFFFFE, s26  }
0x4cd: {  	v4 =	vmov s1  }
0x4ce: {  	[tilespmem:s24+$0xB0] =	vst v3;
	v3 =	vshll.u32 v4, $0x3  }
0x4cf: {  	v4 =	vand.u32 $0x7D, v4;
	v2 =	vld.idx.msk [tilespmem:v2+s21+$0x0], $0xffff;
	v3 =	vand.u32 $0x7FFFFC00, v3  }
0x4d0: {  	v3 =	vor.u32 v4, v3  }
0x4d1: {  	v3 =	vadd.s32 v1, v3;
	_ =	sdelay $0x1  }
0x4d2: {  	s1 =	sadd.s32 $0xFFFFFFFF, s26  }
0x4d3: {  	v4 =	vmov s1  }
0x4d4: {  	[tilespmem:s24+$0xC0] =	vst v2;
	v2 =	vshll.u32 v4, $0x3  }
0x4d5: {  	v4 =	vand.u32 $0x7E, v4;
	v3 =	vld.idx.msk [tilespmem:v3+s21+$0x0], $0xffff;
	v2 =	vand.u32 $0x7FFFFC00, v2  }
0x4d6: {  	v2 =	vor.u32 v4, v2  }
0x4d7: {  	v2 =	vadd.s32 v1, v2;
	_ =	sdelay $0x2  }
0x4d8: {  	v4 =	vmov s26  }
.Ltmp10:
0x4d9: {  	[tilespmem:s24+$0xD0] =	vst v3;
	v3 =	vshll.u32 v4, $0x3;
	(pc) =	sbr.rel @p1 .LBB2_13-.Ltmp10, $4  }
0x4da: {  	v4 =	vand.u32 $0x7F, v4;
	v2 =	vld.idx.msk [tilespmem:v2+s21+$0x0], $0xffff;
	v3 =	vand.u32 $0x7FFFFC00, v3  }
0x4db: {  	v3 =	vor.u32 v4, v3  }
0x4dc: {  	v3 =	vadd.s32 v1, v3  }
0x4dd: {  	s26 =	sadd.s32 $0x20, s26  }
0x4de: {  	_ =	sdelay $0x2  }
0x4df: {  	[tilespmem:s24+$0xE0] =	vst v2  }
0x4e0: {  	v2 =	vld.idx.msk [tilespmem:v3+s21+$0x0], $0xffff;
	_ =	sdelay $0x4  }
0x4e1: {  	[tilespmem:s24+$0xF0] =	vst v2  }
0x4e2: {  	[hbm4b:s8+s5] =	stream.linear.scatter [tilespmem:s15], [sflag:$0x3], $0x2000, $0x38;
	[tilespmem:$0xE400] =	vst v63  }
0x4e3: {  	_ =	swait.ge [sflag:s19], $0x2000  }
0x4e4: {  	[sflag:s19] =	ssyncset.done $0x0  }
0x4e5: {  	[sflag:s19] =	ssyncadd.s32 $0xFFFFE000  }
0x4e6: {  	[tilespmem:s22], [sflag:$0x3] =	stream.linear.gather [hbm4b:s9+s5], $0x400, $0x38;
	[tilespmem:$0xE400] =	vst v63  }
0x4e7: {  	_ =	swait.ge [sflag:s19], $0x400  }
0x4e8: {  	[sflag:s19] =	ssyncset.done $0x0  }
.Ltmp11:
0x4e9: {  	[sflag:s19] =	ssyncadd.s32 $0xFFFFFC00;
	(pc) =	sbr.rel .LBB2_15-.Ltmp11, $4  }
0x4ea: {  	[hbm4b:s10+s5] =	stream.linear.scatter [tilespmem:s22], [sflag:$0x3], $0x400, $0x38;
	[tilespmem:$0xE400] =	vst v63  }
0x4eb: {  	_ =	swait.ge [sflag:s19], $0x400  }
0x4ec: {  	[sflag:s19] =	ssyncset.done $0x0  }
0x4ed: {  	[sflag:s19] =	ssyncadd.s32 $0xFFFFFC00  }
.LBB2_16:
0x4ee: {  	_ =	sfence.sel $0x180000  }
0x4ef: {  	[bflag:$0x0] =	sbarrier.arrive $0xFFFF  }
0x4f0: {  	_ =	strace $0x90000047  }
0x4f1: {  	s0 =	stileid.u32;
	[bflag:$0x2] =	sbarrier.arrive $0xFFFF  }
0x4f2: {  	p0 =	sne.s32 s0, $0x0;
	s0 =	rddreg [dreg:$0x3]  }
0x4f3: {  	s0 =	sadd.s32 @!p0 $0x100000, s0  }
0x4f4: {  	[sflag:s0] =	ssyncadd.tile.s32 @!p0 $0x1;
	_ =	shalt  }
.Lfunc_end2:
_tile_overlayer_lowered:
.L_overlay_start_2:
0x4f5: {  	(tag) =	ssettag $0x2  }
0x4f6: {  	s0 =	rddreg [dreg:$0x0];
	s2 =	stileid.u32  }
0x4f7: {  	s1 =	rddreg [dreg:$0x1];
	p0 =	sne.s32 s2, $0x0  }
0x4f8: {  	s3 =	rddreg [dreg:$0x2];
	[bflag:$0x3] =	sbarrier.arrive $0xFFFF;
	s2 =	simm.s32 @!p0 $0x1C03  }
0x4f9: {  	[timem:s3], [sflag:s2] =	dma.local @!p0 [hbm:s0], s1  }
0x4fa: {  	s0 =	simm.s32 @!p0 $0x3  }
0x4fb: {  	_ =	swait.ge @!p0 [sflag:s0], s1  }
0x4fc: {  	s1 =	ssub.s32 @!p0 $0x0, s1;
	[sflag:s0] =	ssyncset.done @!p0 $0x0  }
0x4fd: {  	[sflag:s0] =	ssyncadd.s32 @!p0 s1  }
0x4fe: {  	[bflag:$0x3] =	sbarrier.arrive $0xFFFF  }
0x4ff: {  	_ =	shalt  }

</sc_bundles>
